<compile_context>
chip_gen: v7x
topology: tpu7x:2x2x1
jax: 0.10.2.dev20260603
libtpu: 0.0.44.dev20260713+nightly
codegen_flags: <defaults>
</compile_context>

<pallas_src>
import functools

import jax
import jax.numpy as jnp
from jax import lax
from jax.experimental import pallas as pl
from jax.experimental.pallas import tpu as pltpu
from jax.experimental.pallas import tpu_sc as plsc

N_ROWS = 16384
N_ATTR = 26
D = 64
B = N_ROWS * N_ATTR
V = 1000000

NUM_CORES = 2
NUM_SUBCORES = 16
NW = NUM_CORES * NUM_SUBCORES

PAIR = 512
V_MAIN = (V // PAIR) * PAIR
V_TAIL = V - V_MAIN
TCOLS = 21 * PAIR
TSTEPS = V_MAIN // TCOLS


def _table_rm_body(tt_ref, out_ref):
    blk = tt_ref[...]
    eye = (
        lax.broadcasted_iota(jnp.int32, (D, D), 0)
        == lax.broadcasted_iota(jnp.int32, (D, D), 1)
    ).astype(jnp.float32)
    for c in range(TCOLS // PAIR):
        sub = blk[:, c * PAIR : (c + 1) * PAIR]
        hi = sub.astype(jnp.bfloat16).astype(jnp.float32)
        lo = sub - hi
        dims = (((0,), (0,)), ((), ()))
        t = lax.dot_general(hi, eye, dims) + lax.dot_general(lo, eye, dims)
        out_ref[c * (PAIR // 2) : (c + 1) * (PAIR // 2), :] = jnp.concatenate(
            [t[: PAIR // 2], t[PAIR // 2 :]], axis=1
        )


_table_rm_kernel = pl.pallas_call(
    _table_rm_body,
    grid=(TSTEPS,),
    in_specs=[pl.BlockSpec((D, TCOLS), lambda g: (0, g))],
    out_specs=pl.BlockSpec((TCOLS // 2, 2 * D), lambda g: (g, 0)),
    out_shape=jax.ShapeDtypeStruct((V // 2, 2 * D), jnp.float32),
)

CHUNK = 128
CHUNKS_TOTAL = B // CHUNK
CH_PER_W = CHUNKS_TOTAL // NW
NBUF = 8
ROUNDS = CH_PER_W // NBUF


@functools.partial(
    pl.kernel,
    mesh=plsc.VectorSubcoreMesh(core_axis_name="c", subcore_axis_name="s"),
    out_type=jax.ShapeDtypeStruct((B, D), jnp.float32),
    compiler_params=pltpu.CompilerParams(use_tc_tiling_on_sc=False),
    scratch_types=(
        [pltpu.VMEM((CH_PER_W, CHUNK), jnp.int32)]
        + [pltpu.VMEM((CHUNK, D), jnp.float32) for _ in range(NBUF)]
        + [pltpu.SemaphoreType.DMA for _ in range(2 * NBUF)]
    ),
)
def _gather_kernel(idx_hbm, table_hbm, out_hbm, idx_v, *bufs_and_sems):
    rows = bufs_and_sems[:NBUF]
    gsem = bufs_and_sems[NBUF : 2 * NBUF]
    ssem = bufs_and_sems[2 * NBUF : 3 * NBUF]

    wid = lax.axis_index("s") * NUM_CORES + lax.axis_index("c")
    chunk_base = wid * CH_PER_W

    pltpu.sync_copy(idx_hbm.at[pl.ds(chunk_base, CH_PER_W)], idx_v)

    def gather_start(j, b):
        pltpu.make_async_copy(
            table_hbm.at[idx_v.at[j]], rows[b], gsem[b]
        ).start()

    def gather_wait(j, b):
        pltpu.make_async_copy(
            table_hbm.at[idx_v.at[j]], rows[b], gsem[b]
        ).wait()

    def store_start(j, b):
        pltpu.make_async_copy(
            rows[b], out_hbm.at[pl.ds((chunk_base + j) * CHUNK, CHUNK)], ssem[b]
        ).start()

    def store_wait(j, b):
        pltpu.make_async_copy(
            rows[b], out_hbm.at[pl.ds((chunk_base + j) * CHUNK, CHUNK)], ssem[b]
        ).wait()

    for b in range(NBUF):
        gather_start(b, b)

    def round_body(g, carry):
        for b in range(NBUF):
            j = g * NBUF + b
            gather_wait(j, b)
            store_start(j, b)
        for b in range(NBUF):
            j = g * NBUF + b
            store_wait(j, b)
            gather_start(j + NBUF, b)
        return carry

    lax.fori_loop(0, ROUNDS - 1, round_body, 0)

    g = ROUNDS - 1
    for b in range(NBUF):
        j = g * NBUF + b
        gather_wait(j, b)
        store_start(j, b)
    for b in range(NBUF):
        j = g * NBUF + b
        store_wait(j, b)


IBLK = 128
OSTEPS = N_ROWS // IBLK


def _out_layout_body(rows_ref, idxt_ref, tail_ref, out_ref):
    g = pl.program_id(0)
    a2 = rows_ref[...]
    a3 = a2.reshape(IBLK, N_ATTR // 2, 2 * D)
    eye = (
        lax.broadcasted_iota(jnp.int32, (IBLK, IBLK), 0)
        == lax.broadcasted_iota(jnp.int32, (IBLK, IBLK), 1)
    ).astype(jnp.float32)
    riota = lax.broadcasted_iota(jnp.int32, (V_TAIL, IBLK), 0)
    tail = tail_ref[...]
    for j in range(N_ATTR):
        sel = a3[:, j // 2, (j % 2) * D : (j % 2) * D + D]
        hi = sel.astype(jnp.bfloat16).astype(jnp.float32)
        lo = sel - hi
        dims = (((0,), (0,)), ((), ()))
        t = lax.dot_general(hi, eye, dims) + lax.dot_general(lo, eye, dims)
        vj = idxt_ref[j, pl.ds(g, 1), :].reshape(1, IBLK) - V_MAIN
        onehot = (riota == jnp.broadcast_to(vj, (V_TAIL, IBLK))).astype(
            jnp.float32
        )
        fix = lax.dot_general(
            tail,
            onehot,
            (((0,), (0,)), ((), ())),
            precision=lax.Precision.HIGHEST,
        )
        mask = jnp.broadcast_to(vj >= 0, (D, IBLK))
        out_ref[j] = jnp.where(mask, fix, t)


_out_layout_kernel = pl.pallas_call(
    _out_layout_body,
    grid=(OSTEPS,),
    in_specs=[
        pl.BlockSpec((IBLK * N_ATTR // 2, 2 * D), lambda g: (g, 0)),
        pl.BlockSpec((N_ATTR, OSTEPS, IBLK), lambda g: (0, 0, 0)),
        pl.BlockSpec((V_TAIL, D), lambda g: (0, 0)),
    ],
    out_specs=pl.BlockSpec((N_ATTR, D, IBLK), lambda g: (0, 0, g)),
    out_shape=jax.ShapeDtypeStruct((N_ATTR, D, N_ROWS), jnp.float32),
)


def kernel(x, table):
    table_t = table.T
    rm2 = _table_rm_kernel(table_t)
    table_rm = rm2.reshape(V, D)
    v = x.reshape(CHUNKS_TOTAL, CHUNK).astype(jnp.int32)
    packed = ((v >> 9) << 9) + ((v & 255) << 1) + ((v >> 8) & 1)
    idx = jnp.where(v >= V_MAIN, v, packed)
    flat = _gather_kernel(idx, table_rm)
    tail = lax.slice(table, (V_MAIN, 0), (V, D))
    flat2 = flat.reshape(B // 2, 2 * D)
    idxt = idx.reshape(N_ROWS, N_ATTR).T.reshape(N_ATTR, OSTEPS, IBLK)
    planes = _out_layout_kernel(flat2, idxt, tail)
    return planes.transpose(2, 0, 1)

# --- scband reference (transcript-rebuilt; emitter-appended) ---
"""Pipeline reference for scband-attr-embedding-31928786878487 (READ-ONLY COPY).

The authoritative reference and input builder live on the scoring server;
editing this copy changes nothing except your own understanding.
"""

import jax, jax.numpy as jnp
import numpy as np


def setup_inputs(seed: int = 0) -> dict:
    key = jax.random.key(seed)
    k_idx, k_tab = jax.random.split(key)
    x = jax.random.randint(k_idx, (16384, 26), 0, 1000000, dtype=jnp.int64 if jax.config.jax_enable_x64 else jnp.int32)
    table = jax.random.normal(k_tab, (1000000, 64), dtype=jnp.float32) * 0.02
    return {"x": x, "table": table}


def reference(x, table):
    # AttrEmbedding.forward: nn.Embedding lookup -> gather rows of the table
    return jnp.take(table, x, axis=0)

if __name__ == "__main__":
    import jax
    _d = setup_inputs()
    print(jax.jit(kernel)(*tuple(_d.values())))

</pallas_src>

<mosaic_0001>
#map = affine_map<(d0, d1) -> (0, 0)>
module attributes {stable_mosaic.version = 14 : i64} {
  func.func @_gather_kernel(%arg0: i32, %arg1: i32, %arg2: memref<3328x128xi32, #tpu.memory_space<hbm>>, %arg3: memref<1000000x64xf32, #tpu.memory_space<hbm>>, %arg4: memref<425984x64xf32, #tpu.memory_space<hbm>>, %arg5: memref<104x128xi32, #tpu.memory_space<vmem>>, %arg6: memref<128x64xf32, #tpu.memory_space<vmem>>, %arg7: memref<128x64xf32, #tpu.memory_space<vmem>>, %arg8: memref<128x64xf32, #tpu.memory_space<vmem>>, %arg9: memref<128x64xf32, #tpu.memory_space<vmem>>, %arg10: memref<128x64xf32, #tpu.memory_space<vmem>>, %arg11: memref<128x64xf32, #tpu.memory_space<vmem>>, %arg12: memref<128x64xf32, #tpu.memory_space<vmem>>, %arg13: memref<128x64xf32, #tpu.memory_space<vmem>>, %arg14: memref<!tpu.dma_semaphore, #tpu.memory_space<semaphore_mem>>, %arg15: memref<!tpu.dma_semaphore, #tpu.memory_space<semaphore_mem>>, %arg16: memref<!tpu.dma_semaphore, #tpu.memory_space<semaphore_mem>>, %arg17: memref<!tpu.dma_semaphore, #tpu.memory_space<semaphore_mem>>, %arg18: memref<!tpu.dma_semaphore, #tpu.memory_space<semaphore_mem>>, %arg19: memref<!tpu.dma_semaphore, #tpu.memory_space<semaphore_mem>>, %arg20: memref<!tpu.dma_semaphore, #tpu.memory_space<semaphore_mem>>, %arg21: memref<!tpu.dma_semaphore, #tpu.memory_space<semaphore_mem>>, %arg22: memref<!tpu.dma_semaphore, #tpu.memory_space<semaphore_mem>>, %arg23: memref<!tpu.dma_semaphore, #tpu.memory_space<semaphore_mem>>, %arg24: memref<!tpu.dma_semaphore, #tpu.memory_space<semaphore_mem>>, %arg25: memref<!tpu.dma_semaphore, #tpu.memory_space<semaphore_mem>>, %arg26: memref<!tpu.dma_semaphore, #tpu.memory_space<semaphore_mem>>, %arg27: memref<!tpu.dma_semaphore, #tpu.memory_space<semaphore_mem>>, %arg28: memref<!tpu.dma_semaphore, #tpu.memory_space<semaphore_mem>>, %arg29: memref<!tpu.dma_semaphore, #tpu.memory_space<semaphore_mem>>) attributes {dimension_semantics = [#tpu.dimension_semantics<core_parallel>, #tpu.dimension_semantics<subcore_parallel>], iteration_bounds = array<i64: 2, 16>, scalar_prefetch = 0 : i64, scratch_operands = 25 : i64, tpu.core_type = #tpu.core_type<sc_vector_subcore>, window_params = [{transform_indices = #map}, {transform_indices = #map}, {transform_indices = #map}]} {
    %mul3A = arith.constant 2 : i32
    %mul3A_0 = arith.muli %arg1, %mul3A : i32
    %add3A = arith.addi %mul3A_0, %arg0 : i32
    %mul3A_1 = arith.constant 104 : i32
    %mul3A_2 = arith.muli %add3A, %mul3A_1 : i32
    "tpu.region"() ({
      %run_scoped3A = tpu.sem_alloc : memref<!tpu.dma_semaphore, #tpu.memory_space<semaphore_mem>>
      %dma_start3A_246 = arith.constant 0 : i32
      %dma_start3A_247 = tpu.memref_slice %arg2[%mul3A_2, %dma_start3A_246] : memref<3328x128xi32, #tpu.memory_space<hbm>> -> memref<104x128xi32, #tpu.memory_space<hbm>>
      %dma_start3A_248 = arith.constant 0 : i32
      %dma_start3A_249 = tpu.memref_slice %arg2[%mul3A_2, %dma_start3A_248] : memref<3328x128xi32, #tpu.memory_space<hbm>> -> memref<104x128xi32, #tpu.memory_space<hbm>>
      tpu.enqueue_dma source(%dma_start3A_249 : memref<104x128xi32, #tpu.memory_space<hbm>>) target(%arg5 : memref<104x128xi32, #tpu.memory_space<vmem>>) target_semaphore(%run_scoped3A : memref<!tpu.dma_semaphore, #tpu.memory_space<semaphore_mem>>)
      %dma_wait3A_250 = arith.constant 0 : i32
      %dma_wait3A_251 = tpu.memref_slice %arg2[%mul3A_2, %dma_wait3A_250] : memref<3328x128xi32, #tpu.memory_space<hbm>> -> memref<104x128xi32, #tpu.memory_space<hbm>>
      %dma_wait3A_252 = arith.constant 0 : i32
      %dma_wait3A_253 = tpu.memref_slice %arg2[%mul3A_2, %dma_wait3A_252] : memref<3328x128xi32, #tpu.memory_space<hbm>> -> memref<104x128xi32, #tpu.memory_space<hbm>>
      tpu.wait_dma2 semaphore(%run_scoped3A : memref<!tpu.dma_semaphore, #tpu.memory_space<semaphore_mem>>) src(%dma_wait3A_253 : memref<104x128xi32, #tpu.memory_space<hbm>>) dst(%arg5 : memref<104x128xi32, #tpu.memory_space<vmem>>)
      tpu.yield
    }) : () -> ()
    %dma_start3A = arith.constant 0 : i32
    %dma_start3A_3 = arith.constant 0 : i32
    %dma_start3A_4 = tpu.memref_slice %arg5[%dma_start3A, %dma_start3A_3] : memref<104x128xi32, #tpu.memory_space<vmem>> -> memref<1x128xi32, #tpu.memory_space<vmem>>
    %dma_start3A_5 = tpu.memref_squeeze %dma_start3A_4 : memref<1x128xi32, #tpu.memory_space<vmem>> -> memref<128xi32, #tpu.memory_space<vmem>>
    %dma_start3A_6 = arith.constant 0 : i32
    %dma_start3A_7 = arith.constant 0 : i32
    %dma_start3A_8 = tpu.memref_slice %arg3[%dma_start3A_6, %dma_start3A_7] : memref<1000000x64xf32, #tpu.memory_space<hbm>> -> memref<1000000x64xf32, #tpu.memory_space<hbm>>
    tpu.enqueue_indirect_dma source(%dma_start3A_8 : memref<1000000x64xf32, #tpu.memory_space<hbm>>) target(%arg6 : memref<128x64xf32, #tpu.memory_space<vmem>>) offsets(%dma_start3A_5 : memref<128xi32, #tpu.memory_space<vmem>>) semaphore(%arg14 : memref<!tpu.dma_semaphore, #tpu.memory_space<semaphore_mem>>)
    %dma_start3A_9 = arith.constant 1 : i32
    %dma_start3A_10 = arith.constant 0 : i32
    %dma_start3A_11 = tpu.memref_slice %arg5[%dma_start3A_9, %dma_start3A_10] : memref<104x128xi32, #tpu.memory_space<vmem>> -> memref<1x128xi32, #tpu.memory_space<vmem>>
    %dma_start3A_12 = tpu.memref_squeeze %dma_start3A_11 : memref<1x128xi32, #tpu.memory_space<vmem>> -> memref<128xi32, #tpu.memory_space<vmem>>
    %dma_start3A_13 = arith.constant 0 : i32
    %dma_start3A_14 = arith.constant 0 : i32
    %dma_start3A_15 = tpu.memref_slice %arg3[%dma_start3A_13, %dma_start3A_14] : memref<1000000x64xf32, #tpu.memory_space<hbm>> -> memref<1000000x64xf32, #tpu.memory_space<hbm>>
    tpu.enqueue_indirect_dma source(%dma_start3A_15 : memref<1000000x64xf32, #tpu.memory_space<hbm>>) target(%arg7 : memref<128x64xf32, #tpu.memory_space<vmem>>) offsets(%dma_start3A_12 : memref<128xi32, #tpu.memory_space<vmem>>) semaphore(%arg15 : memref<!tpu.dma_semaphore, #tpu.memory_space<semaphore_mem>>)
    %dma_start3A_16 = arith.constant 2 : i32
    %dma_start3A_17 = arith.constant 0 : i32
    %dma_start3A_18 = tpu.memref_slice %arg5[%dma_start3A_16, %dma_start3A_17] : memref<104x128xi32, #tpu.memory_space<vmem>> -> memref<1x128xi32, #tpu.memory_space<vmem>>
    %dma_start3A_19 = tpu.memref_squeeze %dma_start3A_18 : memref<1x128xi32, #tpu.memory_space<vmem>> -> memref<128xi32, #tpu.memory_space<vmem>>
    %dma_start3A_20 = arith.constant 0 : i32
    %dma_start3A_21 = arith.constant 0 : i32
    %dma_start3A_22 = tpu.memref_slice %arg3[%dma_start3A_20, %dma_start3A_21] : memref<1000000x64xf32, #tpu.memory_space<hbm>> -> memref<1000000x64xf32, #tpu.memory_space<hbm>>
    tpu.enqueue_indirect_dma source(%dma_start3A_22 : memref<1000000x64xf32, #tpu.memory_space<hbm>>) target(%arg8 : memref<128x64xf32, #tpu.memory_space<vmem>>) offsets(%dma_start3A_19 : memref<128xi32, #tpu.memory_space<vmem>>) semaphore(%arg16 : memref<!tpu.dma_semaphore, #tpu.memory_space<semaphore_mem>>)
    %dma_start3A_23 = arith.constant 3 : i32
    %dma_start3A_24 = arith.constant 0 : i32
    %dma_start3A_25 = tpu.memref_slice %arg5[%dma_start3A_23, %dma_start3A_24] : memref<104x128xi32, #tpu.memory_space<vmem>> -> memref<1x128xi32, #tpu.memory_space<vmem>>
    %dma_start3A_26 = tpu.memref_squeeze %dma_start3A_25 : memref<1x128xi32, #tpu.memory_space<vmem>> -> memref<128xi32, #tpu.memory_space<vmem>>
    %dma_start3A_27 = arith.constant 0 : i32
    %dma_start3A_28 = arith.constant 0 : i32
    %dma_start3A_29 = tpu.memref_slice %arg3[%dma_start3A_27, %dma_start3A_28] : memref<1000000x64xf32, #tpu.memory_space<hbm>> -> memref<1000000x64xf32, #tpu.memory_space<hbm>>
    tpu.enqueue_indirect_dma source(%dma_start3A_29 : memref<1000000x64xf32, #tpu.memory_space<hbm>>) target(%arg9 : memref<128x64xf32, #tpu.memory_space<vmem>>) offsets(%dma_start3A_26 : memref<128xi32, #tpu.memory_space<vmem>>) semaphore(%arg17 : memref<!tpu.dma_semaphore, #tpu.memory_space<semaphore_mem>>)
    %dma_start3A_30 = arith.constant 4 : i32
    %dma_start3A_31 = arith.constant 0 : i32
    %dma_start3A_32 = tpu.memref_slice %arg5[%dma_start3A_30, %dma_start3A_31] : memref<104x128xi32, #tpu.memory_space<vmem>> -> memref<1x128xi32, #tpu.memory_space<vmem>>
    %dma_start3A_33 = tpu.memref_squeeze %dma_start3A_32 : memref<1x128xi32, #tpu.memory_space<vmem>> -> memref<128xi32, #tpu.memory_space<vmem>>
    %dma_start3A_34 = arith.constant 0 : i32
    %dma_start3A_35 = arith.constant 0 : i32
    %dma_start3A_36 = tpu.memref_slice %arg3[%dma_start3A_34, %dma_start3A_35] : memref<1000000x64xf32, #tpu.memory_space<hbm>> -> memref<1000000x64xf32, #tpu.memory_space<hbm>>
    tpu.enqueue_indirect_dma source(%dma_start3A_36 : memref<1000000x64xf32, #tpu.memory_space<hbm>>) target(%arg10 : memref<128x64xf32, #tpu.memory_space<vmem>>) offsets(%dma_start3A_33 : memref<128xi32, #tpu.memory_space<vmem>>) semaphore(%arg18 : memref<!tpu.dma_semaphore, #tpu.memory_space<semaphore_mem>>)
    %dma_start3A_37 = arith.constant 5 : i32
    %dma_start3A_38 = arith.constant 0 : i32
    %dma_start3A_39 = tpu.memref_slice %arg5[%dma_start3A_37, %dma_start3A_38] : memref<104x128xi32, #tpu.memory_space<vmem>> -> memref<1x128xi32, #tpu.memory_space<vmem>>
    %dma_start3A_40 = tpu.memref_squeeze %dma_start3A_39 : memref<1x128xi32, #tpu.memory_space<vmem>> -> memref<128xi32, #tpu.memory_space<vmem>>
    %dma_start3A_41 = arith.constant 0 : i32
    %dma_start3A_42 = arith.constant 0 : i32
    %dma_start3A_43 = tpu.memref_slice %arg3[%dma_start3A_41, %dma_start3A_42] : memref<1000000x64xf32, #tpu.memory_space<hbm>> -> memref<1000000x64xf32, #tpu.memory_space<hbm>>
    tpu.enqueue_indirect_dma source(%dma_start3A_43 : memref<1000000x64xf32, #tpu.memory_space<hbm>>) target(%arg11 : memref<128x64xf32, #tpu.memory_space<vmem>>) offsets(%dma_start3A_40 : memref<128xi32, #tpu.memory_space<vmem>>) semaphore(%arg19 : memref<!tpu.dma_semaphore, #tpu.memory_space<semaphore_mem>>)
    %dma_start3A_44 = arith.constant 6 : i32
    %dma_start3A_45 = arith.constant 0 : i32
    %dma_start3A_46 = tpu.memref_slice %arg5[%dma_start3A_44, %dma_start3A_45] : memref<104x128xi32, #tpu.memory_space<vmem>> -> memref<1x128xi32, #tpu.memory_space<vmem>>
    %dma_start3A_47 = tpu.memref_squeeze %dma_start3A_46 : memref<1x128xi32, #tpu.memory_space<vmem>> -> memref<128xi32, #tpu.memory_space<vmem>>
    %dma_start3A_48 = arith.constant 0 : i32
    %dma_start3A_49 = arith.constant 0 : i32
    %dma_start3A_50 = tpu.memref_slice %arg3[%dma_start3A_48, %dma_start3A_49] : memref<1000000x64xf32, #tpu.memory_space<hbm>> -> memref<1000000x64xf32, #tpu.memory_space<hbm>>
    tpu.enqueue_indirect_dma source(%dma_start3A_50 : memref<1000000x64xf32, #tpu.memory_space<hbm>>) target(%arg12 : memref<128x64xf32, #tpu.memory_space<vmem>>) offsets(%dma_start3A_47 : memref<128xi32, #tpu.memory_space<vmem>>) semaphore(%arg20 : memref<!tpu.dma_semaphore, #tpu.memory_space<semaphore_mem>>)
    %dma_start3A_51 = arith.constant 7 : i32
    %dma_start3A_52 = arith.constant 0 : i32
    %dma_start3A_53 = tpu.memref_slice %arg5[%dma_start3A_51, %dma_start3A_52] : memref<104x128xi32, #tpu.memory_space<vmem>> -> memref<1x128xi32, #tpu.memory_space<vmem>>
    %dma_start3A_54 = tpu.memref_squeeze %dma_start3A_53 : memref<1x128xi32, #tpu.memory_space<vmem>> -> memref<128xi32, #tpu.memory_space<vmem>>
    %dma_start3A_55 = arith.constant 0 : i32
    %dma_start3A_56 = arith.constant 0 : i32
    %dma_start3A_57 = tpu.memref_slice %arg3[%dma_start3A_55, %dma_start3A_56] : memref<1000000x64xf32, #tpu.memory_space<hbm>> -> memref<1000000x64xf32, #tpu.memory_space<hbm>>
    tpu.enqueue_indirect_dma source(%dma_start3A_57 : memref<1000000x64xf32, #tpu.memory_space<hbm>>) target(%arg13 : memref<128x64xf32, #tpu.memory_space<vmem>>) offsets(%dma_start3A_54 : memref<128xi32, #tpu.memory_space<vmem>>) semaphore(%arg21 : memref<!tpu.dma_semaphore, #tpu.memory_space<semaphore_mem>>)
    %scan3A = arith.constant 0 : i32
    %scan3A_58 = arith.constant 0 : i32
    %scan3A_59 = arith.constant 12 : i32
    %scan3A_60 = arith.addi %scan3A_58, %scan3A_59 : i32
    %scan3A_61 = arith.constant 1 : i32
    scf.for %scan3A_246 = %scan3A_58 to %scan3A_60 step %scan3A_61  : i32 {
      %mul3A_247 = arith.constant 8 : i32
      %mul3A_248 = arith.muli %scan3A_246, %mul3A_247 : i32
      %add3A_249 = arith.constant 0 : i32
      %add3A_250 = arith.addi %mul3A_248, %add3A_249 : i32
      %dma_wait3A_251 = arith.constant 0 : i32
      %dma_wait3A_252 = tpu.memref_slice %arg5[%add3A_250, %dma_wait3A_251] : memref<104x128xi32, #tpu.memory_space<vmem>> -> memref<1x128xi32, #tpu.memory_space<vmem>>
      %dma_wait3A_253 = tpu.memref_squeeze %dma_wait3A_252 : memref<1x128xi32, #tpu.memory_space<vmem>> -> memref<128xi32, #tpu.memory_space<vmem>>
      %dma_wait3A_254 = arith.constant 0 : i32
      %dma_wait3A_255 = arith.constant 0 : i32
      %dma_wait3A_256 = tpu.memref_slice %arg3[%dma_wait3A_254, %dma_wait3A_255] : memref<1000000x64xf32, #tpu.memory_space<hbm>> -> memref<1000000x64xf32, #tpu.memory_space<hbm>>
      tpu.wait_indirect_dma semaphore(%arg14 : memref<!tpu.dma_semaphore, #tpu.memory_space<semaphore_mem>>) src(%dma_wait3A_256 : memref<1000000x64xf32, #tpu.memory_space<hbm>>) dst(%arg6 : memref<128x64xf32, #tpu.memory_space<vmem>>)
      %add3A_257 = arith.addi %mul3A_2, %add3A_250 : i32
      %mul3A_258 = arith.constant 128 : i32
      %mul3A_259 = arith.muli %add3A_257, %mul3A_258 : i32
      %dma_start3A_260 = arith.constant 0 : i32
      %dma_start3A_261 = tpu.memref_slice %arg4[%mul3A_259, %dma_start3A_260] : memref<425984x64xf32, #tpu.memory_space<hbm>> -> memref<128x64xf32, #tpu.memory_space<hbm>>
      %dma_start3A_262 = arith.constant 0 : i32
      %dma_start3A_263 = tpu.memref_slice %arg4[%mul3A_259, %dma_start3A_262] : memref<425984x64xf32, #tpu.memory_space<hbm>> -> memref<128x64xf32, #tpu.memory_space<hbm>>
      tpu.enqueue_dma source(%arg6 : memref<128x64xf32, #tpu.memory_space<vmem>>) target(%dma_start3A_263 : memref<128x64xf32, #tpu.memory_space<hbm>>) target_semaphore(%arg22 : memref<!tpu.dma_semaphore, #tpu.memory_space<semaphore_mem>>)
      %mul3A_264 = arith.constant 8 : i32
      %mul3A_265 = arith.muli %scan3A_246, %mul3A_264 : i32
      %add3A_266 = arith.constant 1 : i32
      %add3A_267 = arith.addi %mul3A_265, %add3A_266 : i32
      %dma_wait3A_268 = arith.constant 0 : i32
      %dma_wait3A_269 = tpu.memref_slice %arg5[%add3A_267, %dma_wait3A_268] : memref<104x128xi32, #tpu.memory_space<vmem>> -> memref<1x128xi32, #tpu.memory_space<vmem>>
      %dma_wait3A_270 = tpu.memref_squeeze %dma_wait3A_269 : memref<1x128xi32, #tpu.memory_space<vmem>> -> memref<128xi32, #tpu.memory_space<vmem>>
      %dma_wait3A_271 = arith.constant 0 : i32
      %dma_wait3A_272 = arith.constant 0 : i32
      %dma_wait3A_273 = tpu.memref_slice %arg3[%dma_wait3A_271, %dma_wait3A_272] : memref<1000000x64xf32, #tpu.memory_space<hbm>> -> memref<1000000x64xf32, #tpu.memory_space<hbm>>
      tpu.wait_indirect_dma semaphore(%arg15 : memref<!tpu.dma_semaphore, #tpu.memory_space<semaphore_mem>>) src(%dma_wait3A_273 : memref<1000000x64xf32, #tpu.memory_space<hbm>>) dst(%arg7 : memref<128x64xf32, #tpu.memory_space<vmem>>)
      %add3A_274 = arith.addi %mul3A_2, %add3A_267 : i32
      %mul3A_275 = arith.constant 128 : i32
      %mul3A_276 = arith.muli %add3A_274, %mul3A_275 : i32
      %dma_start3A_277 = arith.constant 0 : i32
      %dma_start3A_278 = tpu.memref_slice %arg4[%mul3A_276, %dma_start3A_277] : memref<425984x64xf32, #tpu.memory_space<hbm>> -> memref<128x64xf32, #tpu.memory_space<hbm>>
      %dma_start3A_279 = arith.constant 0 : i32
      %dma_start3A_280 = tpu.memref_slice %arg4[%mul3A_276, %dma_start3A_279] : memref<425984x64xf32, #tpu.memory_space<hbm>> -> memref<128x64xf32, #tpu.memory_space<hbm>>
      tpu.enqueue_dma source(%arg7 : memref<128x64xf32, #tpu.memory_space<vmem>>) target(%dma_start3A_280 : memref<128x64xf32, #tpu.memory_space<hbm>>) target_semaphore(%arg23 : memref<!tpu.dma_semaphore, #tpu.memory_space<semaphore_mem>>)
      %mul3A_281 = arith.constant 8 : i32
      %mul3A_282 = arith.muli %scan3A_246, %mul3A_281 : i32
      %add3A_283 = arith.constant 2 : i32
      %add3A_284 = arith.addi %mul3A_282, %add3A_283 : i32
      %dma_wait3A_285 = arith.constant 0 : i32
      %dma_wait3A_286 = tpu.memref_slice %arg5[%add3A_284, %dma_wait3A_285] : memref<104x128xi32, #tpu.memory_space<vmem>> -> memref<1x128xi32, #tpu.memory_space<vmem>>
      %dma_wait3A_287 = tpu.memref_squeeze %dma_wait3A_286 : memref<1x128xi32, #tpu.memory_space<vmem>> -> memref<128xi32, #tpu.memory_space<vmem>>
      %dma_wait3A_288 = arith.constant 0 : i32
      %dma_wait3A_289 = arith.constant 0 : i32
      %dma_wait3A_290 = tpu.memref_slice %arg3[%dma_wait3A_288, %dma_wait3A_289] : memref<1000000x64xf32, #tpu.memory_space<hbm>> -> memref<1000000x64xf32, #tpu.memory_space<hbm>>
      tpu.wait_indirect_dma semaphore(%arg16 : memref<!tpu.dma_semaphore, #tpu.memory_space<semaphore_mem>>) src(%dma_wait3A_290 : memref<1000000x64xf32, #tpu.memory_space<hbm>>) dst(%arg8 : memref<128x64xf32, #tpu.memory_space<vmem>>)
      %add3A_291 = arith.addi %mul3A_2, %add3A_284 : i32
      %mul3A_292 = arith.constant 128 : i32
      %mul3A_293 = arith.muli %add3A_291, %mul3A_292 : i32
      %dma_start3A_294 = arith.constant 0 : i32
      %dma_start3A_295 = tpu.memref_slice %arg4[%mul3A_293, %dma_start3A_294] : memref<425984x64xf32, #tpu.memory_space<hbm>> -> memref<128x64xf32, #tpu.memory_space<hbm>>
      %dma_start3A_296 = arith.constant 0 : i32
      %dma_start3A_297 = tpu.memref_slice %arg4[%mul3A_293, %dma_start3A_296] : memref<425984x64xf32, #tpu.memory_space<hbm>> -> memref<128x64xf32, #tpu.memory_space<hbm>>
      tpu.enqueue_dma source(%arg8 : memref<128x64xf32, #tpu.memory_space<vmem>>) target(%dma_start3A_297 : memref<128x64xf32, #tpu.memory_space<hbm>>) target_semaphore(%arg24 : memref<!tpu.dma_semaphore, #tpu.memory_space<semaphore_mem>>)
      %mul3A_298 = arith.constant 8 : i32
      %mul3A_299 = arith.muli %scan3A_246, %mul3A_298 : i32
      %add3A_300 = arith.constant 3 : i32
      %add3A_301 = arith.addi %mul3A_299, %add3A_300 : i32
      %dma_wait3A_302 = arith.constant 0 : i32
      %dma_wait3A_303 = tpu.memref_slice %arg5[%add3A_301, %dma_wait3A_302] : memref<104x128xi32, #tpu.memory_space<vmem>> -> memref<1x128xi32, #tpu.memory_space<vmem>>
      %dma_wait3A_304 = tpu.memref_squeeze %dma_wait3A_303 : memref<1x128xi32, #tpu.memory_space<vmem>> -> memref<128xi32, #tpu.memory_space<vmem>>
      %dma_wait3A_305 = arith.constant 0 : i32
      %dma_wait3A_306 = arith.constant 0 : i32
      %dma_wait3A_307 = tpu.memref_slice %arg3[%dma_wait3A_305, %dma_wait3A_306] : memref<1000000x64xf32, #tpu.memory_space<hbm>> -> memref<1000000x64xf32, #tpu.memory_space<hbm>>
      tpu.wait_indirect_dma semaphore(%arg17 : memref<!tpu.dma_semaphore, #tpu.memory_space<semaphore_mem>>) src(%dma_wait3A_307 : memref<1000000x64xf32, #tpu.memory_space<hbm>>) dst(%arg9 : memref<128x64xf32, #tpu.memory_space<vmem>>)
      %add3A_308 = arith.addi %mul3A_2, %add3A_301 : i32
      %mul3A_309 = arith.constant 128 : i32
      %mul3A_310 = arith.muli %add3A_308, %mul3A_309 : i32
      %dma_start3A_311 = arith.constant 0 : i32
      %dma_start3A_312 = tpu.memref_slice %arg4[%mul3A_310, %dma_start3A_311] : memref<425984x64xf32, #tpu.memory_space<hbm>> -> memref<128x64xf32, #tpu.memory_space<hbm>>
      %dma_start3A_313 = arith.constant 0 : i32
      %dma_start3A_314 = tpu.memref_slice %arg4[%mul3A_310, %dma_start3A_313] : memref<425984x64xf32, #tpu.memory_space<hbm>> -> memref<128x64xf32, #tpu.memory_space<hbm>>
      tpu.enqueue_dma source(%arg9 : memref<128x64xf32, #tpu.memory_space<vmem>>) target(%dma_start3A_314 : memref<128x64xf32, #tpu.memory_space<hbm>>) target_semaphore(%arg25 : memref<!tpu.dma_semaphore, #tpu.memory_space<semaphore_mem>>)
      %mul3A_315 = arith.constant 8 : i32
      %mul3A_316 = arith.muli %scan3A_246, %mul3A_315 : i32
      %add3A_317 = arith.constant 4 : i32
      %add3A_318 = arith.addi %mul3A_316, %add3A_317 : i32
      %dma_wait3A_319 = arith.constant 0 : i32
      %dma_wait3A_320 = tpu.memref_slice %arg5[%add3A_318, %dma_wait3A_319] : memref<104x128xi32, #tpu.memory_space<vmem>> -> memref<1x128xi32, #tpu.memory_space<vmem>>
      %dma_wait3A_321 = tpu.memref_squeeze %dma_wait3A_320 : memref<1x128xi32, #tpu.memory_space<vmem>> -> memref<128xi32, #tpu.memory_space<vmem>>
      %dma_wait3A_322 = arith.constant 0 : i32
      %dma_wait3A_323 = arith.constant 0 : i32
      %dma_wait3A_324 = tpu.memref_slice %arg3[%dma_wait3A_322, %dma_wait3A_323] : memref<1000000x64xf32, #tpu.memory_space<hbm>> -> memref<1000000x64xf32, #tpu.memory_space<hbm>>
      tpu.wait_indirect_dma semaphore(%arg18 : memref<!tpu.dma_semaphore, #tpu.memory_space<semaphore_mem>>) src(%dma_wait3A_324 : memref<1000000x64xf32, #tpu.memory_space<hbm>>) dst(%arg10 : memref<128x64xf32, #tpu.memory_space<vmem>>)
      %add3A_325 = arith.addi %mul3A_2, %add3A_318 : i32
      %mul3A_326 = arith.constant 128 : i32
      %mul3A_327 = arith.muli %add3A_325, %mul3A_326 : i32
      %dma_start3A_328 = arith.constant 0 : i32
      %dma_start3A_329 = tpu.memref_slice %arg4[%mul3A_327, %dma_start3A_328] : memref<425984x64xf32, #tpu.memory_space<hbm>> -> memref<128x64xf32, #tpu.memory_space<hbm>>
      %dma_start3A_330 = arith.constant 0 : i32
      %dma_start3A_331 = tpu.memref_slice %arg4[%mul3A_327, %dma_start3A_330] : memref<425984x64xf32, #tpu.memory_space<hbm>> -> memref<128x64xf32, #tpu.memory_space<hbm>>
      tpu.enqueue_dma source(%arg10 : memref<128x64xf32, #tpu.memory_space<vmem>>) target(%dma_start3A_331 : memref<128x64xf32, #tpu.memory_space<hbm>>) target_semaphore(%arg26 : memref<!tpu.dma_semaphore, #tpu.memory_space<semaphore_mem>>)
      %mul3A_332 = arith.constant 8 : i32
      %mul3A_333 = arith.muli %scan3A_246, %mul3A_332 : i32
      %add3A_334 = arith.constant 5 : i32
      %add3A_335 = arith.addi %mul3A_333, %add3A_334 : i32
      %dma_wait3A_336 = arith.constant 0 : i32
      %dma_wait3A_337 = tpu.memref_slice %arg5[%add3A_335, %dma_wait3A_336] : memref<104x128xi32, #tpu.memory_space<vmem>> -> memref<1x128xi32, #tpu.memory_space<vmem>>
      %dma_wait3A_338 = tpu.memref_squeeze %dma_wait3A_337 : memref<1x128xi32, #tpu.memory_space<vmem>> -> memref<128xi32, #tpu.memory_space<vmem>>
      %dma_wait3A_339 = arith.constant 0 : i32
      %dma_wait3A_340 = arith.constant 0 : i32
      %dma_wait3A_341 = tpu.memref_slice %arg3[%dma_wait3A_339, %dma_wait3A_340] : memref<1000000x64xf32, #tpu.memory_space<hbm>> -> memref<1000000x64xf32, #tpu.memory_space<hbm>>
      tpu.wait_indirect_dma semaphore(%arg19 : memref<!tpu.dma_semaphore, #tpu.memory_space<semaphore_mem>>) src(%dma_wait3A_341 : memref<1000000x64xf32, #tpu.memory_space<hbm>>) dst(%arg11 : memref<128x64xf32, #tpu.memory_space<vmem>>)
      %add3A_342 = arith.addi %mul3A_2, %add3A_335 : i32
      %mul3A_343 = arith.constant 128 : i32
      %mul3A_344 = arith.muli %add3A_342, %mul3A_343 : i32
      %dma_start3A_345 = arith.constant 0 : i32
      %dma_start3A_346 = tpu.memref_slice %arg4[%mul3A_344, %dma_start3A_345] : memref<425984x64xf32, #tpu.memory_space<hbm>> -> memref<128x64xf32, #tpu.memory_space<hbm>>
      %dma_start3A_347 = arith.constant 0 : i32
      %dma_start3A_348 = tpu.memref_slice %arg4[%mul3A_344, %dma_start3A_347] : memref<425984x64xf32, #tpu.memory_space<hbm>> -> memref<128x64xf32, #tpu.memory_space<hbm>>
      tpu.enqueue_dma source(%arg11 : memref<128x64xf32, #tpu.memory_space<vmem>>) target(%dma_start3A_348 : memref<128x64xf32, #tpu.memory_space<hbm>>) target_semaphore(%arg27 : memref<!tpu.dma_semaphore, #tpu.memory_space<semaphore_mem>>)
      %mul3A_349 = arith.constant 8 : i32
      %mul3A_350 = arith.muli %scan3A_246, %mul3A_349 : i32
      %add3A_351 = arith.constant 6 : i32
      %add3A_352 = arith.addi %mul3A_350, %add3A_351 : i32
      %dma_wait3A_353 = arith.constant 0 : i32
      %dma_wait3A_354 = tpu.memref_slice %arg5[%add3A_352, %dma_wait3A_353] : memref<104x128xi32, #tpu.memory_space<vmem>> -> memref<1x128xi32, #tpu.memory_space<vmem>>
      %dma_wait3A_355 = tpu.memref_squeeze %dma_wait3A_354 : memref<1x128xi32, #tpu.memory_space<vmem>> -> memref<128xi32, #tpu.memory_space<vmem>>
      %dma_wait3A_356 = arith.constant 0 : i32
      %dma_wait3A_357 = arith.constant 0 : i32
      %dma_wait3A_358 = tpu.memref_slice %arg3[%dma_wait3A_356, %dma_wait3A_357] : memref<1000000x64xf32, #tpu.memory_space<hbm>> -> memref<1000000x64xf32, #tpu.memory_space<hbm>>
      tpu.wait_indirect_dma semaphore(%arg20 : memref<!tpu.dma_semaphore, #tpu.memory_space<semaphore_mem>>) src(%dma_wait3A_358 : memref<1000000x64xf32, #tpu.memory_space<hbm>>) dst(%arg12 : memref<128x64xf32, #tpu.memory_space<vmem>>)
      %add3A_359 = arith.addi %mul3A_2, %add3A_352 : i32
      %mul3A_360 = arith.constant 128 : i32
      %mul3A_361 = arith.muli %add3A_359, %mul3A_360 : i32
      %dma_start3A_362 = arith.constant 0 : i32
      %dma_start3A_363 = tpu.memref_slice %arg4[%mul3A_361, %dma_start3A_362] : memref<425984x64xf32, #tpu.memory_space<hbm>> -> memref<128x64xf32, #tpu.memory_space<hbm>>
      %dma_start3A_364 = arith.constant 0 : i32
      %dma_start3A_365 = tpu.memref_slice %arg4[%mul3A_361, %dma_start3A_364] : memref<425984x64xf32, #tpu.memory_space<hbm>> -> memref<128x64xf32, #tpu.memory_space<hbm>>
      tpu.enqueue_dma source(%arg12 : memref<128x64xf32, #tpu.memory_space<vmem>>) target(%dma_start3A_365 : memref<128x64xf32, #tpu.memory_space<hbm>>) target_semaphore(%arg28 : memref<!tpu.dma_semaphore, #tpu.memory_space<semaphore_mem>>)
      %mul3A_366 = arith.constant 8 : i32
      %mul3A_367 = arith.muli %scan3A_246, %mul3A_366 : i32
      %add3A_368 = arith.constant 7 : i32
      %add3A_369 = arith.addi %mul3A_367, %add3A_368 : i32
      %dma_wait3A_370 = arith.constant 0 : i32
      %dma_wait3A_371 = tpu.memref_slice %arg5[%add3A_369, %dma_wait3A_370] : memref<104x128xi32, #tpu.memory_space<vmem>> -> memref<1x128xi32, #tpu.memory_space<vmem>>
      %dma_wait3A_372 = tpu.memref_squeeze %dma_wait3A_371 : memref<1x128xi32, #tpu.memory_space<vmem>> -> memref<128xi32, #tpu.memory_space<vmem>>
      %dma_wait3A_373 = arith.constant 0 : i32
      %dma_wait3A_374 = arith.constant 0 : i32
      %dma_wait3A_375 = tpu.memref_slice %arg3[%dma_wait3A_373, %dma_wait3A_374] : memref<1000000x64xf32, #tpu.memory_space<hbm>> -> memref<1000000x64xf32, #tpu.memory_space<hbm>>
      tpu.wait_indirect_dma semaphore(%arg21 : memref<!tpu.dma_semaphore, #tpu.memory_space<semaphore_mem>>) src(%dma_wait3A_375 : memref<1000000x64xf32, #tpu.memory_space<hbm>>) dst(%arg13 : memref<128x64xf32, #tpu.memory_space<vmem>>)
      %add3A_376 = arith.addi %mul3A_2, %add3A_369 : i32
      %mul3A_377 = arith.constant 128 : i32
      %mul3A_378 = arith.muli %add3A_376, %mul3A_377 : i32
      %dma_start3A_379 = arith.constant 0 : i32
      %dma_start3A_380 = tpu.memref_slice %arg4[%mul3A_378, %dma_start3A_379] : memref<425984x64xf32, #tpu.memory_space<hbm>> -> memref<128x64xf32, #tpu.memory_space<hbm>>
      %dma_start3A_381 = arith.constant 0 : i32
      %dma_start3A_382 = tpu.memref_slice %arg4[%mul3A_378, %dma_start3A_381] : memref<425984x64xf32, #tpu.memory_space<hbm>> -> memref<128x64xf32, #tpu.memory_space<hbm>>
      tpu.enqueue_dma source(%arg13 : memref<128x64xf32, #tpu.memory_space<vmem>>) target(%dma_start3A_382 : memref<128x64xf32, #tpu.memory_space<hbm>>) target_semaphore(%arg29 : memref<!tpu.dma_semaphore, #tpu.memory_space<semaphore_mem>>)
      %mul3A_383 = arith.constant 8 : i32
      %mul3A_384 = arith.muli %scan3A_246, %mul3A_383 : i32
      %add3A_385 = arith.constant 0 : i32
      %add3A_386 = arith.addi %mul3A_384, %add3A_385 : i32
      %add3A_387 = arith.addi %mul3A_2, %add3A_386 : i32
      %mul3A_388 = arith.constant 128 : i32
      %mul3A_389 = arith.muli %add3A_387, %mul3A_388 : i32
      %dma_wait3A_390 = arith.constant 0 : i32
      %dma_wait3A_391 = tpu.memref_slice %arg4[%mul3A_389, %dma_wait3A_390] : memref<425984x64xf32, #tpu.memory_space<hbm>> -> memref<128x64xf32, #tpu.memory_space<hbm>>
      %dma_wait3A_392 = arith.constant 0 : i32
      %dma_wait3A_393 = tpu.memref_slice %arg4[%mul3A_389, %dma_wait3A_392] : memref<425984x64xf32, #tpu.memory_space<hbm>> -> memref<128x64xf32, #tpu.memory_space<hbm>>
      tpu.wait_dma2 semaphore(%arg22 : memref<!tpu.dma_semaphore, #tpu.memory_space<semaphore_mem>>) src(%arg6 : memref<128x64xf32, #tpu.memory_space<vmem>>) dst(%dma_wait3A_393 : memref<128x64xf32, #tpu.memory_space<hbm>>)
      %add3A_394 = arith.constant 8 : i32
      %add3A_395 = arith.addi %add3A_386, %add3A_394 : i32
      %dma_start3A_396 = arith.constant 0 : i32
      %dma_start3A_397 = tpu.memref_slice %arg5[%add3A_395, %dma_start3A_396] : memref<104x128xi32, #tpu.memory_space<vmem>> -> memref<1x128xi32, #tpu.memory_space<vmem>>
      %dma_start3A_398 = tpu.memref_squeeze %dma_start3A_397 : memref<1x128xi32, #tpu.memory_space<vmem>> -> memref<128xi32, #tpu.memory_space<vmem>>
      %dma_start3A_399 = arith.constant 0 : i32
      %dma_start3A_400 = arith.constant 0 : i32
      %dma_start3A_401 = tpu.memref_slice %arg3[%dma_start3A_399, %dma_start3A_400] : memref<1000000x64xf32, #tpu.memory_space<hbm>> -> memref<1000000x64xf32, #tpu.memory_space<hbm>>
      tpu.enqueue_indirect_dma source(%dma_start3A_401 : memref<1000000x64xf32, #tpu.memory_space<hbm>>) target(%arg6 : memref<128x64xf32, #tpu.memory_space<vmem>>) offsets(%dma_start3A_398 : memref<128xi32, #tpu.memory_space<vmem>>) semaphore(%arg14 : memref<!tpu.dma_semaphore, #tpu.memory_space<semaphore_mem>>)
      %mul3A_402 = arith.constant 8 : i32
      %mul3A_403 = arith.muli %scan3A_246, %mul3A_402 : i32
      %add3A_404 = arith.constant 1 : i32
      %add3A_405 = arith.addi %mul3A_403, %add3A_404 : i32
      %add3A_406 = arith.addi %mul3A_2, %add3A_405 : i32
      %mul3A_407 = arith.constant 128 : i32
      %mul3A_408 = arith.muli %add3A_406, %mul3A_407 : i32
      %dma_wait3A_409 = arith.constant 0 : i32
      %dma_wait3A_410 = tpu.memref_slice %arg4[%mul3A_408, %dma_wait3A_409] : memref<425984x64xf32, #tpu.memory_space<hbm>> -> memref<128x64xf32, #tpu.memory_space<hbm>>
      %dma_wait3A_411 = arith.constant 0 : i32
      %dma_wait3A_412 = tpu.memref_slice %arg4[%mul3A_408, %dma_wait3A_411] : memref<425984x64xf32, #tpu.memory_space<hbm>> -> memref<128x64xf32, #tpu.memory_space<hbm>>
      tpu.wait_dma2 semaphore(%arg23 : memref<!tpu.dma_semaphore, #tpu.memory_space<semaphore_mem>>) src(%arg7 : memref<128x64xf32, #tpu.memory_space<vmem>>) dst(%dma_wait3A_412 : memref<128x64xf32, #tpu.memory_space<hbm>>)
      %add3A_413 = arith.constant 8 : i32
      %add3A_414 = arith.addi %add3A_405, %add3A_413 : i32
      %dma_start3A_415 = arith.constant 0 : i32
      %dma_start3A_416 = tpu.memref_slice %arg5[%add3A_414, %dma_start3A_415] : memref<104x128xi32, #tpu.memory_space<vmem>> -> memref<1x128xi32, #tpu.memory_space<vmem>>
      %dma_start3A_417 = tpu.memref_squeeze %dma_start3A_416 : memref<1x128xi32, #tpu.memory_space<vmem>> -> memref<128xi32, #tpu.memory_space<vmem>>
      %dma_start3A_418 = arith.constant 0 : i32
      %dma_start3A_419 = arith.constant 0 : i32
      %dma_start3A_420 = tpu.memref_slice %arg3[%dma_start3A_418, %dma_start3A_419] : memref<1000000x64xf32, #tpu.memory_space<hbm>> -> memref<1000000x64xf32, #tpu.memory_space<hbm>>
      tpu.enqueue_indirect_dma source(%dma_start3A_420 : memref<1000000x64xf32, #tpu.memory_space<hbm>>) target(%arg7 : memref<128x64xf32, #tpu.memory_space<vmem>>) offsets(%dma_start3A_417 : memref<128xi32, #tpu.memory_space<vmem>>) semaphore(%arg15 : memref<!tpu.dma_semaphore, #tpu.memory_space<semaphore_mem>>)
      %mul3A_421 = arith.constant 8 : i32
      %mul3A_422 = arith.muli %scan3A_246, %mul3A_421 : i32
      %add3A_423 = arith.constant 2 : i32
      %add3A_424 = arith.addi %mul3A_422, %add3A_423 : i32
      %add3A_425 = arith.addi %mul3A_2, %add3A_424 : i32
      %mul3A_426 = arith.constant 128 : i32
      %mul3A_427 = arith.muli %add3A_425, %mul3A_426 : i32
      %dma_wait3A_428 = arith.constant 0 : i32
      %dma_wait3A_429 = tpu.memref_slice %arg4[%mul3A_427, %dma_wait3A_428] : memref<425984x64xf32, #tpu.memory_space<hbm>> -> memref<128x64xf32, #tpu.memory_space<hbm>>
      %dma_wait3A_430 = arith.constant 0 : i32
      %dma_wait3A_431 = tpu.memref_slice %arg4[%mul3A_427, %dma_wait3A_430] : memref<425984x64xf32, #tpu.memory_space<hbm>> -> memref<128x64xf32, #tpu.memory_space<hbm>>
      tpu.wait_dma2 semaphore(%arg24 : memref<!tpu.dma_semaphore, #tpu.memory_space<semaphore_mem>>) src(%arg8 : memref<128x64xf32, #tpu.memory_space<vmem>>) dst(%dma_wait3A_431 : memref<128x64xf32, #tpu.memory_space<hbm>>)
      %add3A_432 = arith.constant 8 : i32
      %add3A_433 = arith.addi %add3A_424, %add3A_432 : i32
      %dma_start3A_434 = arith.constant 0 : i32
      %dma_start3A_435 = tpu.memref_slice %arg5[%add3A_433, %dma_start3A_434] : memref<104x128xi32, #tpu.memory_space<vmem>> -> memref<1x128xi32, #tpu.memory_space<vmem>>
      %dma_start3A_436 = tpu.memref_squeeze %dma_start3A_435 : memref<1x128xi32, #tpu.memory_space<vmem>> -> memref<128xi32, #tpu.memory_space<vmem>>
      %dma_start3A_437 = arith.constant 0 : i32
      %dma_start3A_438 = arith.constant 0 : i32
      %dma_start3A_439 = tpu.memref_slice %arg3[%dma_start3A_437, %dma_start3A_438] : memref<1000000x64xf32, #tpu.memory_space<hbm>> -> memref<1000000x64xf32, #tpu.memory_space<hbm>>
      tpu.enqueue_indirect_dma source(%dma_start3A_439 : memref<1000000x64xf32, #tpu.memory_space<hbm>>) target(%arg8 : memref<128x64xf32, #tpu.memory_space<vmem>>) offsets(%dma_start3A_436 : memref<128xi32, #tpu.memory_space<vmem>>) semaphore(%arg16 : memref<!tpu.dma_semaphore, #tpu.memory_space<semaphore_mem>>)
      %mul3A_440 = arith.constant 8 : i32
      %mul3A_441 = arith.muli %scan3A_246, %mul3A_440 : i32
      %add3A_442 = arith.constant 3 : i32
      %add3A_443 = arith.addi %mul3A_441, %add3A_442 : i32
      %add3A_444 = arith.addi %mul3A_2, %add3A_443 : i32
      %mul3A_445 = arith.constant 128 : i32
      %mul3A_446 = arith.muli %add3A_444, %mul3A_445 : i32
      %dma_wait3A_447 = arith.constant 0 : i32
      %dma_wait3A_448 = tpu.memref_slice %arg4[%mul3A_446, %dma_wait3A_447] : memref<425984x64xf32, #tpu.memory_space<hbm>> -> memref<128x64xf32, #tpu.memory_space<hbm>>
      %dma_wait3A_449 = arith.constant 0 : i32
      %dma_wait3A_450 = tpu.memref_slice %arg4[%mul3A_446, %dma_wait3A_449] : memref<425984x64xf32, #tpu.memory_space<hbm>> -> memref<128x64xf32, #tpu.memory_space<hbm>>
      tpu.wait_dma2 semaphore(%arg25 : memref<!tpu.dma_semaphore, #tpu.memory_space<semaphore_mem>>) src(%arg9 : memref<128x64xf32, #tpu.memory_space<vmem>>) dst(%dma_wait3A_450 : memref<128x64xf32, #tpu.memory_space<hbm>>)
      %add3A_451 = arith.constant 8 : i32
      %add3A_452 = arith.addi %add3A_443, %add3A_451 : i32
      %dma_start3A_453 = arith.constant 0 : i32
      %dma_start3A_454 = tpu.memref_slice %arg5[%add3A_452, %dma_start3A_453] : memref<104x128xi32, #tpu.memory_space<vmem>> -> memref<1x128xi32, #tpu.memory_space<vmem>>
      %dma_start3A_455 = tpu.memref_squeeze %dma_start3A_454 : memref<1x128xi32, #tpu.memory_space<vmem>> -> memref<128xi32, #tpu.memory_space<vmem>>
      %dma_start3A_456 = arith.constant 0 : i32
      %dma_start3A_457 = arith.constant 0 : i32
      %dma_start3A_458 = tpu.memref_slice %arg3[%dma_start3A_456, %dma_start3A_457] : memref<1000000x64xf32, #tpu.memory_space<hbm>> -> memref<1000000x64xf32, #tpu.memory_space<hbm>>
      tpu.enqueue_indirect_dma source(%dma_start3A_458 : memref<1000000x64xf32, #tpu.memory_space<hbm>>) target(%arg9 : memref<128x64xf32, #tpu.memory_space<vmem>>) offsets(%dma_start3A_455 : memref<128xi32, #tpu.memory_space<vmem>>) semaphore(%arg17 : memref<!tpu.dma_semaphore, #tpu.memory_space<semaphore_mem>>)
      %mul3A_459 = arith.constant 8 : i32
      %mul3A_460 = arith.muli %scan3A_246, %mul3A_459 : i32
      %add3A_461 = arith.constant 4 : i32
      %add3A_462 = arith.addi %mul3A_460, %add3A_461 : i32
      %add3A_463 = arith.addi %mul3A_2, %add3A_462 : i32
      %mul3A_464 = arith.constant 128 : i32
      %mul3A_465 = arith.muli %add3A_463, %mul3A_464 : i32
      %dma_wait3A_466 = arith.constant 0 : i32
      %dma_wait3A_467 = tpu.memref_slice %arg4[%mul3A_465, %dma_wait3A_466] : memref<425984x64xf32, #tpu.memory_space<hbm>> -> memref<128x64xf32, #tpu.memory_space<hbm>>
      %dma_wait3A_468 = arith.constant 0 : i32
      %dma_wait3A_469 = tpu.memref_slice %arg4[%mul3A_465, %dma_wait3A_468] : memref<425984x64xf32, #tpu.memory_space<hbm>> -> memref<128x64xf32, #tpu.memory_space<hbm>>
      tpu.wait_dma2 semaphore(%arg26 : memref<!tpu.dma_semaphore, #tpu.memory_space<semaphore_mem>>) src(%arg10 : memref<128x64xf32, #tpu.memory_space<vmem>>) dst(%dma_wait3A_469 : memref<128x64xf32, #tpu.memory_space<hbm>>)
      %add3A_470 = arith.constant 8 : i32
      %add3A_471 = arith.addi %add3A_462, %add3A_470 : i32
      %dma_start3A_472 = arith.constant 0 : i32
      %dma_start3A_473 = tpu.memref_slice %arg5[%add3A_471, %dma_start3A_472] : memref<104x128xi32, #tpu.memory_space<vmem>> -> memref<1x128xi32, #tpu.memory_space<vmem>>
      %dma_start3A_474 = tpu.memref_squeeze %dma_start3A_473 : memref<1x128xi32, #tpu.memory_space<vmem>> -> memref<128xi32, #tpu.memory_space<vmem>>
      %dma_start3A_475 = arith.constant 0 : i32
      %dma_start3A_476 = arith.constant 0 : i32
      %dma_start3A_477 = tpu.memref_slice %arg3[%dma_start3A_475, %dma_start3A_476] : memref<1000000x64xf32, #tpu.memory_space<hbm>> -> memref<1000000x64xf32, #tpu.memory_space<hbm>>
      tpu.enqueue_indirect_dma source(%dma_start3A_477 : memref<1000000x64xf32, #tpu.memory_space<hbm>>) target(%arg10 : memref<128x64xf32, #tpu.memory_space<vmem>>) offsets(%dma_start3A_474 : memref<128xi32, #tpu.memory_space<vmem>>) semaphore(%arg18 : memref<!tpu.dma_semaphore, #tpu.memory_space<semaphore_mem>>)
      %mul3A_478 = arith.constant 8 : i32
      %mul3A_479 = arith.muli %scan3A_246, %mul3A_478 : i32
      %add3A_480 = arith.constant 5 : i32
      %add3A_481 = arith.addi %mul3A_479, %add3A_480 : i32
      %add3A_482 = arith.addi %mul3A_2, %add3A_481 : i32
      %mul3A_483 = arith.constant 128 : i32
      %mul3A_484 = arith.muli %add3A_482, %mul3A_483 : i32
      %dma_wait3A_485 = arith.constant 0 : i32
      %dma_wait3A_486 = tpu.memref_slice %arg4[%mul3A_484, %dma_wait3A_485] : memref<425984x64xf32, #tpu.memory_space<hbm>> -> memref<128x64xf32, #tpu.memory_space<hbm>>
      %dma_wait3A_487 = arith.constant 0 : i32
      %dma_wait3A_488 = tpu.memref_slice %arg4[%mul3A_484, %dma_wait3A_487] : memref<425984x64xf32, #tpu.memory_space<hbm>> -> memref<128x64xf32, #tpu.memory_space<hbm>>
      tpu.wait_dma2 semaphore(%arg27 : memref<!tpu.dma_semaphore, #tpu.memory_space<semaphore_mem>>) src(%arg11 : memref<128x64xf32, #tpu.memory_space<vmem>>) dst(%dma_wait3A_488 : memref<128x64xf32, #tpu.memory_space<hbm>>)
      %add3A_489 = arith.constant 8 : i32
      %add3A_490 = arith.addi %add3A_481, %add3A_489 : i32
      %dma_start3A_491 = arith.constant 0 : i32
      %dma_start3A_492 = tpu.memref_slice %arg5[%add3A_490, %dma_start3A_491] : memref<104x128xi32, #tpu.memory_space<vmem>> -> memref<1x128xi32, #tpu.memory_space<vmem>>
      %dma_start3A_493 = tpu.memref_squeeze %dma_start3A_492 : memref<1x128xi32, #tpu.memory_space<vmem>> -> memref<128xi32, #tpu.memory_space<vmem>>
      %dma_start3A_494 = arith.constant 0 : i32
      %dma_start3A_495 = arith.constant 0 : i32
      %dma_start3A_496 = tpu.memref_slice %arg3[%dma_start3A_494, %dma_start3A_495] : memref<1000000x64xf32, #tpu.memory_space<hbm>> -> memref<1000000x64xf32, #tpu.memory_space<hbm>>
      tpu.enqueue_indirect_dma source(%dma_start3A_496 : memref<1000000x64xf32, #tpu.memory_space<hbm>>) target(%arg11 : memref<128x64xf32, #tpu.memory_space<vmem>>) offsets(%dma_start3A_493 : memref<128xi32, #tpu.memory_space<vmem>>) semaphore(%arg19 : memref<!tpu.dma_semaphore, #tpu.memory_space<semaphore_mem>>)
      %mul3A_497 = arith.constant 8 : i32
      %mul3A_498 = arith.muli %scan3A_246, %mul3A_497 : i32
      %add3A_499 = arith.constant 6 : i32
      %add3A_500 = arith.addi %mul3A_498, %add3A_499 : i32
      %add3A_501 = arith.addi %mul3A_2, %add3A_500 : i32
      %mul3A_502 = arith.constant 128 : i32
      %mul3A_503 = arith.muli %add3A_501, %mul3A_502 : i32
      %dma_wait3A_504 = arith.constant 0 : i32
      %dma_wait3A_505 = tpu.memref_slice %arg4[%mul3A_503, %dma_wait3A_504] : memref<425984x64xf32, #tpu.memory_space<hbm>> -> memref<128x64xf32, #tpu.memory_space<hbm>>
      %dma_wait3A_506 = arith.constant 0 : i32
      %dma_wait3A_507 = tpu.memref_slice %arg4[%mul3A_503, %dma_wait3A_506] : memref<425984x64xf32, #tpu.memory_space<hbm>> -> memref<128x64xf32, #tpu.memory_space<hbm>>
      tpu.wait_dma2 semaphore(%arg28 : memref<!tpu.dma_semaphore, #tpu.memory_space<semaphore_mem>>) src(%arg12 : memref<128x64xf32, #tpu.memory_space<vmem>>) dst(%dma_wait3A_507 : memref<128x64xf32, #tpu.memory_space<hbm>>)
      %add3A_508 = arith.constant 8 : i32
      %add3A_509 = arith.addi %add3A_500, %add3A_508 : i32
      %dma_start3A_510 = arith.constant 0 : i32
      %dma_start3A_511 = tpu.memref_slice %arg5[%add3A_509, %dma_start3A_510] : memref<104x128xi32, #tpu.memory_space<vmem>> -> memref<1x128xi32, #tpu.memory_space<vmem>>
      %dma_start3A_512 = tpu.memref_squeeze %dma_start3A_511 : memref<1x128xi32, #tpu.memory_space<vmem>> -> memref<128xi32, #tpu.memory_space<vmem>>
      %dma_start3A_513 = arith.constant 0 : i32
      %dma_start3A_514 = arith.constant 0 : i32
      %dma_start3A_515 = tpu.memref_slice %arg3[%dma_start3A_513, %dma_start3A_514] : memref<1000000x64xf32, #tpu.memory_space<hbm>> -> memref<1000000x64xf32, #tpu.memory_space<hbm>>
      tpu.enqueue_indirect_dma source(%dma_start3A_515 : memref<1000000x64xf32, #tpu.memory_space<hbm>>) target(%arg12 : memref<128x64xf32, #tpu.memory_space<vmem>>) offsets(%dma_start3A_512 : memref<128xi32, #tpu.memory_space<vmem>>) semaphore(%arg20 : memref<!tpu.dma_semaphore, #tpu.memory_space<semaphore_mem>>)
      %mul3A_516 = arith.constant 8 : i32
      %mul3A_517 = arith.muli %scan3A_246, %mul3A_516 : i32
      %add3A_518 = arith.constant 7 : i32
      %add3A_519 = arith.addi %mul3A_517, %add3A_518 : i32
      %add3A_520 = arith.addi %mul3A_2, %add3A_519 : i32
      %mul3A_521 = arith.constant 128 : i32
      %mul3A_522 = arith.muli %add3A_520, %mul3A_521 : i32
      %dma_wait3A_523 = arith.constant 0 : i32
      %dma_wait3A_524 = tpu.memref_slice %arg4[%mul3A_522, %dma_wait3A_523] : memref<425984x64xf32, #tpu.memory_space<hbm>> -> memref<128x64xf32, #tpu.memory_space<hbm>>
      %dma_wait3A_525 = arith.constant 0 : i32
      %dma_wait3A_526 = tpu.memref_slice %arg4[%mul3A_522, %dma_wait3A_525] : memref<425984x64xf32, #tpu.memory_space<hbm>> -> memref<128x64xf32, #tpu.memory_space<hbm>>
      tpu.wait_dma2 semaphore(%arg29 : memref<!tpu.dma_semaphore, #tpu.memory_space<semaphore_mem>>) src(%arg13 : memref<128x64xf32, #tpu.memory_space<vmem>>) dst(%dma_wait3A_526 : memref<128x64xf32, #tpu.memory_space<hbm>>)
      %add3A_527 = arith.constant 8 : i32
      %add3A_528 = arith.addi %add3A_519, %add3A_527 : i32
      %dma_start3A_529 = arith.constant 0 : i32
      %dma_start3A_530 = tpu.memref_slice %arg5[%add3A_528, %dma_start3A_529] : memref<104x128xi32, #tpu.memory_space<vmem>> -> memref<1x128xi32, #tpu.memory_space<vmem>>
      %dma_start3A_531 = tpu.memref_squeeze %dma_start3A_530 : memref<1x128xi32, #tpu.memory_space<vmem>> -> memref<128xi32, #tpu.memory_space<vmem>>
      %dma_start3A_532 = arith.constant 0 : i32
      %dma_start3A_533 = arith.constant 0 : i32
      %dma_start3A_534 = tpu.memref_slice %arg3[%dma_start3A_532, %dma_start3A_533] : memref<1000000x64xf32, #tpu.memory_space<hbm>> -> memref<1000000x64xf32, #tpu.memory_space<hbm>>
      tpu.enqueue_indirect_dma source(%dma_start3A_534 : memref<1000000x64xf32, #tpu.memory_space<hbm>>) target(%arg13 : memref<128x64xf32, #tpu.memory_space<vmem>>) offsets(%dma_start3A_531 : memref<128xi32, #tpu.memory_space<vmem>>) semaphore(%arg21 : memref<!tpu.dma_semaphore, #tpu.memory_space<semaphore_mem>>)
    }
    %scan3A_62 = arith.constant 12 : i32
    %dma_wait3A = arith.constant 96 : i32
    %dma_wait3A_63 = arith.constant 0 : i32
    %dma_wait3A_64 = tpu.memref_slice %arg5[%dma_wait3A, %dma_wait3A_63] : memref<104x128xi32, #tpu.memory_space<vmem>> -> memref<1x128xi32, #tpu.memory_space<vmem>>
    %dma_wait3A_65 = tpu.memref_squeeze %dma_wait3A_64 : memref<1x128xi32, #tpu.memory_space<vmem>> -> memref<128xi32, #tpu.memory_space<vmem>>
    %dma_wait3A_66 = arith.constant 0 : i32
    %dma_wait3A_67 = arith.constant 0 : i32
    %dma_wait3A_68 = tpu.memref_slice %arg3[%dma_wait3A_66, %dma_wait3A_67] : memref<1000000x64xf32, #tpu.memory_space<hbm>> -> memref<1000000x64xf32, #tpu.memory_space<hbm>>
    tpu.wait_indirect_dma semaphore(%arg14 : memref<!tpu.dma_semaphore, #tpu.memory_space<semaphore_mem>>) src(%dma_wait3A_68 : memref<1000000x64xf32, #tpu.memory_space<hbm>>) dst(%arg6 : memref<128x64xf32, #tpu.memory_space<vmem>>)
    %add3A_69 = arith.constant 96 : i32
    %add3A_70 = arith.addi %mul3A_2, %add3A_69 : i32
    %mul3A_71 = arith.constant 128 : i32
    %mul3A_72 = arith.muli %add3A_70, %mul3A_71 : i32
    %dma_start3A_73 = arith.constant 0 : i32
    %dma_start3A_74 = tpu.memref_slice %arg4[%mul3A_72, %dma_start3A_73] : memref<425984x64xf32, #tpu.memory_space<hbm>> -> memref<128x64xf32, #tpu.memory_space<hbm>>
    %dma_start3A_75 = arith.constant 0 : i32
    %dma_start3A_76 = tpu.memref_slice %arg4[%mul3A_72, %dma_start3A_75] : memref<425984x64xf32, #tpu.memory_space<hbm>> -> memref<128x64xf32, #tpu.memory_space<hbm>>
    tpu.enqueue_dma source(%arg6 : memref<128x64xf32, #tpu.memory_space<vmem>>) target(%dma_start3A_76 : memref<128x64xf32, #tpu.memory_space<hbm>>) target_semaphore(%arg22 : memref<!tpu.dma_semaphore, #tpu.memory_space<semaphore_mem>>)
    %dma_wait3A_77 = arith.constant 97 : i32
    %dma_wait3A_78 = arith.constant 0 : i32
    %dma_wait3A_79 = tpu.memref_slice %arg5[%dma_wait3A_77, %dma_wait3A_78] : memref<104x128xi32, #tpu.memory_space<vmem>> -> memref<1x128xi32, #tpu.memory_space<vmem>>
    %dma_wait3A_80 = tpu.memref_squeeze %dma_wait3A_79 : memref<1x128xi32, #tpu.memory_space<vmem>> -> memref<128xi32, #tpu.memory_space<vmem>>
    %dma_wait3A_81 = arith.constant 0 : i32
    %dma_wait3A_82 = arith.constant 0 : i32
    %dma_wait3A_83 = tpu.memref_slice %arg3[%dma_wait3A_81, %dma_wait3A_82] : memref<1000000x64xf32, #tpu.memory_space<hbm>> -> memref<1000000x64xf32, #tpu.memory_space<hbm>>
    tpu.wait_indirect_dma semaphore(%arg15 : memref<!tpu.dma_semaphore, #tpu.memory_space<semaphore_mem>>) src(%dma_wait3A_83 : memref<1000000x64xf32, #tpu.memory_space<hbm>>) dst(%arg7 : memref<128x64xf32, #tpu.memory_space<vmem>>)
    %add3A_84 = arith.constant 97 : i32
    %add3A_85 = arith.addi %mul3A_2, %add3A_84 : i32
    %mul3A_86 = arith.constant 128 : i32
    %mul3A_87 = arith.muli %add3A_85, %mul3A_86 : i32
    %dma_start3A_88 = arith.constant 0 : i32
    %dma_start3A_89 = tpu.memref_slice %arg4[%mul3A_87, %dma_start3A_88] : memref<425984x64xf32, #tpu.memory_space<hbm>> -> memref<128x64xf32, #tpu.memory_space<hbm>>
    %dma_start3A_90 = arith.constant 0 : i32
    %dma_start3A_91 = tpu.memref_slice %arg4[%mul3A_87, %dma_start3A_90] : memref<425984x64xf32, #tpu.memory_space<hbm>> -> memref<128x64xf32, #tpu.memory_space<hbm>>
    tpu.enqueue_dma source(%arg7 : memref<128x64xf32, #tpu.memory_space<vmem>>) target(%dma_start3A_91 : memref<128x64xf32, #tpu.memory_space<hbm>>) target_semaphore(%arg23 : memref<!tpu.dma_semaphore, #tpu.memory_space<semaphore_mem>>)
    %dma_wait3A_92 = arith.constant 98 : i32
    %dma_wait3A_93 = arith.constant 0 : i32
    %dma_wait3A_94 = tpu.memref_slice %arg5[%dma_wait3A_92, %dma_wait3A_93] : memref<104x128xi32, #tpu.memory_space<vmem>> -> memref<1x128xi32, #tpu.memory_space<vmem>>
    %dma_wait3A_95 = tpu.memref_squeeze %dma_wait3A_94 : memref<1x128xi32, #tpu.memory_space<vmem>> -> memref<128xi32, #tpu.memory_space<vmem>>
    %dma_wait3A_96 = arith.constant 0 : i32
    %dma_wait3A_97 = arith.constant 0 : i32
    %dma_wait3A_98 = tpu.memref_slice %arg3[%dma_wait3A_96, %dma_wait3A_97] : memref<1000000x64xf32, #tpu.memory_space<hbm>> -> memref<1000000x64xf32, #tpu.memory_space<hbm>>
    tpu.wait_indirect_dma semaphore(%arg16 : memref<!tpu.dma_semaphore, #tpu.memory_space<semaphore_mem>>) src(%dma_wait3A_98 : memref<1000000x64xf32, #tpu.memory_space<hbm>>) dst(%arg8 : memref<128x64xf32, #tpu.memory_space<vmem>>)
    %add3A_99 = arith.constant 98 : i32
    %add3A_100 = arith.addi %mul3A_2, %add3A_99 : i32
    %mul3A_101 = arith.constant 128 : i32
    %mul3A_102 = arith.muli %add3A_100, %mul3A_101 : i32
    %dma_start3A_103 = arith.constant 0 : i32
    %dma_start3A_104 = tpu.memref_slice %arg4[%mul3A_102, %dma_start3A_103] : memref<425984x64xf32, #tpu.memory_space<hbm>> -> memref<128x64xf32, #tpu.memory_space<hbm>>
    %dma_start3A_105 = arith.constant 0 : i32
    %dma_start3A_106 = tpu.memref_slice %arg4[%mul3A_102, %dma_start3A_105] : memref<425984x64xf32, #tpu.memory_space<hbm>> -> memref<128x64xf32, #tpu.memory_space<hbm>>
    tpu.enqueue_dma source(%arg8 : memref<128x64xf32, #tpu.memory_space<vmem>>) target(%dma_start3A_106 : memref<128x64xf32, #tpu.memory_space<hbm>>) target_semaphore(%arg24 : memref<!tpu.dma_semaphore, #tpu.memory_space<semaphore_mem>>)
    %dma_wait3A_107 = arith.constant 99 : i32
    %dma_wait3A_108 = arith.constant 0 : i32
    %dma_wait3A_109 = tpu.memref_slice %arg5[%dma_wait3A_107, %dma_wait3A_108] : memref<104x128xi32, #tpu.memory_space<vmem>> -> memref<1x128xi32, #tpu.memory_space<vmem>>
    %dma_wait3A_110 = tpu.memref_squeeze %dma_wait3A_109 : memref<1x128xi32, #tpu.memory_space<vmem>> -> memref<128xi32, #tpu.memory_space<vmem>>
    %dma_wait3A_111 = arith.constant 0 : i32
    %dma_wait3A_112 = arith.constant 0 : i32
    %dma_wait3A_113 = tpu.memref_slice %arg3[%dma_wait3A_111, %dma_wait3A_112] : memref<1000000x64xf32, #tpu.memory_space<hbm>> -> memref<1000000x64xf32, #tpu.memory_space<hbm>>
    tpu.wait_indirect_dma semaphore(%arg17 : memref<!tpu.dma_semaphore, #tpu.memory_space<semaphore_mem>>) src(%dma_wait3A_113 : memref<1000000x64xf32, #tpu.memory_space<hbm>>) dst(%arg9 : memref<128x64xf32, #tpu.memory_space<vmem>>)
    %add3A_114 = arith.constant 99 : i32
    %add3A_115 = arith.addi %mul3A_2, %add3A_114 : i32
    %mul3A_116 = arith.constant 128 : i32
    %mul3A_117 = arith.muli %add3A_115, %mul3A_116 : i32
    %dma_start3A_118 = arith.constant 0 : i32
    %dma_start3A_119 = tpu.memref_slice %arg4[%mul3A_117, %dma_start3A_118] : memref<425984x64xf32, #tpu.memory_space<hbm>> -> memref<128x64xf32, #tpu.memory_space<hbm>>
    %dma_start3A_120 = arith.constant 0 : i32
    %dma_start3A_121 = tpu.memref_slice %arg4[%mul3A_117, %dma_start3A_120] : memref<425984x64xf32, #tpu.memory_space<hbm>> -> memref<128x64xf32, #tpu.memory_space<hbm>>
    tpu.enqueue_dma source(%arg9 : memref<128x64xf32, #tpu.memory_space<vmem>>) target(%dma_start3A_121 : memref<128x64xf32, #tpu.memory_space<hbm>>) target_semaphore(%arg25 : memref<!tpu.dma_semaphore, #tpu.memory_space<semaphore_mem>>)
    %dma_wait3A_122 = arith.constant 100 : i32
    %dma_wait3A_123 = arith.constant 0 : i32
    %dma_wait3A_124 = tpu.memref_slice %arg5[%dma_wait3A_122, %dma_wait3A_123] : memref<104x128xi32, #tpu.memory_space<vmem>> -> memref<1x128xi32, #tpu.memory_space<vmem>>
    %dma_wait3A_125 = tpu.memref_squeeze %dma_wait3A_124 : memref<1x128xi32, #tpu.memory_space<vmem>> -> memref<128xi32, #tpu.memory_space<vmem>>
    %dma_wait3A_126 = arith.constant 0 : i32
    %dma_wait3A_127 = arith.constant 0 : i32
    %dma_wait3A_128 = tpu.memref_slice %arg3[%dma_wait3A_126, %dma_wait3A_127] : memref<1000000x64xf32, #tpu.memory_space<hbm>> -> memref<1000000x64xf32, #tpu.memory_space<hbm>>
    tpu.wait_indirect_dma semaphore(%arg18 : memref<!tpu.dma_semaphore, #tpu.memory_space<semaphore_mem>>) src(%dma_wait3A_128 : memref<1000000x64xf32, #tpu.memory_space<hbm>>) dst(%arg10 : memref<128x64xf32, #tpu.memory_space<vmem>>)
    %add3A_129 = arith.constant 100 : i32
    %add3A_130 = arith.addi %mul3A_2, %add3A_129 : i32
    %mul3A_131 = arith.constant 128 : i32
    %mul3A_132 = arith.muli %add3A_130, %mul3A_131 : i32
    %dma_start3A_133 = arith.constant 0 : i32
    %dma_start3A_134 = tpu.memref_slice %arg4[%mul3A_132, %dma_start3A_133] : memref<425984x64xf32, #tpu.memory_space<hbm>> -> memref<128x64xf32, #tpu.memory_space<hbm>>
    %dma_start3A_135 = arith.constant 0 : i32
    %dma_start3A_136 = tpu.memref_slice %arg4[%mul3A_132, %dma_start3A_135] : memref<425984x64xf32, #tpu.memory_space<hbm>> -> memref<128x64xf32, #tpu.memory_space<hbm>>
    tpu.enqueue_dma source(%arg10 : memref<128x64xf32, #tpu.memory_space<vmem>>) target(%dma_start3A_136 : memref<128x64xf32, #tpu.memory_space<hbm>>) target_semaphore(%arg26 : memref<!tpu.dma_semaphore, #tpu.memory_space<semaphore_mem>>)
    %dma_wait3A_137 = arith.constant 101 : i32
    %dma_wait3A_138 = arith.constant 0 : i32
    %dma_wait3A_139 = tpu.memref_slice %arg5[%dma_wait3A_137, %dma_wait3A_138] : memref<104x128xi32, #tpu.memory_space<vmem>> -> memref<1x128xi32, #tpu.memory_space<vmem>>
    %dma_wait3A_140 = tpu.memref_squeeze %dma_wait3A_139 : memref<1x128xi32, #tpu.memory_space<vmem>> -> memref<128xi32, #tpu.memory_space<vmem>>
    %dma_wait3A_141 = arith.constant 0 : i32
    %dma_wait3A_142 = arith.constant 0 : i32
    %dma_wait3A_143 = tpu.memref_slice %arg3[%dma_wait3A_141, %dma_wait3A_142] : memref<1000000x64xf32, #tpu.memory_space<hbm>> -> memref<1000000x64xf32, #tpu.memory_space<hbm>>
    tpu.wait_indirect_dma semaphore(%arg19 : memref<!tpu.dma_semaphore, #tpu.memory_space<semaphore_mem>>) src(%dma_wait3A_143 : memref<1000000x64xf32, #tpu.memory_space<hbm>>) dst(%arg11 : memref<128x64xf32, #tpu.memory_space<vmem>>)
    %add3A_144 = arith.constant 101 : i32
    %add3A_145 = arith.addi %mul3A_2, %add3A_144 : i32
    %mul3A_146 = arith.constant 128 : i32
    %mul3A_147 = arith.muli %add3A_145, %mul3A_146 : i32
    %dma_start3A_148 = arith.constant 0 : i32
    %dma_start3A_149 = tpu.memref_slice %arg4[%mul3A_147, %dma_start3A_148] : memref<425984x64xf32, #tpu.memory_space<hbm>> -> memref<128x64xf32, #tpu.memory_space<hbm>>
    %dma_start3A_150 = arith.constant 0 : i32
    %dma_start3A_151 = tpu.memref_slice %arg4[%mul3A_147, %dma_start3A_150] : memref<425984x64xf32, #tpu.memory_space<hbm>> -> memref<128x64xf32, #tpu.memory_space<hbm>>
    tpu.enqueue_dma source(%arg11 : memref<128x64xf32, #tpu.memory_space<vmem>>) target(%dma_start3A_151 : memref<128x64xf32, #tpu.memory_space<hbm>>) target_semaphore(%arg27 : memref<!tpu.dma_semaphore, #tpu.memory_space<semaphore_mem>>)
    %dma_wait3A_152 = arith.constant 102 : i32
    %dma_wait3A_153 = arith.constant 0 : i32
    %dma_wait3A_154 = tpu.memref_slice %arg5[%dma_wait3A_152, %dma_wait3A_153] : memref<104x128xi32, #tpu.memory_space<vmem>> -> memref<1x128xi32, #tpu.memory_space<vmem>>
    %dma_wait3A_155 = tpu.memref_squeeze %dma_wait3A_154 : memref<1x128xi32, #tpu.memory_space<vmem>> -> memref<128xi32, #tpu.memory_space<vmem>>
    %dma_wait3A_156 = arith.constant 0 : i32
    %dma_wait3A_157 = arith.constant 0 : i32
    %dma_wait3A_158 = tpu.memref_slice %arg3[%dma_wait3A_156, %dma_wait3A_157] : memref<1000000x64xf32, #tpu.memory_space<hbm>> -> memref<1000000x64xf32, #tpu.memory_space<hbm>>
    tpu.wait_indirect_dma semaphore(%arg20 : memref<!tpu.dma_semaphore, #tpu.memory_space<semaphore_mem>>) src(%dma_wait3A_158 : memref<1000000x64xf32, #tpu.memory_space<hbm>>) dst(%arg12 : memref<128x64xf32, #tpu.memory_space<vmem>>)
    %add3A_159 = arith.constant 102 : i32
    %add3A_160 = arith.addi %mul3A_2, %add3A_159 : i32
    %mul3A_161 = arith.constant 128 : i32
    %mul3A_162 = arith.muli %add3A_160, %mul3A_161 : i32
    %dma_start3A_163 = arith.constant 0 : i32
    %dma_start3A_164 = tpu.memref_slice %arg4[%mul3A_162, %dma_start3A_163] : memref<425984x64xf32, #tpu.memory_space<hbm>> -> memref<128x64xf32, #tpu.memory_space<hbm>>
    %dma_start3A_165 = arith.constant 0 : i32
    %dma_start3A_166 = tpu.memref_slice %arg4[%mul3A_162, %dma_start3A_165] : memref<425984x64xf32, #tpu.memory_space<hbm>> -> memref<128x64xf32, #tpu.memory_space<hbm>>
    tpu.enqueue_dma source(%arg12 : memref<128x64xf32, #tpu.memory_space<vmem>>) target(%dma_start3A_166 : memref<128x64xf32, #tpu.memory_space<hbm>>) target_semaphore(%arg28 : memref<!tpu.dma_semaphore, #tpu.memory_space<semaphore_mem>>)
    %dma_wait3A_167 = arith.constant 103 : i32
    %dma_wait3A_168 = arith.constant 0 : i32
    %dma_wait3A_169 = tpu.memref_slice %arg5[%dma_wait3A_167, %dma_wait3A_168] : memref<104x128xi32, #tpu.memory_space<vmem>> -> memref<1x128xi32, #tpu.memory_space<vmem>>
    %dma_wait3A_170 = tpu.memref_squeeze %dma_wait3A_169 : memref<1x128xi32, #tpu.memory_space<vmem>> -> memref<128xi32, #tpu.memory_space<vmem>>
    %dma_wait3A_171 = arith.constant 0 : i32
    %dma_wait3A_172 = arith.constant 0 : i32
    %dma_wait3A_173 = tpu.memref_slice %arg3[%dma_wait3A_171, %dma_wait3A_172] : memref<1000000x64xf32, #tpu.memory_space<hbm>> -> memref<1000000x64xf32, #tpu.memory_space<hbm>>
    tpu.wait_indirect_dma semaphore(%arg21 : memref<!tpu.dma_semaphore, #tpu.memory_space<semaphore_mem>>) src(%dma_wait3A_173 : memref<1000000x64xf32, #tpu.memory_space<hbm>>) dst(%arg13 : memref<128x64xf32, #tpu.memory_space<vmem>>)
    %add3A_174 = arith.constant 103 : i32
    %add3A_175 = arith.addi %mul3A_2, %add3A_174 : i32
    %mul3A_176 = arith.constant 128 : i32
    %mul3A_177 = arith.muli %add3A_175, %mul3A_176 : i32
    %dma_start3A_178 = arith.constant 0 : i32
    %dma_start3A_179 = tpu.memref_slice %arg4[%mul3A_177, %dma_start3A_178] : memref<425984x64xf32, #tpu.memory_space<hbm>> -> memref<128x64xf32, #tpu.memory_space<hbm>>
    %dma_start3A_180 = arith.constant 0 : i32
    %dma_start3A_181 = tpu.memref_slice %arg4[%mul3A_177, %dma_start3A_180] : memref<425984x64xf32, #tpu.memory_space<hbm>> -> memref<128x64xf32, #tpu.memory_space<hbm>>
    tpu.enqueue_dma source(%arg13 : memref<128x64xf32, #tpu.memory_space<vmem>>) target(%dma_start3A_181 : memref<128x64xf32, #tpu.memory_space<hbm>>) target_semaphore(%arg29 : memref<!tpu.dma_semaphore, #tpu.memory_space<semaphore_mem>>)
    %add3A_182 = arith.constant 96 : i32
    %add3A_183 = arith.addi %mul3A_2, %add3A_182 : i32
    %mul3A_184 = arith.constant 128 : i32
    %mul3A_185 = arith.muli %add3A_183, %mul3A_184 : i32
    %dma_wait3A_186 = arith.constant 0 : i32
    %dma_wait3A_187 = tpu.memref_slice %arg4[%mul3A_185, %dma_wait3A_186] : memref<425984x64xf32, #tpu.memory_space<hbm>> -> memref<128x64xf32, #tpu.memory_space<hbm>>
    %dma_wait3A_188 = arith.constant 0 : i32
    %dma_wait3A_189 = tpu.memref_slice %arg4[%mul3A_185, %dma_wait3A_188] : memref<425984x64xf32, #tpu.memory_space<hbm>> -> memref<128x64xf32, #tpu.memory_space<hbm>>
    tpu.wait_dma2 semaphore(%arg22 : memref<!tpu.dma_semaphore, #tpu.memory_space<semaphore_mem>>) src(%arg6 : memref<128x64xf32, #tpu.memory_space<vmem>>) dst(%dma_wait3A_189 : memref<128x64xf32, #tpu.memory_space<hbm>>)
    %add3A_190 = arith.constant 97 : i32
    %add3A_191 = arith.addi %mul3A_2, %add3A_190 : i32
    %mul3A_192 = arith.constant 128 : i32
    %mul3A_193 = arith.muli %add3A_191, %mul3A_192 : i32
    %dma_wait3A_194 = arith.constant 0 : i32
    %dma_wait3A_195 = tpu.memref_slice %arg4[%mul3A_193, %dma_wait3A_194] : memref<425984x64xf32, #tpu.memory_space<hbm>> -> memref<128x64xf32, #tpu.memory_space<hbm>>
    %dma_wait3A_196 = arith.constant 0 : i32
    %dma_wait3A_197 = tpu.memref_slice %arg4[%mul3A_193, %dma_wait3A_196] : memref<425984x64xf32, #tpu.memory_space<hbm>> -> memref<128x64xf32, #tpu.memory_space<hbm>>
    tpu.wait_dma2 semaphore(%arg23 : memref<!tpu.dma_semaphore, #tpu.memory_space<semaphore_mem>>) src(%arg7 : memref<128x64xf32, #tpu.memory_space<vmem>>) dst(%dma_wait3A_197 : memref<128x64xf32, #tpu.memory_space<hbm>>)
    %add3A_198 = arith.constant 98 : i32
    %add3A_199 = arith.addi %mul3A_2, %add3A_198 : i32
    %mul3A_200 = arith.constant 128 : i32
    %mul3A_201 = arith.muli %add3A_199, %mul3A_200 : i32
    %dma_wait3A_202 = arith.constant 0 : i32
    %dma_wait3A_203 = tpu.memref_slice %arg4[%mul3A_201, %dma_wait3A_202] : memref<425984x64xf32, #tpu.memory_space<hbm>> -> memref<128x64xf32, #tpu.memory_space<hbm>>
    %dma_wait3A_204 = arith.constant 0 : i32
    %dma_wait3A_205 = tpu.memref_slice %arg4[%mul3A_201, %dma_wait3A_204] : memref<425984x64xf32, #tpu.memory_space<hbm>> -> memref<128x64xf32, #tpu.memory_space<hbm>>
    tpu.wait_dma2 semaphore(%arg24 : memref<!tpu.dma_semaphore, #tpu.memory_space<semaphore_mem>>) src(%arg8 : memref<128x64xf32, #tpu.memory_space<vmem>>) dst(%dma_wait3A_205 : memref<128x64xf32, #tpu.memory_space<hbm>>)
    %add3A_206 = arith.constant 99 : i32
    %add3A_207 = arith.addi %mul3A_2, %add3A_206 : i32
    %mul3A_208 = arith.constant 128 : i32
    %mul3A_209 = arith.muli %add3A_207, %mul3A_208 : i32
    %dma_wait3A_210 = arith.constant 0 : i32
    %dma_wait3A_211 = tpu.memref_slice %arg4[%mul3A_209, %dma_wait3A_210] : memref<425984x64xf32, #tpu.memory_space<hbm>> -> memref<128x64xf32, #tpu.memory_space<hbm>>
    %dma_wait3A_212 = arith.constant 0 : i32
    %dma_wait3A_213 = tpu.memref_slice %arg4[%mul3A_209, %dma_wait3A_212] : memref<425984x64xf32, #tpu.memory_space<hbm>> -> memref<128x64xf32, #tpu.memory_space<hbm>>
    tpu.wait_dma2 semaphore(%arg25 : memref<!tpu.dma_semaphore, #tpu.memory_space<semaphore_mem>>) src(%arg9 : memref<128x64xf32, #tpu.memory_space<vmem>>) dst(%dma_wait3A_213 : memref<128x64xf32, #tpu.memory_space<hbm>>)
    %add3A_214 = arith.constant 100 : i32
    %add3A_215 = arith.addi %mul3A_2, %add3A_214 : i32
    %mul3A_216 = arith.constant 128 : i32
    %mul3A_217 = arith.muli %add3A_215, %mul3A_216 : i32
    %dma_wait3A_218 = arith.constant 0 : i32
    %dma_wait3A_219 = tpu.memref_slice %arg4[%mul3A_217, %dma_wait3A_218] : memref<425984x64xf32, #tpu.memory_space<hbm>> -> memref<128x64xf32, #tpu.memory_space<hbm>>
    %dma_wait3A_220 = arith.constant 0 : i32
    %dma_wait3A_221 = tpu.memref_slice %arg4[%mul3A_217, %dma_wait3A_220] : memref<425984x64xf32, #tpu.memory_space<hbm>> -> memref<128x64xf32, #tpu.memory_space<hbm>>
    tpu.wait_dma2 semaphore(%arg26 : memref<!tpu.dma_semaphore, #tpu.memory_space<semaphore_mem>>) src(%arg10 : memref<128x64xf32, #tpu.memory_space<vmem>>) dst(%dma_wait3A_221 : memref<128x64xf32, #tpu.memory_space<hbm>>)
    %add3A_222 = arith.constant 101 : i32
    %add3A_223 = arith.addi %mul3A_2, %add3A_222 : i32
    %mul3A_224 = arith.constant 128 : i32
    %mul3A_225 = arith.muli %add3A_223, %mul3A_224 : i32
    %dma_wait3A_226 = arith.constant 0 : i32
    %dma_wait3A_227 = tpu.memref_slice %arg4[%mul3A_225, %dma_wait3A_226] : memref<425984x64xf32, #tpu.memory_space<hbm>> -> memref<128x64xf32, #tpu.memory_space<hbm>>
    %dma_wait3A_228 = arith.constant 0 : i32
    %dma_wait3A_229 = tpu.memref_slice %arg4[%mul3A_225, %dma_wait3A_228] : memref<425984x64xf32, #tpu.memory_space<hbm>> -> memref<128x64xf32, #tpu.memory_space<hbm>>
    tpu.wait_dma2 semaphore(%arg27 : memref<!tpu.dma_semaphore, #tpu.memory_space<semaphore_mem>>) src(%arg11 : memref<128x64xf32, #tpu.memory_space<vmem>>) dst(%dma_wait3A_229 : memref<128x64xf32, #tpu.memory_space<hbm>>)
    %add3A_230 = arith.constant 102 : i32
    %add3A_231 = arith.addi %mul3A_2, %add3A_230 : i32
    %mul3A_232 = arith.constant 128 : i32
    %mul3A_233 = arith.muli %add3A_231, %mul3A_232 : i32
    %dma_wait3A_234 = arith.constant 0 : i32
    %dma_wait3A_235 = tpu.memref_slice %arg4[%mul3A_233, %dma_wait3A_234] : memref<425984x64xf32, #tpu.memory_space<hbm>> -> memref<128x64xf32, #tpu.memory_space<hbm>>
    %dma_wait3A_236 = arith.constant 0 : i32
    %dma_wait3A_237 = tpu.memref_slice %arg4[%mul3A_233, %dma_wait3A_236] : memref<425984x64xf32, #tpu.memory_space<hbm>> -> memref<128x64xf32, #tpu.memory_space<hbm>>
    tpu.wait_dma2 semaphore(%arg28 : memref<!tpu.dma_semaphore, #tpu.memory_space<semaphore_mem>>) src(%arg12 : memref<128x64xf32, #tpu.memory_space<vmem>>) dst(%dma_wait3A_237 : memref<128x64xf32, #tpu.memory_space<hbm>>)
    %add3A_238 = arith.constant 103 : i32
    %add3A_239 = arith.addi %mul3A_2, %add3A_238 : i32
    %mul3A_240 = arith.constant 128 : i32
    %mul3A_241 = arith.muli %add3A_239, %mul3A_240 : i32
    %dma_wait3A_242 = arith.constant 0 : i32
    %dma_wait3A_243 = tpu.memref_slice %arg4[%mul3A_241, %dma_wait3A_242] : memref<425984x64xf32, #tpu.memory_space<hbm>> -> memref<128x64xf32, #tpu.memory_space<hbm>>
    %dma_wait3A_244 = arith.constant 0 : i32
    %dma_wait3A_245 = tpu.memref_slice %arg4[%mul3A_241, %dma_wait3A_244] : memref<425984x64xf32, #tpu.memory_space<hbm>> -> memref<128x64xf32, #tpu.memory_space<hbm>>
    tpu.wait_dma2 semaphore(%arg29 : memref<!tpu.dma_semaphore, #tpu.memory_space<semaphore_mem>>) src(%arg13 : memref<128x64xf32, #tpu.memory_space<vmem>>) dst(%dma_wait3A_245 : memref<128x64xf32, #tpu.memory_space<hbm>>)
    return
  }
}

module attributes {stable_mosaic.version = 14 : i64} {
  func.func @_table_rm_body(%arg0: i32, %arg1: memref<64x10752xf32, #tpu.memory_space<vmem>>, %arg2: memref<5376x128xf32, #tpu.memory_space<vmem>>) attributes {dimension_semantics = [#tpu.dimension_semantics<arbitrary>], iteration_bounds = array<i64: 93>, scalar_prefetch = 0 : i64, scratch_operands = 0 : i64, tpu.core_type = #tpu.core_type<tc>, window_params = [{transform_indices = @transform_0, window_bounds = array<i64: 64, 10752>}, {transform_indices = @transform_1, window_bounds = array<i64: 5376, 128>}]} {
    %get3A = arith.constant 0 : index
    %get3A_0 = arith.constant 0 : index
    %get3A_1 = vector.load %arg1[%get3A, %get3A_0] : memref<64x10752xf32, #tpu.memory_space<vmem>>, vector<64x10752xf32>
    %iota3A = tpu.iota {dimensions = array<i32: 0>} : vector<64x64xi32>
    %iota3A_2 = tpu.iota {dimensions = array<i32: 1>} : vector<64x64xi32>
    %eq3A = arith.cmpi eq, %iota3A, %iota3A_2 : vector<64x64xi32>
    %convert_element_type3A = arith.extui %eq3A : vector<64x64xi1> to vector<64x64xi32>
    %convert_element_type3A_3 = arith.sitofp %convert_element_type3A : vector<64x64xi32> to vector<64x64xf32>
    %slice3A = vector.extract_strided_slice %get3A_1 {offsets = [0, 0], sizes = [64, 512], strides = [1, 1]} : vector<64x10752xf32> to vector<64x512xf32>
    %convert_element_type3A_4 = arith.truncf %slice3A : vector<64x512xf32> to vector<64x512xbf16>
    %convert_element_type3A_5 = arith.extf %convert_element_type3A_4 : vector<64x512xbf16> to vector<64x512xf32>
    %sub3A = arith.subf %slice3A, %convert_element_type3A_5 : vector<64x512xf32>
    %dot_general3A = arith.constant dense<0.000000e+00> : vector<512x64xf32>
    %dot_general3A_6 = tpu.matmul %convert_element_type3A_5, %convert_element_type3A_3, %dot_general3A {dimension_numbers = #tpu.dot_dimension_numbers<[0], [0], [1], [1], [0, 1, 1, 1], [], []>, transpose_lhs_hint = false} : vector<64x512xf32>, vector<64x64xf32>, vector<512x64xf32> -> vector<512x64xf32>
    %dot_general3A_7 = arith.constant dense<0.000000e+00> : vector<512x64xf32>
    %dot_general3A_8 = tpu.matmul %sub3A, %convert_element_type3A_3, %dot_general3A_7 {dimension_numbers = #tpu.dot_dimension_numbers<[0], [0], [1], [1], [0, 1, 1, 1], [], []>, transpose_lhs_hint = false} : vector<64x512xf32>, vector<64x64xf32>, vector<512x64xf32> -> vector<512x64xf32>
    %add3A = arith.addf %dot_general3A_6, %dot_general3A_8 : vector<512x64xf32>
    %slice3A_9 = vector.extract_strided_slice %add3A {offsets = [0, 0], sizes = [256, 64], strides = [1, 1]} : vector<512x64xf32> to vector<256x64xf32>
    %slice3A_10 = vector.extract_strided_slice %add3A {offsets = [256, 0], sizes = [256, 64], strides = [1, 1]} : vector<512x64xf32> to vector<256x64xf32>
    %concatenate3A = tpu.concatenate %slice3A_9, %slice3A_10 in 1 : vector<256x64xf32>, vector<256x64xf32> -> vector<256x128xf32>
    %swap3A = arith.constant 0 : index
    %swap3A_11 = arith.constant 0 : index
    %swap3A_12 = vector.load %arg2[%swap3A, %swap3A_11] : memref<5376x128xf32, #tpu.memory_space<vmem>>, vector<256x128xf32>
    tpu.vector_store %arg2[%swap3A, %swap3A_11], %concatenate3A {strides = array<i32>} : memref<5376x128xf32, #tpu.memory_space<vmem>>, vector<256x128xf32>,
    %slice3A_13 = vector.extract_strided_slice %get3A_1 {offsets = [0, 512], sizes = [64, 512], strides = [1, 1]} : vector<64x10752xf32> to vector<64x512xf32>
    %convert_element_type3A_14 = arith.truncf %slice3A_13 : vector<64x512xf32> to vector<64x512xbf16>
    %convert_element_type3A_15 = arith.extf %convert_element_type3A_14 : vector<64x512xbf16> to vector<64x512xf32>
    %sub3A_16 = arith.subf %slice3A_13, %convert_element_type3A_15 : vector<64x512xf32>
    %dot_general3A_17 = arith.constant dense<0.000000e+00> : vector<512x64xf32>
    %dot_general3A_18 = tpu.matmul %convert_element_type3A_15, %convert_element_type3A_3, %dot_general3A_17 {dimension_numbers = #tpu.dot_dimension_numbers<[0], [0], [1], [1], [0, 1, 1, 1], [], []>, transpose_lhs_hint = false} : vector<64x512xf32>, vector<64x64xf32>, vector<512x64xf32> -> vector<512x64xf32>
    %dot_general3A_19 = arith.constant dense<0.000000e+00> : vector<512x64xf32>
    %dot_general3A_20 = tpu.matmul %sub3A_16, %convert_element_type3A_3, %dot_general3A_19 {dimension_numbers = #tpu.dot_dimension_numbers<[0], [0], [1], [1], [0, 1, 1, 1], [], []>, transpose_lhs_hint = false} : vector<64x512xf32>, vector<64x64xf32>, vector<512x64xf32> -> vector<512x64xf32>
    %add3A_21 = arith.addf %dot_general3A_18, %dot_general3A_20 : vector<512x64xf32>
    %slice3A_22 = vector.extract_strided_slice %add3A_21 {offsets = [0, 0], sizes = [256, 64], strides = [1, 1]} : vector<512x64xf32> to vector<256x64xf32>
    %slice3A_23 = vector.extract_strided_slice %add3A_21 {offsets = [256, 0], sizes = [256, 64], strides = [1, 1]} : vector<512x64xf32> to vector<256x64xf32>
    %concatenate3A_24 = tpu.concatenate %slice3A_22, %slice3A_23 in 1 : vector<256x64xf32>, vector<256x64xf32> -> vector<256x128xf32>
    %swap3A_25 = arith.constant 256 : index
    %swap3A_26 = arith.constant 0 : index
    %swap3A_27 = vector.load %arg2[%swap3A_25, %swap3A_26] : memref<5376x128xf32, #tpu.memory_space<vmem>>, vector<256x128xf32>
    tpu.vector_store %arg2[%swap3A_25, %swap3A_26], %concatenate3A_24 {strides = array<i32>} : memref<5376x128xf32, #tpu.memory_space<vmem>>, vector<256x128xf32>,
    %slice3A_28 = vector.extract_strided_slice %get3A_1 {offsets = [0, 1024], sizes = [64, 512], strides = [1, 1]} : vector<64x10752xf32> to vector<64x512xf32>
    %convert_element_type3A_29 = arith.truncf %slice3A_28 : vector<64x512xf32> to vector<64x512xbf16>
    %convert_element_type3A_30 = arith.extf %convert_element_type3A_29 : vector<64x512xbf16> to vector<64x512xf32>
    %sub3A_31 = arith.subf %slice3A_28, %convert_element_type3A_30 : vector<64x512xf32>
    %dot_general3A_32 = arith.constant dense<0.000000e+00> : vector<512x64xf32>
    %dot_general3A_33 = tpu.matmul %convert_element_type3A_30, %convert_element_type3A_3, %dot_general3A_32 {dimension_numbers = #tpu.dot_dimension_numbers<[0], [0], [1], [1], [0, 1, 1, 1], [], []>, transpose_lhs_hint = false} : vector<64x512xf32>, vector<64x64xf32>, vector<512x64xf32> -> vector<512x64xf32>
    %dot_general3A_34 = arith.constant dense<0.000000e+00> : vector<512x64xf32>
    %dot_general3A_35 = tpu.matmul %sub3A_31, %convert_element_type3A_3, %dot_general3A_34 {dimension_numbers = #tpu.dot_dimension_numbers<[0], [0], [1], [1], [0, 1, 1, 1], [], []>, transpose_lhs_hint = false} : vector<64x512xf32>, vector<64x64xf32>, vector<512x64xf32> -> vector<512x64xf32>
    %add3A_36 = arith.addf %dot_general3A_33, %dot_general3A_35 : vector<512x64xf32>
    %slice3A_37 = vector.extract_strided_slice %add3A_36 {offsets = [0, 0], sizes = [256, 64], strides = [1, 1]} : vector<512x64xf32> to vector<256x64xf32>
    %slice3A_38 = vector.extract_strided_slice %add3A_36 {offsets = [256, 0], sizes = [256, 64], strides = [1, 1]} : vector<512x64xf32> to vector<256x64xf32>
    %concatenate3A_39 = tpu.concatenate %slice3A_37, %slice3A_38 in 1 : vector<256x64xf32>, vector<256x64xf32> -> vector<256x128xf32>
    %swap3A_40 = arith.constant 512 : index
    %swap3A_41 = arith.constant 0 : index
    %swap3A_42 = vector.load %arg2[%swap3A_40, %swap3A_41] : memref<5376x128xf32, #tpu.memory_space<vmem>>, vector<256x128xf32>
    tpu.vector_store %arg2[%swap3A_40, %swap3A_41], %concatenate3A_39 {strides = array<i32>} : memref<5376x128xf32, #tpu.memory_space<vmem>>, vector<256x128xf32>,
    %slice3A_43 = vector.extract_strided_slice %get3A_1 {offsets = [0, 1536], sizes = [64, 512], strides = [1, 1]} : vector<64x10752xf32> to vector<64x512xf32>
    %convert_element_type3A_44 = arith.truncf %slice3A_43 : vector<64x512xf32> to vector<64x512xbf16>
    %convert_element_type3A_45 = arith.extf %convert_element_type3A_44 : vector<64x512xbf16> to vector<64x512xf32>
    %sub3A_46 = arith.subf %slice3A_43, %convert_element_type3A_45 : vector<64x512xf32>
    %dot_general3A_47 = arith.constant dense<0.000000e+00> : vector<512x64xf32>
    %dot_general3A_48 = tpu.matmul %convert_element_type3A_45, %convert_element_type3A_3, %dot_general3A_47 {dimension_numbers = #tpu.dot_dimension_numbers<[0], [0], [1], [1], [0, 1, 1, 1], [], []>, transpose_lhs_hint = false} : vector<64x512xf32>, vector<64x64xf32>, vector<512x64xf32> -> vector<512x64xf32>
    %dot_general3A_49 = arith.constant dense<0.000000e+00> : vector<512x64xf32>
    %dot_general3A_50 = tpu.matmul %sub3A_46, %convert_element_type3A_3, %dot_general3A_49 {dimension_numbers = #tpu.dot_dimension_numbers<[0], [0], [1], [1], [0, 1, 1, 1], [], []>, transpose_lhs_hint = false} : vector<64x512xf32>, vector<64x64xf32>, vector<512x64xf32> -> vector<512x64xf32>
    %add3A_51 = arith.addf %dot_general3A_48, %dot_general3A_50 : vector<512x64xf32>
    %slice3A_52 = vector.extract_strided_slice %add3A_51 {offsets = [0, 0], sizes = [256, 64], strides = [1, 1]} : vector<512x64xf32> to vector<256x64xf32>
    %slice3A_53 = vector.extract_strided_slice %add3A_51 {offsets = [256, 0], sizes = [256, 64], strides = [1, 1]} : vector<512x64xf32> to vector<256x64xf32>
    %concatenate3A_54 = tpu.concatenate %slice3A_52, %slice3A_53 in 1 : vector<256x64xf32>, vector<256x64xf32> -> vector<256x128xf32>
    %swap3A_55 = arith.constant 768 : index
    %swap3A_56 = arith.constant 0 : index
    %swap3A_57 = vector.load %arg2[%swap3A_55, %swap3A_56] : memref<5376x128xf32, #tpu.memory_space<vmem>>, vector<256x128xf32>
    tpu.vector_store %arg2[%swap3A_55, %swap3A_56], %concatenate3A_54 {strides = array<i32>} : memref<5376x128xf32, #tpu.memory_space<vmem>>, vector<256x128xf32>,
    %slice3A_58 = vector.extract_strided_slice %get3A_1 {offsets = [0, 2048], sizes = [64, 512], strides = [1, 1]} : vector<64x10752xf32> to vector<64x512xf32>
    %convert_element_type3A_59 = arith.truncf %slice3A_58 : vector<64x512xf32> to vector<64x512xbf16>
    %convert_element_type3A_60 = arith.extf %convert_element_type3A_59 : vector<64x512xbf16> to vector<64x512xf32>
    %sub3A_61 = arith.subf %slice3A_58, %convert_element_type3A_60 : vector<64x512xf32>
    %dot_general3A_62 = arith.constant dense<0.000000e+00> : vector<512x64xf32>
    %dot_general3A_63 = tpu.matmul %convert_element_type3A_60, %convert_element_type3A_3, %dot_general3A_62 {dimension_numbers = #tpu.dot_dimension_numbers<[0], [0], [1], [1], [0, 1, 1, 1], [], []>, transpose_lhs_hint = false} : vector<64x512xf32>, vector<64x64xf32>, vector<512x64xf32> -> vector<512x64xf32>
    %dot_general3A_64 = arith.constant dense<0.000000e+00> : vector<512x64xf32>
    %dot_general3A_65 = tpu.matmul %sub3A_61, %convert_element_type3A_3, %dot_general3A_64 {dimension_numbers = #tpu.dot_dimension_numbers<[0], [0], [1], [1], [0, 1, 1, 1], [], []>, transpose_lhs_hint = false} : vector<64x512xf32>, vector<64x64xf32>, vector<512x64xf32> -> vector<512x64xf32>
    %add3A_66 = arith.addf %dot_general3A_63, %dot_general3A_65 : vector<512x64xf32>
    %slice3A_67 = vector.extract_strided_slice %add3A_66 {offsets = [0, 0], sizes = [256, 64], strides = [1, 1]} : vector<512x64xf32> to vector<256x64xf32>
    %slice3A_68 = vector.extract_strided_slice %add3A_66 {offsets = [256, 0], sizes = [256, 64], strides = [1, 1]} : vector<512x64xf32> to vector<256x64xf32>
    %concatenate3A_69 = tpu.concatenate %slice3A_67, %slice3A_68 in 1 : vector<256x64xf32>, vector<256x64xf32> -> vector<256x128xf32>
    %swap3A_70 = arith.constant 1024 : index
    %swap3A_71 = arith.constant 0 : index
    %swap3A_72 = vector.load %arg2[%swap3A_70, %swap3A_71] : memref<5376x128xf32, #tpu.memory_space<vmem>>, vector<256x128xf32>
    tpu.vector_store %arg2[%swap3A_70, %swap3A_71], %concatenate3A_69 {strides = array<i32>} : memref<5376x128xf32, #tpu.memory_space<vmem>>, vector<256x128xf32>,
    %slice3A_73 = vector.extract_strided_slice %get3A_1 {offsets = [0, 2560], sizes = [64, 512], strides = [1, 1]} : vector<64x10752xf32> to vector<64x512xf32>
    %convert_element_type3A_74 = arith.truncf %slice3A_73 : vector<64x512xf32> to vector<64x512xbf16>
    %convert_element_type3A_75 = arith.extf %convert_element_type3A_74 : vector<64x512xbf16> to vector<64x512xf32>
    %sub3A_76 = arith.subf %slice3A_73, %convert_element_type3A_75 : vector<64x512xf32>
    %dot_general3A_77 = arith.constant dense<0.000000e+00> : vector<512x64xf32>
    %dot_general3A_78 = tpu.matmul %convert_element_type3A_75, %convert_element_type3A_3, %dot_general3A_77 {dimension_numbers = #tpu.dot_dimension_numbers<[0], [0], [1], [1], [0, 1, 1, 1], [], []>, transpose_lhs_hint = false} : vector<64x512xf32>, vector<64x64xf32>, vector<512x64xf32> -> vector<512x64xf32>
    %dot_general3A_79 = arith.constant dense<0.000000e+00> : vector<512x64xf32>
    %dot_general3A_80 = tpu.matmul %sub3A_76, %convert_element_type3A_3, %dot_general3A_79 {dimension_numbers = #tpu.dot_dimension_numbers<[0], [0], [1], [1], [0, 1, 1, 1], [], []>, transpose_lhs_hint = false} : vector<64x512xf32>, vector<64x64xf32>, vector<512x64xf32> -> vector<512x64xf32>
    %add3A_81 = arith.addf %dot_general3A_78, %dot_general3A_80 : vector<512x64xf32>
    %slice3A_82 = vector.extract_strided_slice %add3A_81 {offsets = [0, 0], sizes = [256, 64], strides = [1, 1]} : vector<512x64xf32> to vector<256x64xf32>
    %slice3A_83 = vector.extract_strided_slice %add3A_81 {offsets = [256, 0], sizes = [256, 64], strides = [1, 1]} : vector<512x64xf32> to vector<256x64xf32>
    %concatenate3A_84 = tpu.concatenate %slice3A_82, %slice3A_83 in 1 : vector<256x64xf32>, vector<256x64xf32> -> vector<256x128xf32>
    %swap3A_85 = arith.constant 1280 : index
    %swap3A_86 = arith.constant 0 : index
    %swap3A_87 = vector.load %arg2[%swap3A_85, %swap3A_86] : memref<5376x128xf32, #tpu.memory_space<vmem>>, vector<256x128xf32>
    tpu.vector_store %arg2[%swap3A_85, %swap3A_86], %concatenate3A_84 {strides = array<i32>} : memref<5376x128xf32, #tpu.memory_space<vmem>>, vector<256x128xf32>,
    %slice3A_88 = vector.extract_strided_slice %get3A_1 {offsets = [0, 3072], sizes = [64, 512], strides = [1, 1]} : vector<64x10752xf32> to vector<64x512xf32>
    %convert_element_type3A_89 = arith.truncf %slice3A_88 : vector<64x512xf32> to vector<64x512xbf16>
    %convert_element_type3A_90 = arith.extf %convert_element_type3A_89 : vector<64x512xbf16> to vector<64x512xf32>
    %sub3A_91 = arith.subf %slice3A_88, %convert_element_type3A_90 : vector<64x512xf32>
    %dot_general3A_92 = arith.constant dense<0.000000e+00> : vector<512x64xf32>
    %dot_general3A_93 = tpu.matmul %convert_element_type3A_90, %convert_element_type3A_3, %dot_general3A_92 {dimension_numbers = #tpu.dot_dimension_numbers<[0], [0], [1], [1], [0, 1, 1, 1], [], []>, transpose_lhs_hint = false} : vector<64x512xf32>, vector<64x64xf32>, vector<512x64xf32> -> vector<512x64xf32>
    %dot_general3A_94 = arith.constant dense<0.000000e+00> : vector<512x64xf32>
    %dot_general3A_95 = tpu.matmul %sub3A_91, %convert_element_type3A_3, %dot_general3A_94 {dimension_numbers = #tpu.dot_dimension_numbers<[0], [0], [1], [1], [0, 1, 1, 1], [], []>, transpose_lhs_hint = false} : vector<64x512xf32>, vector<64x64xf32>, vector<512x64xf32> -> vector<512x64xf32>
    %add3A_96 = arith.addf %dot_general3A_93, %dot_general3A_95 : vector<512x64xf32>
    %slice3A_97 = vector.extract_strided_slice %add3A_96 {offsets = [0, 0], sizes = [256, 64], strides = [1, 1]} : vector<512x64xf32> to vector<256x64xf32>
    %slice3A_98 = vector.extract_strided_slice %add3A_96 {offsets = [256, 0], sizes = [256, 64], strides = [1, 1]} : vector<512x64xf32> to vector<256x64xf32>
    %concatenate3A_99 = tpu.concatenate %slice3A_97, %slice3A_98 in 1 : vector<256x64xf32>, vector<256x64xf32> -> vector<256x128xf32>
    %swap3A_100 = arith.constant 1536 : index
    %swap3A_101 = arith.constant 0 : index
    %swap3A_102 = vector.load %arg2[%swap3A_100, %swap3A_101] : memref<5376x128xf32, #tpu.memory_space<vmem>>, vector<256x128xf32>
    tpu.vector_store %arg2[%swap3A_100, %swap3A_101], %concatenate3A_99 {strides = array<i32>} : memref<5376x128xf32, #tpu.memory_space<vmem>>, vector<256x128xf32>,
    %slice3A_103 = vector.extract_strided_slice %get3A_1 {offsets = [0, 3584], sizes = [64, 512], strides = [1, 1]} : vector<64x10752xf32> to vector<64x512xf32>
    %convert_element_type3A_104 = arith.truncf %slice3A_103 : vector<64x512xf32> to vector<64x512xbf16>
    %convert_element_type3A_105 = arith.extf %convert_element_type3A_104 : vector<64x512xbf16> to vector<64x512xf32>
    %sub3A_106 = arith.subf %slice3A_103, %convert_element_type3A_105 : vector<64x512xf32>
    %dot_general3A_107 = arith.constant dense<0.000000e+00> : vector<512x64xf32>
    %dot_general3A_108 = tpu.matmul %convert_element_type3A_105, %convert_element_type3A_3, %dot_general3A_107 {dimension_numbers = #tpu.dot_dimension_numbers<[0], [0], [1], [1], [0, 1, 1, 1], [], []>, transpose_lhs_hint = false} : vector<64x512xf32>, vector<64x64xf32>, vector<512x64xf32> -> vector<512x64xf32>
    %dot_general3A_109 = arith.constant dense<0.000000e+00> : vector<512x64xf32>
    %dot_general3A_110 = tpu.matmul %sub3A_106, %convert_element_type3A_3, %dot_general3A_109 {dimension_numbers = #tpu.dot_dimension_numbers<[0], [0], [1], [1], [0, 1, 1, 1], [], []>, transpose_lhs_hint = false} : vector<64x512xf32>, vector<64x64xf32>, vector<512x64xf32> -> vector<512x64xf32>
    %add3A_111 = arith.addf %dot_general3A_108, %dot_general3A_110 : vector<512x64xf32>
    %slice3A_112 = vector.extract_strided_slice %add3A_111 {offsets = [0, 0], sizes = [256, 64], strides = [1, 1]} : vector<512x64xf32> to vector<256x64xf32>
    %slice3A_113 = vector.extract_strided_slice %add3A_111 {offsets = [256, 0], sizes = [256, 64], strides = [1, 1]} : vector<512x64xf32> to vector<256x64xf32>
    %concatenate3A_114 = tpu.concatenate %slice3A_112, %slice3A_113 in 1 : vector<256x64xf32>, vector<256x64xf32> -> vector<256x128xf32>
    %swap3A_115 = arith.constant 1792 : index
    %swap3A_116 = arith.constant 0 : index
    %swap3A_117 = vector.load %arg2[%swap3A_115, %swap3A_116] : memref<5376x128xf32, #tpu.memory_space<vmem>>, vector<256x128xf32>
    tpu.vector_store %arg2[%swap3A_115, %swap3A_116], %concatenate3A_114 {strides = array<i32>} : memref<5376x128xf32, #tpu.memory_space<vmem>>, vector<256x128xf32>,
    %slice3A_118 = vector.extract_strided_slice %get3A_1 {offsets = [0, 4096], sizes = [64, 512], strides = [1, 1]} : vector<64x10752xf32> to vector<64x512xf32>
    %convert_element_type3A_119 = arith.truncf %slice3A_118 : vector<64x512xf32> to vector<64x512xbf16>
    %convert_element_type3A_120 = arith.extf %convert_element_type3A_119 : vector<64x512xbf16> to vector<64x512xf32>
    %sub3A_121 = arith.subf %slice3A_118, %convert_element_type3A_120 : vector<64x512xf32>
    %dot_general3A_122 = arith.constant dense<0.000000e+00> : vector<512x64xf32>
    %dot_general3A_123 = tpu.matmul %convert_element_type3A_120, %convert_element_type3A_3, %dot_general3A_122 {dimension_numbers = #tpu.dot_dimension_numbers<[0], [0], [1], [1], [0, 1, 1, 1], [], []>, transpose_lhs_hint = false} : vector<64x512xf32>, vector<64x64xf32>, vector<512x64xf32> -> vector<512x64xf32>
    %dot_general3A_124 = arith.constant dense<0.000000e+00> : vector<512x64xf32>
    %dot_general3A_125 = tpu.matmul %sub3A_121, %convert_element_type3A_3, %dot_general3A_124 {dimension_numbers = #tpu.dot_dimension_numbers<[0], [0], [1], [1], [0, 1, 1, 1], [], []>, transpose_lhs_hint = false} : vector<64x512xf32>, vector<64x64xf32>, vector<512x64xf32> -> vector<512x64xf32>
    %add3A_126 = arith.addf %dot_general3A_123, %dot_general3A_125 : vector<512x64xf32>
    %slice3A_127 = vector.extract_strided_slice %add3A_126 {offsets = [0, 0], sizes = [256, 64], strides = [1, 1]} : vector<512x64xf32> to vector<256x64xf32>
    %slice3A_128 = vector.extract_strided_slice %add3A_126 {offsets = [256, 0], sizes = [256, 64], strides = [1, 1]} : vector<512x64xf32> to vector<256x64xf32>
    %concatenate3A_129 = tpu.concatenate %slice3A_127, %slice3A_128 in 1 : vector<256x64xf32>, vector<256x64xf32> -> vector<256x128xf32>
    %swap3A_130 = arith.constant 2048 : index
    %swap3A_131 = arith.constant 0 : index
    %swap3A_132 = vector.load %arg2[%swap3A_130, %swap3A_131] : memref<5376x128xf32, #tpu.memory_space<vmem>>, vector<256x128xf32>
    tpu.vector_store %arg2[%swap3A_130, %swap3A_131], %concatenate3A_129 {strides = array<i32>} : memref<5376x128xf32, #tpu.memory_space<vmem>>, vector<256x128xf32>,
    %slice3A_133 = vector.extract_strided_slice %get3A_1 {offsets = [0, 4608], sizes = [64, 512], strides = [1, 1]} : vector<64x10752xf32> to vector<64x512xf32>
    %convert_element_type3A_134 = arith.truncf %slice3A_133 : vector<64x512xf32> to vector<64x512xbf16>
    %convert_element_type3A_135 = arith.extf %convert_element_type3A_134 : vector<64x512xbf16> to vector<64x512xf32>
    %sub3A_136 = arith.subf %slice3A_133, %convert_element_type3A_135 : vector<64x512xf32>
    %dot_general3A_137 = arith.constant dense<0.000000e+00> : vector<512x64xf32>
    %dot_general3A_138 = tpu.matmul %convert_element_type3A_135, %convert_element_type3A_3, %dot_general3A_137 {dimension_numbers = #tpu.dot_dimension_numbers<[0], [0], [1], [1], [0, 1, 1, 1], [], []>, transpose_lhs_hint = false} : vector<64x512xf32>, vector<64x64xf32>, vector<512x64xf32> -> vector<512x64xf32>
    %dot_general3A_139 = arith.constant dense<0.000000e+00> : vector<512x64xf32>
    %dot_general3A_140 = tpu.matmul %sub3A_136, %convert_element_type3A_3, %dot_general3A_139 {dimension_numbers = #tpu.dot_dimension_numbers<[0], [0], [1], [1], [0, 1, 1, 1], [], []>, transpose_lhs_hint = false} : vector<64x512xf32>, vector<64x64xf32>, vector<512x64xf32> -> vector<512x64xf32>
    %add3A_141 = arith.addf %dot_general3A_138, %dot_general3A_140 : vector<512x64xf32>
    %slice3A_142 = vector.extract_strided_slice %add3A_141 {offsets = [0, 0], sizes = [256, 64], strides = [1, 1]} : vector<512x64xf32> to vector<256x64xf32>
    %slice3A_143 = vector.extract_strided_slice %add3A_141 {offsets = [256, 0], sizes = [256, 64], strides = [1, 1]} : vector<512x64xf32> to vector<256x64xf32>
    %concatenate3A_144 = tpu.concatenate %slice3A_142, %slice3A_143 in 1 : vector<256x64xf32>, vector<256x64xf32> -> vector<256x128xf32>
    %swap3A_145 = arith.constant 2304 : index
    %swap3A_146 = arith.constant 0 : index
    %swap3A_147 = vector.load %arg2[%swap3A_145, %swap3A_146] : memref<5376x128xf32, #tpu.memory_space<vmem>>, vector<256x128xf32>
    tpu.vector_store %arg2[%swap3A_145, %swap3A_146], %concatenate3A_144 {strides = array<i32>} : memref<5376x128xf32, #tpu.memory_space<vmem>>, vector<256x128xf32>,
    %slice3A_148 = vector.extract_strided_slice %get3A_1 {offsets = [0, 5120], sizes = [64, 512], strides = [1, 1]} : vector<64x10752xf32> to vector<64x512xf32>
    %convert_element_type3A_149 = arith.truncf %slice3A_148 : vector<64x512xf32> to vector<64x512xbf16>
    %convert_element_type3A_150 = arith.extf %convert_element_type3A_149 : vector<64x512xbf16> to vector<64x512xf32>
    %sub3A_151 = arith.subf %slice3A_148, %convert_element_type3A_150 : vector<64x512xf32>
    %dot_general3A_152 = arith.constant dense<0.000000e+00> : vector<512x64xf32>
    %dot_general3A_153 = tpu.matmul %convert_element_type3A_150, %convert_element_type3A_3, %dot_general3A_152 {dimension_numbers = #tpu.dot_dimension_numbers<[0], [0], [1], [1], [0, 1, 1, 1], [], []>, transpose_lhs_hint = false} : vector<64x512xf32>, vector<64x64xf32>, vector<512x64xf32> -> vector<512x64xf32>
    %dot_general3A_154 = arith.constant dense<0.000000e+00> : vector<512x64xf32>
    %dot_general3A_155 = tpu.matmul %sub3A_151, %convert_element_type3A_3, %dot_general3A_154 {dimension_numbers = #tpu.dot_dimension_numbers<[0], [0], [1], [1], [0, 1, 1, 1], [], []>, transpose_lhs_hint = false} : vector<64x512xf32>, vector<64x64xf32>, vector<512x64xf32> -> vector<512x64xf32>
    %add3A_156 = arith.addf %dot_general3A_153, %dot_general3A_155 : vector<512x64xf32>
    %slice3A_157 = vector.extract_strided_slice %add3A_156 {offsets = [0, 0], sizes = [256, 64], strides = [1, 1]} : vector<512x64xf32> to vector<256x64xf32>
    %slice3A_158 = vector.extract_strided_slice %add3A_156 {offsets = [256, 0], sizes = [256, 64], strides = [1, 1]} : vector<512x64xf32> to vector<256x64xf32>
    %concatenate3A_159 = tpu.concatenate %slice3A_157, %slice3A_158 in 1 : vector<256x64xf32>, vector<256x64xf32> -> vector<256x128xf32>
    %swap3A_160 = arith.constant 2560 : index
    %swap3A_161 = arith.constant 0 : index
    %swap3A_162 = vector.load %arg2[%swap3A_160, %swap3A_161] : memref<5376x128xf32, #tpu.memory_space<vmem>>, vector<256x128xf32>
    tpu.vector_store %arg2[%swap3A_160, %swap3A_161], %concatenate3A_159 {strides = array<i32>} : memref<5376x128xf32, #tpu.memory_space<vmem>>, vector<256x128xf32>,
    %slice3A_163 = vector.extract_strided_slice %get3A_1 {offsets = [0, 5632], sizes = [64, 512], strides = [1, 1]} : vector<64x10752xf32> to vector<64x512xf32>
    %convert_element_type3A_164 = arith.truncf %slice3A_163 : vector<64x512xf32> to vector<64x512xbf16>
    %convert_element_type3A_165 = arith.extf %convert_element_type3A_164 : vector<64x512xbf16> to vector<64x512xf32>
    %sub3A_166 = arith.subf %slice3A_163, %convert_element_type3A_165 : vector<64x512xf32>
    %dot_general3A_167 = arith.constant dense<0.000000e+00> : vector<512x64xf32>
    %dot_general3A_168 = tpu.matmul %convert_element_type3A_165, %convert_element_type3A_3, %dot_general3A_167 {dimension_numbers = #tpu.dot_dimension_numbers<[0], [0], [1], [1], [0, 1, 1, 1], [], []>, transpose_lhs_hint = false} : vector<64x512xf32>, vector<64x64xf32>, vector<512x64xf32> -> vector<512x64xf32>
    %dot_general3A_169 = arith.constant dense<0.000000e+00> : vector<512x64xf32>
    %dot_general3A_170 = tpu.matmul %sub3A_166, %convert_element_type3A_3, %dot_general3A_169 {dimension_numbers = #tpu.dot_dimension_numbers<[0], [0], [1], [1], [0, 1, 1, 1], [], []>, transpose_lhs_hint = false} : vector<64x512xf32>, vector<64x64xf32>, vector<512x64xf32> -> vector<512x64xf32>
    %add3A_171 = arith.addf %dot_general3A_168, %dot_general3A_170 : vector<512x64xf32>
    %slice3A_172 = vector.extract_strided_slice %add3A_171 {offsets = [0, 0], sizes = [256, 64], strides = [1, 1]} : vector<512x64xf32> to vector<256x64xf32>
    %slice3A_173 = vector.extract_strided_slice %add3A_171 {offsets = [256, 0], sizes = [256, 64], strides = [1, 1]} : vector<512x64xf32> to vector<256x64xf32>
    %concatenate3A_174 = tpu.concatenate %slice3A_172, %slice3A_173 in 1 : vector<256x64xf32>, vector<256x64xf32> -> vector<256x128xf32>
    %swap3A_175 = arith.constant 2816 : index
    %swap3A_176 = arith.constant 0 : index
    %swap3A_177 = vector.load %arg2[%swap3A_175, %swap3A_176] : memref<5376x128xf32, #tpu.memory_space<vmem>>, vector<256x128xf32>
    tpu.vector_store %arg2[%swap3A_175, %swap3A_176], %concatenate3A_174 {strides = array<i32>} : memref<5376x128xf32, #tpu.memory_space<vmem>>, vector<256x128xf32>,
    %slice3A_178 = vector.extract_strided_slice %get3A_1 {offsets = [0, 6144], sizes = [64, 512], strides = [1, 1]} : vector<64x10752xf32> to vector<64x512xf32>
    %convert_element_type3A_179 = arith.truncf %slice3A_178 : vector<64x512xf32> to vector<64x512xbf16>
    %convert_element_type3A_180 = arith.extf %convert_element_type3A_179 : vector<64x512xbf16> to vector<64x512xf32>
    %sub3A_181 = arith.subf %slice3A_178, %convert_element_type3A_180 : vector<64x512xf32>
    %dot_general3A_182 = arith.constant dense<0.000000e+00> : vector<512x64xf32>
    %dot_general3A_183 = tpu.matmul %convert_element_type3A_180, %convert_element_type3A_3, %dot_general3A_182 {dimension_numbers = #tpu.dot_dimension_numbers<[0], [0], [1], [1], [0, 1, 1, 1], [], []>, transpose_lhs_hint = false} : vector<64x512xf32>, vector<64x64xf32>, vector<512x64xf32> -> vector<512x64xf32>
    %dot_general3A_184 = arith.constant dense<0.000000e+00> : vector<512x64xf32>
    %dot_general3A_185 = tpu.matmul %sub3A_181, %convert_element_type3A_3, %dot_general3A_184 {dimension_numbers = #tpu.dot_dimension_numbers<[0], [0], [1], [1], [0, 1, 1, 1], [], []>, transpose_lhs_hint = false} : vector<64x512xf32>, vector<64x64xf32>, vector<512x64xf32> -> vector<512x64xf32>
    %add3A_186 = arith.addf %dot_general3A_183, %dot_general3A_185 : vector<512x64xf32>
    %slice3A_187 = vector.extract_strided_slice %add3A_186 {offsets = [0, 0], sizes = [256, 64], strides = [1, 1]} : vector<512x64xf32> to vector<256x64xf32>
    %slice3A_188 = vector.extract_strided_slice %add3A_186 {offsets = [256, 0], sizes = [256, 64], strides = [1, 1]} : vector<512x64xf32> to vector<256x64xf32>
    %concatenate3A_189 = tpu.concatenate %slice3A_187, %slice3A_188 in 1 : vector<256x64xf32>, vector<256x64xf32> -> vector<256x128xf32>
    %swap3A_190 = arith.constant 3072 : index
    %swap3A_191 = arith.constant 0 : index
    %swap3A_192 = vector.load %arg2[%swap3A_190, %swap3A_191] : memref<5376x128xf32, #tpu.memory_space<vmem>>, vector<256x128xf32>
    tpu.vector_store %arg2[%swap3A_190, %swap3A_191], %concatenate3A_189 {strides = array<i32>} : memref<5376x128xf32, #tpu.memory_space<vmem>>, vector<256x128xf32>,
    %slice3A_193 = vector.extract_strided_slice %get3A_1 {offsets = [0, 6656], sizes = [64, 512], strides = [1, 1]} : vector<64x10752xf32> to vector<64x512xf32>
    %convert_element_type3A_194 = arith.truncf %slice3A_193 : vector<64x512xf32> to vector<64x512xbf16>
    %convert_element_type3A_195 = arith.extf %convert_element_type3A_194 : vector<64x512xbf16> to vector<64x512xf32>
    %sub3A_196 = arith.subf %slice3A_193, %convert_element_type3A_195 : vector<64x512xf32>
    %dot_general3A_197 = arith.constant dense<0.000000e+00> : vector<512x64xf32>
    %dot_general3A_198 = tpu.matmul %convert_element_type3A_195, %convert_element_type3A_3, %dot_general3A_197 {dimension_numbers = #tpu.dot_dimension_numbers<[0], [0], [1], [1], [0, 1, 1, 1], [], []>, transpose_lhs_hint = false} : vector<64x512xf32>, vector<64x64xf32>, vector<512x64xf32> -> vector<512x64xf32>
    %dot_general3A_199 = arith.constant dense<0.000000e+00> : vector<512x64xf32>
    %dot_general3A_200 = tpu.matmul %sub3A_196, %convert_element_type3A_3, %dot_general3A_199 {dimension_numbers = #tpu.dot_dimension_numbers<[0], [0], [1], [1], [0, 1, 1, 1], [], []>, transpose_lhs_hint = false} : vector<64x512xf32>, vector<64x64xf32>, vector<512x64xf32> -> vector<512x64xf32>
    %add3A_201 = arith.addf %dot_general3A_198, %dot_general3A_200 : vector<512x64xf32>
    %slice3A_202 = vector.extract_strided_slice %add3A_201 {offsets = [0, 0], sizes = [256, 64], strides = [1, 1]} : vector<512x64xf32> to vector<256x64xf32>
    %slice3A_203 = vector.extract_strided_slice %add3A_201 {offsets = [256, 0], sizes = [256, 64], strides = [1, 1]} : vector<512x64xf32> to vector<256x64xf32>
    %concatenate3A_204 = tpu.concatenate %slice3A_202, %slice3A_203 in 1 : vector<256x64xf32>, vector<256x64xf32> -> vector<256x128xf32>
    %swap3A_205 = arith.constant 3328 : index
    %swap3A_206 = arith.constant 0 : index
    %swap3A_207 = vector.load %arg2[%swap3A_205, %swap3A_206] : memref<5376x128xf32, #tpu.memory_space<vmem>>, vector<256x128xf32>
    tpu.vector_store %arg2[%swap3A_205, %swap3A_206], %concatenate3A_204 {strides = array<i32>} : memref<5376x128xf32, #tpu.memory_space<vmem>>, vector<256x128xf32>,
    %slice3A_208 = vector.extract_strided_slice %get3A_1 {offsets = [0, 7168], sizes = [64, 512], strides = [1, 1]} : vector<64x10752xf32> to vector<64x512xf32>
    %convert_element_type3A_209 = arith.truncf %slice3A_208 : vector<64x512xf32> to vector<64x512xbf16>
    %convert_element_type3A_210 = arith.extf %convert_element_type3A_209 : vector<64x512xbf16> to vector<64x512xf32>
    %sub3A_211 = arith.subf %slice3A_208, %convert_element_type3A_210 : vector<64x512xf32>
    %dot_general3A_212 = arith.constant dense<0.000000e+00> : vector<512x64xf32>
    %dot_general3A_213 = tpu.matmul %convert_element_type3A_210, %convert_element_type3A_3, %dot_general3A_212 {dimension_numbers = #tpu.dot_dimension_numbers<[0], [0], [1], [1], [0, 1, 1, 1], [], []>, transpose_lhs_hint = false} : vector<64x512xf32>, vector<64x64xf32>, vector<512x64xf32> -> vector<512x64xf32>
    %dot_general3A_214 = arith.constant dense<0.000000e+00> : vector<512x64xf32>
    %dot_general3A_215 = tpu.matmul %sub3A_211, %convert_element_type3A_3, %dot_general3A_214 {dimension_numbers = #tpu.dot_dimension_numbers<[0], [0], [1], [1], [0, 1, 1, 1], [], []>, transpose_lhs_hint = false} : vector<64x512xf32>, vector<64x64xf32>, vector<512x64xf32> -> vector<512x64xf32>
    %add3A_216 = arith.addf %dot_general3A_213, %dot_general3A_215 : vector<512x64xf32>
    %slice3A_217 = vector.extract_strided_slice %add3A_216 {offsets = [0, 0], sizes = [256, 64], strides = [1, 1]} : vector<512x64xf32> to vector<256x64xf32>
    %slice3A_218 = vector.extract_strided_slice %add3A_216 {offsets = [256, 0], sizes = [256, 64], strides = [1, 1]} : vector<512x64xf32> to vector<256x64xf32>
    %concatenate3A_219 = tpu.concatenate %slice3A_217, %slice3A_218 in 1 : vector<256x64xf32>, vector<256x64xf32> -> vector<256x128xf32>
    %swap3A_220 = arith.constant 3584 : index
    %swap3A_221 = arith.constant 0 : index
    %swap3A_222 = vector.load %arg2[%swap3A_220, %swap3A_221] : memref<5376x128xf32, #tpu.memory_space<vmem>>, vector<256x128xf32>
    tpu.vector_store %arg2[%swap3A_220, %swap3A_221], %concatenate3A_219 {strides = array<i32>} : memref<5376x128xf32, #tpu.memory_space<vmem>>, vector<256x128xf32>,
    %slice3A_223 = vector.extract_strided_slice %get3A_1 {offsets = [0, 7680], sizes = [64, 512], strides = [1, 1]} : vector<64x10752xf32> to vector<64x512xf32>
    %convert_element_type3A_224 = arith.truncf %slice3A_223 : vector<64x512xf32> to vector<64x512xbf16>
    %convert_element_type3A_225 = arith.extf %convert_element_type3A_224 : vector<64x512xbf16> to vector<64x512xf32>
    %sub3A_226 = arith.subf %slice3A_223, %convert_element_type3A_225 : vector<64x512xf32>
    %dot_general3A_227 = arith.constant dense<0.000000e+00> : vector<512x64xf32>
    %dot_general3A_228 = tpu.matmul %convert_element_type3A_225, %convert_element_type3A_3, %dot_general3A_227 {dimension_numbers = #tpu.dot_dimension_numbers<[0], [0], [1], [1], [0, 1, 1, 1], [], []>, transpose_lhs_hint = false} : vector<64x512xf32>, vector<64x64xf32>, vector<512x64xf32> -> vector<512x64xf32>
    %dot_general3A_229 = arith.constant dense<0.000000e+00> : vector<512x64xf32>
    %dot_general3A_230 = tpu.matmul %sub3A_226, %convert_element_type3A_3, %dot_general3A_229 {dimension_numbers = #tpu.dot_dimension_numbers<[0], [0], [1], [1], [0, 1, 1, 1], [], []>, transpose_lhs_hint = false} : vector<64x512xf32>, vector<64x64xf32>, vector<512x64xf32> -> vector<512x64xf32>
    %add3A_231 = arith.addf %dot_general3A_228, %dot_general3A_230 : vector<512x64xf32>
    %slice3A_232 = vector.extract_strided_slice %add3A_231 {offsets = [0, 0], sizes = [256, 64], strides = [1, 1]} : vector<512x64xf32> to vector<256x64xf32>
    %slice3A_233 = vector.extract_strided_slice %add3A_231 {offsets = [256, 0], sizes = [256, 64], strides = [1, 1]} : vector<512x64xf32> to vector<256x64xf32>
    %concatenate3A_234 = tpu.concatenate %slice3A_232, %slice3A_233 in 1 : vector<256x64xf32>, vector<256x64xf32> -> vector<256x128xf32>
    %swap3A_235 = arith.constant 3840 : index
    %swap3A_236 = arith.constant 0 : index
    %swap3A_237 = vector.load %arg2[%swap3A_235, %swap3A_236] : memref<5376x128xf32, #tpu.memory_space<vmem>>, vector<256x128xf32>
    tpu.vector_store %arg2[%swap3A_235, %swap3A_236], %concatenate3A_234 {strides = array<i32>} : memref<5376x128xf32, #tpu.memory_space<vmem>>, vector<256x128xf32>,
    %slice3A_238 = vector.extract_strided_slice %get3A_1 {offsets = [0, 8192], sizes = [64, 512], strides = [1, 1]} : vector<64x10752xf32> to vector<64x512xf32>
    %convert_element_type3A_239 = arith.truncf %slice3A_238 : vector<64x512xf32> to vector<64x512xbf16>
    %convert_element_type3A_240 = arith.extf %convert_element_type3A_239 : vector<64x512xbf16> to vector<64x512xf32>
    %sub3A_241 = arith.subf %slice3A_238, %convert_element_type3A_240 : vector<64x512xf32>
    %dot_general3A_242 = arith.constant dense<0.000000e+00> : vector<512x64xf32>
    %dot_general3A_243 = tpu.matmul %convert_element_type3A_240, %convert_element_type3A_3, %dot_general3A_242 {dimension_numbers = #tpu.dot_dimension_numbers<[0], [0], [1], [1], [0, 1, 1, 1], [], []>, transpose_lhs_hint = false} : vector<64x512xf32>, vector<64x64xf32>, vector<512x64xf32> -> vector<512x64xf32>
    %dot_general3A_244 = arith.constant dense<0.000000e+00> : vector<512x64xf32>
    %dot_general3A_245 = tpu.matmul %sub3A_241, %convert_element_type3A_3, %dot_general3A_244 {dimension_numbers = #tpu.dot_dimension_numbers<[0], [0], [1], [1], [0, 1, 1, 1], [], []>, transpose_lhs_hint = false} : vector<64x512xf32>, vector<64x64xf32>, vector<512x64xf32> -> vector<512x64xf32>
    %add3A_246 = arith.addf %dot_general3A_243, %dot_general3A_245 : vector<512x64xf32>
    %slice3A_247 = vector.extract_strided_slice %add3A_246 {offsets = [0, 0], sizes = [256, 64], strides = [1, 1]} : vector<512x64xf32> to vector<256x64xf32>
    %slice3A_248 = vector.extract_strided_slice %add3A_246 {offsets = [256, 0], sizes = [256, 64], strides = [1, 1]} : vector<512x64xf32> to vector<256x64xf32>
    %concatenate3A_249 = tpu.concatenate %slice3A_247, %slice3A_248 in 1 : vector<256x64xf32>, vector<256x64xf32> -> vector<256x128xf32>
    %swap3A_250 = arith.constant 4096 : index
    %swap3A_251 = arith.constant 0 : index
    %swap3A_252 = vector.load %arg2[%swap3A_250, %swap3A_251] : memref<5376x128xf32, #tpu.memory_space<vmem>>, vector<256x128xf32>
    tpu.vector_store %arg2[%swap3A_250, %swap3A_251], %concatenate3A_249 {strides = array<i32>} : memref<5376x128xf32, #tpu.memory_space<vmem>>, vector<256x128xf32>,
    %slice3A_253 = vector.extract_strided_slice %get3A_1 {offsets = [0, 8704], sizes = [64, 512], strides = [1, 1]} : vector<64x10752xf32> to vector<64x512xf32>
    %convert_element_type3A_254 = arith.truncf %slice3A_253 : vector<64x512xf32> to vector<64x512xbf16>
    %convert_element_type3A_255 = arith.extf %convert_element_type3A_254 : vector<64x512xbf16> to vector<64x512xf32>
    %sub3A_256 = arith.subf %slice3A_253, %convert_element_type3A_255 : vector<64x512xf32>
    %dot_general3A_257 = arith.constant dense<0.000000e+00> : vector<512x64xf32>
    %dot_general3A_258 = tpu.matmul %convert_element_type3A_255, %convert_element_type3A_3, %dot_general3A_257 {dimension_numbers = #tpu.dot_dimension_numbers<[0], [0], [1], [1], [0, 1, 1, 1], [], []>, transpose_lhs_hint = false} : vector<64x512xf32>, vector<64x64xf32>, vector<512x64xf32> -> vector<512x64xf32>
    %dot_general3A_259 = arith.constant dense<0.000000e+00> : vector<512x64xf32>
    %dot_general3A_260 = tpu.matmul %sub3A_256, %convert_element_type3A_3, %dot_general3A_259 {dimension_numbers = #tpu.dot_dimension_numbers<[0], [0], [1], [1], [0, 1, 1, 1], [], []>, transpose_lhs_hint = false} : vector<64x512xf32>, vector<64x64xf32>, vector<512x64xf32> -> vector<512x64xf32>
    %add3A_261 = arith.addf %dot_general3A_258, %dot_general3A_260 : vector<512x64xf32>
    %slice3A_262 = vector.extract_strided_slice %add3A_261 {offsets = [0, 0], sizes = [256, 64], strides = [1, 1]} : vector<512x64xf32> to vector<256x64xf32>
    %slice3A_263 = vector.extract_strided_slice %add3A_261 {offsets = [256, 0], sizes = [256, 64], strides = [1, 1]} : vector<512x64xf32> to vector<256x64xf32>
    %concatenate3A_264 = tpu.concatenate %slice3A_262, %slice3A_263 in 1 : vector<256x64xf32>, vector<256x64xf32> -> vector<256x128xf32>
    %swap3A_265 = arith.constant 4352 : index
    %swap3A_266 = arith.constant 0 : index
    %swap3A_267 = vector.load %arg2[%swap3A_265, %swap3A_266] : memref<5376x128xf32, #tpu.memory_space<vmem>>, vector<256x128xf32>
    tpu.vector_store %arg2[%swap3A_265, %swap3A_266], %concatenate3A_264 {strides = array<i32>} : memref<5376x128xf32, #tpu.memory_space<vmem>>, vector<256x128xf32>,
    %slice3A_268 = vector.extract_strided_slice %get3A_1 {offsets = [0, 9216], sizes = [64, 512], strides = [1, 1]} : vector<64x10752xf32> to vector<64x512xf32>
    %convert_element_type3A_269 = arith.truncf %slice3A_268 : vector<64x512xf32> to vector<64x512xbf16>
    %convert_element_type3A_270 = arith.extf %convert_element_type3A_269 : vector<64x512xbf16> to vector<64x512xf32>
    %sub3A_271 = arith.subf %slice3A_268, %convert_element_type3A_270 : vector<64x512xf32>
    %dot_general3A_272 = arith.constant dense<0.000000e+00> : vector<512x64xf32>
    %dot_general3A_273 = tpu.matmul %convert_element_type3A_270, %convert_element_type3A_3, %dot_general3A_272 {dimension_numbers = #tpu.dot_dimension_numbers<[0], [0], [1], [1], [0, 1, 1, 1], [], []>, transpose_lhs_hint = false} : vector<64x512xf32>, vector<64x64xf32>, vector<512x64xf32> -> vector<512x64xf32>
    %dot_general3A_274 = arith.constant dense<0.000000e+00> : vector<512x64xf32>
    %dot_general3A_275 = tpu.matmul %sub3A_271, %convert_element_type3A_3, %dot_general3A_274 {dimension_numbers = #tpu.dot_dimension_numbers<[0], [0], [1], [1], [0, 1, 1, 1], [], []>, transpose_lhs_hint = false} : vector<64x512xf32>, vector<64x64xf32>, vector<512x64xf32> -> vector<512x64xf32>
    %add3A_276 = arith.addf %dot_general3A_273, %dot_general3A_275 : vector<512x64xf32>
    %slice3A_277 = vector.extract_strided_slice %add3A_276 {offsets = [0, 0], sizes = [256, 64], strides = [1, 1]} : vector<512x64xf32> to vector<256x64xf32>
    %slice3A_278 = vector.extract_strided_slice %add3A_276 {offsets = [256, 0], sizes = [256, 64], strides = [1, 1]} : vector<512x64xf32> to vector<256x64xf32>
    %concatenate3A_279 = tpu.concatenate %slice3A_277, %slice3A_278 in 1 : vector<256x64xf32>, vector<256x64xf32> -> vector<256x128xf32>
    %swap3A_280 = arith.constant 4608 : index
    %swap3A_281 = arith.constant 0 : index
    %swap3A_282 = vector.load %arg2[%swap3A_280, %swap3A_281] : memref<5376x128xf32, #tpu.memory_space<vmem>>, vector<256x128xf32>
    tpu.vector_store %arg2[%swap3A_280, %swap3A_281], %concatenate3A_279 {strides = array<i32>} : memref<5376x128xf32, #tpu.memory_space<vmem>>, vector<256x128xf32>,
    %slice3A_283 = vector.extract_strided_slice %get3A_1 {offsets = [0, 9728], sizes = [64, 512], strides = [1, 1]} : vector<64x10752xf32> to vector<64x512xf32>
    %convert_element_type3A_284 = arith.truncf %slice3A_283 : vector<64x512xf32> to vector<64x512xbf16>
    %convert_element_type3A_285 = arith.extf %convert_element_type3A_284 : vector<64x512xbf16> to vector<64x512xf32>
    %sub3A_286 = arith.subf %slice3A_283, %convert_element_type3A_285 : vector<64x512xf32>
    %dot_general3A_287 = arith.constant dense<0.000000e+00> : vector<512x64xf32>
    %dot_general3A_288 = tpu.matmul %convert_element_type3A_285, %convert_element_type3A_3, %dot_general3A_287 {dimension_numbers = #tpu.dot_dimension_numbers<[0], [0], [1], [1], [0, 1, 1, 1], [], []>, transpose_lhs_hint = false} : vector<64x512xf32>, vector<64x64xf32>, vector<512x64xf32> -> vector<512x64xf32>
    %dot_general3A_289 = arith.constant dense<0.000000e+00> : vector<512x64xf32>
    %dot_general3A_290 = tpu.matmul %sub3A_286, %convert_element_type3A_3, %dot_general3A_289 {dimension_numbers = #tpu.dot_dimension_numbers<[0], [0], [1], [1], [0, 1, 1, 1], [], []>, transpose_lhs_hint = false} : vector<64x512xf32>, vector<64x64xf32>, vector<512x64xf32> -> vector<512x64xf32>
    %add3A_291 = arith.addf %dot_general3A_288, %dot_general3A_290 : vector<512x64xf32>
    %slice3A_292 = vector.extract_strided_slice %add3A_291 {offsets = [0, 0], sizes = [256, 64], strides = [1, 1]} : vector<512x64xf32> to vector<256x64xf32>
    %slice3A_293 = vector.extract_strided_slice %add3A_291 {offsets = [256, 0], sizes = [256, 64], strides = [1, 1]} : vector<512x64xf32> to vector<256x64xf32>
    %concatenate3A_294 = tpu.concatenate %slice3A_292, %slice3A_293 in 1 : vector<256x64xf32>, vector<256x64xf32> -> vector<256x128xf32>
    %swap3A_295 = arith.constant 4864 : index
    %swap3A_296 = arith.constant 0 : index
    %swap3A_297 = vector.load %arg2[%swap3A_295, %swap3A_296] : memref<5376x128xf32, #tpu.memory_space<vmem>>, vector<256x128xf32>
    tpu.vector_store %arg2[%swap3A_295, %swap3A_296], %concatenate3A_294 {strides = array<i32>} : memref<5376x128xf32, #tpu.memory_space<vmem>>, vector<256x128xf32>,
    %slice3A_298 = vector.extract_strided_slice %get3A_1 {offsets = [0, 10240], sizes = [64, 512], strides = [1, 1]} : vector<64x10752xf32> to vector<64x512xf32>
    %convert_element_type3A_299 = arith.truncf %slice3A_298 : vector<64x512xf32> to vector<64x512xbf16>
    %convert_element_type3A_300 = arith.extf %convert_element_type3A_299 : vector<64x512xbf16> to vector<64x512xf32>
    %sub3A_301 = arith.subf %slice3A_298, %convert_element_type3A_300 : vector<64x512xf32>
    %dot_general3A_302 = arith.constant dense<0.000000e+00> : vector<512x64xf32>
    %dot_general3A_303 = tpu.matmul %convert_element_type3A_300, %convert_element_type3A_3, %dot_general3A_302 {dimension_numbers = #tpu.dot_dimension_numbers<[0], [0], [1], [1], [0, 1, 1, 1], [], []>, transpose_lhs_hint = false} : vector<64x512xf32>, vector<64x64xf32>, vector<512x64xf32> -> vector<512x64xf32>
    %dot_general3A_304 = arith.constant dense<0.000000e+00> : vector<512x64xf32>
    %dot_general3A_305 = tpu.matmul %sub3A_301, %convert_element_type3A_3, %dot_general3A_304 {dimension_numbers = #tpu.dot_dimension_numbers<[0], [0], [1], [1], [0, 1, 1, 1], [], []>, transpose_lhs_hint = false} : vector<64x512xf32>, vector<64x64xf32>, vector<512x64xf32> -> vector<512x64xf32>
    %add3A_306 = arith.addf %dot_general3A_303, %dot_general3A_305 : vector<512x64xf32>
    %slice3A_307 = vector.extract_strided_slice %add3A_306 {offsets = [0, 0], sizes = [256, 64], strides = [1, 1]} : vector<512x64xf32> to vector<256x64xf32>
    %slice3A_308 = vector.extract_strided_slice %add3A_306 {offsets = [256, 0], sizes = [256, 64], strides = [1, 1]} : vector<512x64xf32> to vector<256x64xf32>
    %concatenate3A_309 = tpu.concatenate %slice3A_307, %slice3A_308 in 1 : vector<256x64xf32>, vector<256x64xf32> -> vector<256x128xf32>
    %swap3A_310 = arith.constant 5120 : index
    %swap3A_311 = arith.constant 0 : index
    %swap3A_312 = vector.load %arg2[%swap3A_310, %swap3A_311] : memref<5376x128xf32, #tpu.memory_space<vmem>>, vector<256x128xf32>
    tpu.vector_store %arg2[%swap3A_310, %swap3A_311], %concatenate3A_309 {strides = array<i32>} : memref<5376x128xf32, #tpu.memory_space<vmem>>, vector<256x128xf32>,
    return
  }
  func.func @transform_0(%arg0: i32) -> (i32, i32) {
    %c0_i32 = arith.constant 0 : i32
    %c0_i32_0 = arith.constant 0 : i32
    return %c0_i32, %arg0 : i32, i32
  }
  func.func @transform_1(%arg0: i32) -> (i32, i32) {
    %c0_i32 = arith.constant 0 : i32
    %c0_i32_0 = arith.constant 0 : i32
    return %arg0, %c0_i32 : i32, i32
  }
}

module attributes {stable_mosaic.version = 14 : i64} {
  func.func @_out_layout_body(%arg0: i32, %arg1: memref<1664x128xf32, #tpu.memory_space<vmem>>, %arg2: memref<26x128x128xi32, #tpu.memory_space<vmem>>, %arg3: memref<64x64xf32, #tpu.memory_space<vmem>>, %arg4: memref<26x64x128xf32, #tpu.memory_space<vmem>>) attributes {dimension_semantics = [#tpu.dimension_semantics<arbitrary>], iteration_bounds = array<i64: 128>, scalar_prefetch = 0 : i64, scratch_operands = 0 : i64, tpu.core_type = #tpu.core_type<tc>, window_params = [{transform_indices = @transform_0, window_bounds = array<i64: 1664, 128>}, {pipeline_mode = #tpu.pipeline_mode<synchronous>, transform_indices = @transform_1, window_bounds = array<i64: 26, 128, 128>}, {pipeline_mode = #tpu.pipeline_mode<synchronous>, transform_indices = @transform_2, window_bounds = array<i64: 64, 64>}, {transform_indices = @transform_3, window_bounds = array<i64: 26, 64, 128>}]} {
    %get3A = arith.constant 0 : index
    %get3A_0 = arith.constant 0 : index
    %get3A_1 = vector.load %arg1[%get3A, %get3A_0] : memref<1664x128xf32, #tpu.memory_space<vmem>>, vector<1664x128xf32>
    %reshape3A = vector.shape_cast %get3A_1 : vector<1664x128xf32> to vector<128x13x128xf32>
    %iota3A = tpu.iota {dimensions = array<i32: 0>} : vector<128x128xi32>
    %iota3A_2 = tpu.iota {dimensions = array<i32: 1>} : vector<128x128xi32>
    %eq3A = arith.cmpi eq, %iota3A, %iota3A_2 : vector<128x128xi32>
    %convert_element_type3A = arith.extui %eq3A : vector<128x128xi1> to vector<128x128xi32>
    %convert_element_type3A_3 = arith.sitofp %convert_element_type3A : vector<128x128xi32> to vector<128x128xf32>
    %iota3A_4 = tpu.iota {dimensions = array<i32: 0>} : vector<64x128xi32>
    %get3A_5 = arith.constant 0 : index
    %get3A_6 = arith.constant 0 : index
    %get3A_7 = vector.load %arg3[%get3A_5, %get3A_6] : memref<64x64xf32, #tpu.memory_space<vmem>>, vector<64x64xf32>
    %slice3A = vector.extract_strided_slice %reshape3A {offsets = [0, 0, 0], sizes = [128, 1, 64], strides = [1, 1, 1]} : vector<128x13x128xf32> to vector<128x1x64xf32>
    %squeeze3A = vector.shape_cast %slice3A : vector<128x1x64xf32> to vector<128x64xf32>
    %convert_element_type3A_8 = arith.truncf %squeeze3A : vector<128x64xf32> to vector<128x64xbf16>
    %convert_element_type3A_9 = arith.extf %convert_element_type3A_8 : vector<128x64xbf16> to vector<128x64xf32>
    %sub3A = arith.subf %squeeze3A, %convert_element_type3A_9 : vector<128x64xf32>
    %dot_general3A = arith.constant dense<0.000000e+00> : vector<64x128xf32>
    %dot_general3A_10 = tpu.matmul %convert_element_type3A_9, %convert_element_type3A_3, %dot_general3A {dimension_numbers = #tpu.dot_dimension_numbers<[0], [0], [1], [1], [0, 1, 1, 1], [], []>, transpose_lhs_hint = false} : vector<128x64xf32>, vector<128x128xf32>, vector<64x128xf32> -> vector<64x128xf32>
    %dot_general3A_11 = arith.constant dense<0.000000e+00> : vector<64x128xf32>
    %dot_general3A_12 = tpu.matmul %sub3A, %convert_element_type3A_3, %dot_general3A_11 {dimension_numbers = #tpu.dot_dimension_numbers<[0], [0], [1], [1], [0, 1, 1, 1], [], []>, transpose_lhs_hint = false} : vector<128x64xf32>, vector<128x128xf32>, vector<64x128xf32> -> vector<64x128xf32>
    %add3A = arith.addf %dot_general3A_10, %dot_general3A_12 : vector<64x128xf32>
    %get3A_13 = arith.constant 0 : index
    %get3A_14 = arith.index_cast %arg0 : i32 to index
    %get3A_15 = arith.constant 0 : index
    %get3A_16 = vector.load %arg2[%get3A_13, %get3A_14, %get3A_15] : memref<26x128x128xi32, #tpu.memory_space<vmem>>, vector<1x1x128xi32>
    %get3A_17 = vector.shape_cast %get3A_16 : vector<1x1x128xi32> to vector<1x128xi32>
    %sub3A_18 = arith.constant 999936 : i32
    %sub3A_19 = vector.broadcast %sub3A_18 : i32 to vector<1x128xi32>
    %sub3A_20 = arith.subi %get3A_17, %sub3A_19 : vector<1x128xi32>
    %broadcast_in_dim3A = vector.shape_cast %sub3A_20 : vector<1x128xi32> to vector<1x128xi32>
    %broadcast_in_dim3A_21 = vector.broadcast %broadcast_in_dim3A : vector<1x128xi32> to vector<64x128xi32>
    %eq3A_22 = arith.cmpi eq, %iota3A_4, %broadcast_in_dim3A_21 : vector<64x128xi32>
    %convert_element_type3A_23 = arith.extui %eq3A_22 : vector<64x128xi1> to vector<64x128xi32>
    %convert_element_type3A_24 = arith.sitofp %convert_element_type3A_23 : vector<64x128xi32> to vector<64x128xf32>
    %dot_general3A_25 = arith.constant dense<0.000000e+00> : vector<64x128xf32>
    %dot_general3A_26 = tpu.matmul %get3A_7, %convert_element_type3A_24, %dot_general3A_25 {dimension_numbers = #tpu.dot_dimension_numbers<[0], [0], [1], [1], [0, 1, 1, 1], [], []>, precision = #tpu.contract_precision<fp32>, transpose_lhs_hint = false} : vector<64x64xf32>, vector<64x128xf32>, vector<64x128xf32> -> vector<64x128xf32>
    %ge3A = arith.constant 0 : i32
    %ge3A_27 = vector.broadcast %ge3A : i32 to vector<1x128xi32>
    %ge3A_28 = arith.cmpi sge, %sub3A_20, %ge3A_27 : vector<1x128xi32>
    %broadcast_in_dim3A_29 = vector.shape_cast %ge3A_28 : vector<1x128xi1> to vector<1x128xi1>
    %broadcast_in_dim3A_30 = vector.broadcast %broadcast_in_dim3A_29 : vector<1x128xi1> to vector<64x128xi1>
    %select_n3A = arith.select %broadcast_in_dim3A_30, %dot_general3A_26, %add3A : vector<64x128xi1>, vector<64x128xf32>
    %swap3A = arith.constant 0 : index
    %swap3A_31 = arith.constant 0 : index
    %swap3A_32 = arith.constant 0 : index
    %swap3A_33 = vector.load %arg4[%swap3A, %swap3A_31, %swap3A_32] : memref<26x64x128xf32, #tpu.memory_space<vmem>>, vector<1x64x128xf32>
    %swap3A_34 = vector.shape_cast %swap3A_33 : vector<1x64x128xf32> to vector<64x128xf32>
    %swap3A_35 = vector.shape_cast %select_n3A : vector<64x128xf32> to vector<1x64x128xf32>
    tpu.vector_store %arg4[%swap3A, %swap3A_31, %swap3A_32], %swap3A_35 {strides = array<i32>} : memref<26x64x128xf32, #tpu.memory_space<vmem>>, vector<1x64x128xf32>,
    %slice3A_36 = vector.extract_strided_slice %reshape3A {offsets = [0, 0, 64], sizes = [128, 1, 64], strides = [1, 1, 1]} : vector<128x13x128xf32> to vector<128x1x64xf32>
    %squeeze3A_37 = vector.shape_cast %slice3A_36 : vector<128x1x64xf32> to vector<128x64xf32>
    %convert_element_type3A_38 = arith.truncf %squeeze3A_37 : vector<128x64xf32> to vector<128x64xbf16>
    %convert_element_type3A_39 = arith.extf %convert_element_type3A_38 : vector<128x64xbf16> to vector<128x64xf32>
    %sub3A_40 = arith.subf %squeeze3A_37, %convert_element_type3A_39 : vector<128x64xf32>
    %dot_general3A_41 = arith.constant dense<0.000000e+00> : vector<64x128xf32>
    %dot_general3A_42 = tpu.matmul %convert_element_type3A_39, %convert_element_type3A_3, %dot_general3A_41 {dimension_numbers = #tpu.dot_dimension_numbers<[0], [0], [1], [1], [0, 1, 1, 1], [], []>, transpose_lhs_hint = false} : vector<128x64xf32>, vector<128x128xf32>, vector<64x128xf32> -> vector<64x128xf32>
    %dot_general3A_43 = arith.constant dense<0.000000e+00> : vector<64x128xf32>
    %dot_general3A_44 = tpu.matmul %sub3A_40, %convert_element_type3A_3, %dot_general3A_43 {dimension_numbers = #tpu.dot_dimension_numbers<[0], [0], [1], [1], [0, 1, 1, 1], [], []>, transpose_lhs_hint = false} : vector<128x64xf32>, vector<128x128xf32>, vector<64x128xf32> -> vector<64x128xf32>
    %add3A_45 = arith.addf %dot_general3A_42, %dot_general3A_44 : vector<64x128xf32>
    %get3A_46 = arith.constant 1 : index
    %get3A_47 = arith.index_cast %arg0 : i32 to index
    %get3A_48 = arith.constant 0 : index
    %get3A_49 = vector.load %arg2[%get3A_46, %get3A_47, %get3A_48] : memref<26x128x128xi32, #tpu.memory_space<vmem>>, vector<1x1x128xi32>
    %get3A_50 = vector.shape_cast %get3A_49 : vector<1x1x128xi32> to vector<1x128xi32>
    %sub3A_51 = arith.constant 999936 : i32
    %sub3A_52 = vector.broadcast %sub3A_51 : i32 to vector<1x128xi32>
    %sub3A_53 = arith.subi %get3A_50, %sub3A_52 : vector<1x128xi32>
    %broadcast_in_dim3A_54 = vector.shape_cast %sub3A_53 : vector<1x128xi32> to vector<1x128xi32>
    %broadcast_in_dim3A_55 = vector.broadcast %broadcast_in_dim3A_54 : vector<1x128xi32> to vector<64x128xi32>
    %eq3A_56 = arith.cmpi eq, %iota3A_4, %broadcast_in_dim3A_55 : vector<64x128xi32>
    %convert_element_type3A_57 = arith.extui %eq3A_56 : vector<64x128xi1> to vector<64x128xi32>
    %convert_element_type3A_58 = arith.sitofp %convert_element_type3A_57 : vector<64x128xi32> to vector<64x128xf32>
    %dot_general3A_59 = arith.constant dense<0.000000e+00> : vector<64x128xf32>
    %dot_general3A_60 = tpu.matmul %get3A_7, %convert_element_type3A_58, %dot_general3A_59 {dimension_numbers = #tpu.dot_dimension_numbers<[0], [0], [1], [1], [0, 1, 1, 1], [], []>, precision = #tpu.contract_precision<fp32>, transpose_lhs_hint = false} : vector<64x64xf32>, vector<64x128xf32>, vector<64x128xf32> -> vector<64x128xf32>
    %ge3A_61 = arith.constant 0 : i32
    %ge3A_62 = vector.broadcast %ge3A_61 : i32 to vector<1x128xi32>
    %ge3A_63 = arith.cmpi sge, %sub3A_53, %ge3A_62 : vector<1x128xi32>
    %broadcast_in_dim3A_64 = vector.shape_cast %ge3A_63 : vector<1x128xi1> to vector<1x128xi1>
    %broadcast_in_dim3A_65 = vector.broadcast %broadcast_in_dim3A_64 : vector<1x128xi1> to vector<64x128xi1>
    %select_n3A_66 = arith.select %broadcast_in_dim3A_65, %dot_general3A_60, %add3A_45 : vector<64x128xi1>, vector<64x128xf32>
    %swap3A_67 = arith.constant 1 : index
    %swap3A_68 = arith.constant 0 : index
    %swap3A_69 = arith.constant 0 : index
    %swap3A_70 = vector.load %arg4[%swap3A_67, %swap3A_68, %swap3A_69] : memref<26x64x128xf32, #tpu.memory_space<vmem>>, vector<1x64x128xf32>
    %swap3A_71 = vector.shape_cast %swap3A_70 : vector<1x64x128xf32> to vector<64x128xf32>
    %swap3A_72 = vector.shape_cast %select_n3A_66 : vector<64x128xf32> to vector<1x64x128xf32>
    tpu.vector_store %arg4[%swap3A_67, %swap3A_68, %swap3A_69], %swap3A_72 {strides = array<i32>} : memref<26x64x128xf32, #tpu.memory_space<vmem>>, vector<1x64x128xf32>,
    %slice3A_73 = vector.extract_strided_slice %reshape3A {offsets = [0, 1, 0], sizes = [128, 1, 64], strides = [1, 1, 1]} : vector<128x13x128xf32> to vector<128x1x64xf32>
    %squeeze3A_74 = vector.shape_cast %slice3A_73 : vector<128x1x64xf32> to vector<128x64xf32>
    %convert_element_type3A_75 = arith.truncf %squeeze3A_74 : vector<128x64xf32> to vector<128x64xbf16>
    %convert_element_type3A_76 = arith.extf %convert_element_type3A_75 : vector<128x64xbf16> to vector<128x64xf32>
    %sub3A_77 = arith.subf %squeeze3A_74, %convert_element_type3A_76 : vector<128x64xf32>
    %dot_general3A_78 = arith.constant dense<0.000000e+00> : vector<64x128xf32>
    %dot_general3A_79 = tpu.matmul %convert_element_type3A_76, %convert_element_type3A_3, %dot_general3A_78 {dimension_numbers = #tpu.dot_dimension_numbers<[0], [0], [1], [1], [0, 1, 1, 1], [], []>, transpose_lhs_hint = false} : vector<128x64xf32>, vector<128x128xf32>, vector<64x128xf32> -> vector<64x128xf32>
    %dot_general3A_80 = arith.constant dense<0.000000e+00> : vector<64x128xf32>
    %dot_general3A_81 = tpu.matmul %sub3A_77, %convert_element_type3A_3, %dot_general3A_80 {dimension_numbers = #tpu.dot_dimension_numbers<[0], [0], [1], [1], [0, 1, 1, 1], [], []>, transpose_lhs_hint = false} : vector<128x64xf32>, vector<128x128xf32>, vector<64x128xf32> -> vector<64x128xf32>
    %add3A_82 = arith.addf %dot_general3A_79, %dot_general3A_81 : vector<64x128xf32>
    %get3A_83 = arith.constant 2 : index
    %get3A_84 = arith.index_cast %arg0 : i32 to index
    %get3A_85 = arith.constant 0 : index
    %get3A_86 = vector.load %arg2[%get3A_83, %get3A_84, %get3A_85] : memref<26x128x128xi32, #tpu.memory_space<vmem>>, vector<1x1x128xi32>
    %get3A_87 = vector.shape_cast %get3A_86 : vector<1x1x128xi32> to vector<1x128xi32>
    %sub3A_88 = arith.constant 999936 : i32
    %sub3A_89 = vector.broadcast %sub3A_88 : i32 to vector<1x128xi32>
    %sub3A_90 = arith.subi %get3A_87, %sub3A_89 : vector<1x128xi32>
    %broadcast_in_dim3A_91 = vector.shape_cast %sub3A_90 : vector<1x128xi32> to vector<1x128xi32>
    %broadcast_in_dim3A_92 = vector.broadcast %broadcast_in_dim3A_91 : vector<1x128xi32> to vector<64x128xi32>
    %eq3A_93 = arith.cmpi eq, %iota3A_4, %broadcast_in_dim3A_92 : vector<64x128xi32>
    %convert_element_type3A_94 = arith.extui %eq3A_93 : vector<64x128xi1> to vector<64x128xi32>
    %convert_element_type3A_95 = arith.sitofp %convert_element_type3A_94 : vector<64x128xi32> to vector<64x128xf32>
    %dot_general3A_96 = arith.constant dense<0.000000e+00> : vector<64x128xf32>
    %dot_general3A_97 = tpu.matmul %get3A_7, %convert_element_type3A_95, %dot_general3A_96 {dimension_numbers = #tpu.dot_dimension_numbers<[0], [0], [1], [1], [0, 1, 1, 1], [], []>, precision = #tpu.contract_precision<fp32>, transpose_lhs_hint = false} : vector<64x64xf32>, vector<64x128xf32>, vector<64x128xf32> -> vector<64x128xf32>
    %ge3A_98 = arith.constant 0 : i32
    %ge3A_99 = vector.broadcast %ge3A_98 : i32 to vector<1x128xi32>
    %ge3A_100 = arith.cmpi sge, %sub3A_90, %ge3A_99 : vector<1x128xi32>
    %broadcast_in_dim3A_101 = vector.shape_cast %ge3A_100 : vector<1x128xi1> to vector<1x128xi1>
    %broadcast_in_dim3A_102 = vector.broadcast %broadcast_in_dim3A_101 : vector<1x128xi1> to vector<64x128xi1>
    %select_n3A_103 = arith.select %broadcast_in_dim3A_102, %dot_general3A_97, %add3A_82 : vector<64x128xi1>, vector<64x128xf32>
    %swap3A_104 = arith.constant 2 : index
    %swap3A_105 = arith.constant 0 : index
    %swap3A_106 = arith.constant 0 : index
    %swap3A_107 = vector.load %arg4[%swap3A_104, %swap3A_105, %swap3A_106] : memref<26x64x128xf32, #tpu.memory_space<vmem>>, vector<1x64x128xf32>
    %swap3A_108 = vector.shape_cast %swap3A_107 : vector<1x64x128xf32> to vector<64x128xf32>
    %swap3A_109 = vector.shape_cast %select_n3A_103 : vector<64x128xf32> to vector<1x64x128xf32>
    tpu.vector_store %arg4[%swap3A_104, %swap3A_105, %swap3A_106], %swap3A_109 {strides = array<i32>} : memref<26x64x128xf32, #tpu.memory_space<vmem>>, vector<1x64x128xf32>,
    %slice3A_110 = vector.extract_strided_slice %reshape3A {offsets = [0, 1, 64], sizes = [128, 1, 64], strides = [1, 1, 1]} : vector<128x13x128xf32> to vector<128x1x64xf32>
    %squeeze3A_111 = vector.shape_cast %slice3A_110 : vector<128x1x64xf32> to vector<128x64xf32>
    %convert_element_type3A_112 = arith.truncf %squeeze3A_111 : vector<128x64xf32> to vector<128x64xbf16>
    %convert_element_type3A_113 = arith.extf %convert_element_type3A_112 : vector<128x64xbf16> to vector<128x64xf32>
    %sub3A_114 = arith.subf %squeeze3A_111, %convert_element_type3A_113 : vector<128x64xf32>
    %dot_general3A_115 = arith.constant dense<0.000000e+00> : vector<64x128xf32>
    %dot_general3A_116 = tpu.matmul %convert_element_type3A_113, %convert_element_type3A_3, %dot_general3A_115 {dimension_numbers = #tpu.dot_dimension_numbers<[0], [0], [1], [1], [0, 1, 1, 1], [], []>, transpose_lhs_hint = false} : vector<128x64xf32>, vector<128x128xf32>, vector<64x128xf32> -> vector<64x128xf32>
    %dot_general3A_117 = arith.constant dense<0.000000e+00> : vector<64x128xf32>
    %dot_general3A_118 = tpu.matmul %sub3A_114, %convert_element_type3A_3, %dot_general3A_117 {dimension_numbers = #tpu.dot_dimension_numbers<[0], [0], [1], [1], [0, 1, 1, 1], [], []>, transpose_lhs_hint = false} : vector<128x64xf32>, vector<128x128xf32>, vector<64x128xf32> -> vector<64x128xf32>
    %add3A_119 = arith.addf %dot_general3A_116, %dot_general3A_118 : vector<64x128xf32>
    %get3A_120 = arith.constant 3 : index
    %get3A_121 = arith.index_cast %arg0 : i32 to index
    %get3A_122 = arith.constant 0 : index
    %get3A_123 = vector.load %arg2[%get3A_120, %get3A_121, %get3A_122] : memref<26x128x128xi32, #tpu.memory_space<vmem>>, vector<1x1x128xi32>
    %get3A_124 = vector.shape_cast %get3A_123 : vector<1x1x128xi32> to vector<1x128xi32>
    %sub3A_125 = arith.constant 999936 : i32
    %sub3A_126 = vector.broadcast %sub3A_125 : i32 to vector<1x128xi32>
    %sub3A_127 = arith.subi %get3A_124, %sub3A_126 : vector<1x128xi32>
    %broadcast_in_dim3A_128 = vector.shape_cast %sub3A_127 : vector<1x128xi32> to vector<1x128xi32>
    %broadcast_in_dim3A_129 = vector.broadcast %broadcast_in_dim3A_128 : vector<1x128xi32> to vector<64x128xi32>
    %eq3A_130 = arith.cmpi eq, %iota3A_4, %broadcast_in_dim3A_129 : vector<64x128xi32>
    %convert_element_type3A_131 = arith.extui %eq3A_130 : vector<64x128xi1> to vector<64x128xi32>
    %convert_element_type3A_132 = arith.sitofp %convert_element_type3A_131 : vector<64x128xi32> to vector<64x128xf32>
    %dot_general3A_133 = arith.constant dense<0.000000e+00> : vector<64x128xf32>
    %dot_general3A_134 = tpu.matmul %get3A_7, %convert_element_type3A_132, %dot_general3A_133 {dimension_numbers = #tpu.dot_dimension_numbers<[0], [0], [1], [1], [0, 1, 1, 1], [], []>, precision = #tpu.contract_precision<fp32>, transpose_lhs_hint = false} : vector<64x64xf32>, vector<64x128xf32>, vector<64x128xf32> -> vector<64x128xf32>
    %ge3A_135 = arith.constant 0 : i32
    %ge3A_136 = vector.broadcast %ge3A_135 : i32 to vector<1x128xi32>
    %ge3A_137 = arith.cmpi sge, %sub3A_127, %ge3A_136 : vector<1x128xi32>
    %broadcast_in_dim3A_138 = vector.shape_cast %ge3A_137 : vector<1x128xi1> to vector<1x128xi1>
    %broadcast_in_dim3A_139 = vector.broadcast %broadcast_in_dim3A_138 : vector<1x128xi1> to vector<64x128xi1>
    %select_n3A_140 = arith.select %broadcast_in_dim3A_139, %dot_general3A_134, %add3A_119 : vector<64x128xi1>, vector<64x128xf32>
    %swap3A_141 = arith.constant 3 : index
    %swap3A_142 = arith.constant 0 : index
    %swap3A_143 = arith.constant 0 : index
    %swap3A_144 = vector.load %arg4[%swap3A_141, %swap3A_142, %swap3A_143] : memref<26x64x128xf32, #tpu.memory_space<vmem>>, vector<1x64x128xf32>
    %swap3A_145 = vector.shape_cast %swap3A_144 : vector<1x64x128xf32> to vector<64x128xf32>
    %swap3A_146 = vector.shape_cast %select_n3A_140 : vector<64x128xf32> to vector<1x64x128xf32>
    tpu.vector_store %arg4[%swap3A_141, %swap3A_142, %swap3A_143], %swap3A_146 {strides = array<i32>} : memref<26x64x128xf32, #tpu.memory_space<vmem>>, vector<1x64x128xf32>,
    %slice3A_147 = vector.extract_strided_slice %reshape3A {offsets = [0, 2, 0], sizes = [128, 1, 64], strides = [1, 1, 1]} : vector<128x13x128xf32> to vector<128x1x64xf32>
    %squeeze3A_148 = vector.shape_cast %slice3A_147 : vector<128x1x64xf32> to vector<128x64xf32>
    %convert_element_type3A_149 = arith.truncf %squeeze3A_148 : vector<128x64xf32> to vector<128x64xbf16>
    %convert_element_type3A_150 = arith.extf %convert_element_type3A_149 : vector<128x64xbf16> to vector<128x64xf32>
    %sub3A_151 = arith.subf %squeeze3A_148, %convert_element_type3A_150 : vector<128x64xf32>
    %dot_general3A_152 = arith.constant dense<0.000000e+00> : vector<64x128xf32>
    %dot_general3A_153 = tpu.matmul %convert_element_type3A_150, %convert_element_type3A_3, %dot_general3A_152 {dimension_numbers = #tpu.dot_dimension_numbers<[0], [0], [1], [1], [0, 1, 1, 1], [], []>, transpose_lhs_hint = false} : vector<128x64xf32>, vector<128x128xf32>, vector<64x128xf32> -> vector<64x128xf32>
    %dot_general3A_154 = arith.constant dense<0.000000e+00> : vector<64x128xf32>
    %dot_general3A_155 = tpu.matmul %sub3A_151, %convert_element_type3A_3, %dot_general3A_154 {dimension_numbers = #tpu.dot_dimension_numbers<[0], [0], [1], [1], [0, 1, 1, 1], [], []>, transpose_lhs_hint = false} : vector<128x64xf32>, vector<128x128xf32>, vector<64x128xf32> -> vector<64x128xf32>
    %add3A_156 = arith.addf %dot_general3A_153, %dot_general3A_155 : vector<64x128xf32>
    %get3A_157 = arith.constant 4 : index
    %get3A_158 = arith.index_cast %arg0 : i32 to index
    %get3A_159 = arith.constant 0 : index
    %get3A_160 = vector.load %arg2[%get3A_157, %get3A_158, %get3A_159] : memref<26x128x128xi32, #tpu.memory_space<vmem>>, vector<1x1x128xi32>
    %get3A_161 = vector.shape_cast %get3A_160 : vector<1x1x128xi32> to vector<1x128xi32>
    %sub3A_162 = arith.constant 999936 : i32
    %sub3A_163 = vector.broadcast %sub3A_162 : i32 to vector<1x128xi32>
    %sub3A_164 = arith.subi %get3A_161, %sub3A_163 : vector<1x128xi32>
    %broadcast_in_dim3A_165 = vector.shape_cast %sub3A_164 : vector<1x128xi32> to vector<1x128xi32>
    %broadcast_in_dim3A_166 = vector.broadcast %broadcast_in_dim3A_165 : vector<1x128xi32> to vector<64x128xi32>
    %eq3A_167 = arith.cmpi eq, %iota3A_4, %broadcast_in_dim3A_166 : vector<64x128xi32>
    %convert_element_type3A_168 = arith.extui %eq3A_167 : vector<64x128xi1> to vector<64x128xi32>
    %convert_element_type3A_169 = arith.sitofp %convert_element_type3A_168 : vector<64x128xi32> to vector<64x128xf32>
    %dot_general3A_170 = arith.constant dense<0.000000e+00> : vector<64x128xf32>
    %dot_general3A_171 = tpu.matmul %get3A_7, %convert_element_type3A_169, %dot_general3A_170 {dimension_numbers = #tpu.dot_dimension_numbers<[0], [0], [1], [1], [0, 1, 1, 1], [], []>, precision = #tpu.contract_precision<fp32>, transpose_lhs_hint = false} : vector<64x64xf32>, vector<64x128xf32>, vector<64x128xf32> -> vector<64x128xf32>
    %ge3A_172 = arith.constant 0 : i32
    %ge3A_173 = vector.broadcast %ge3A_172 : i32 to vector<1x128xi32>
    %ge3A_174 = arith.cmpi sge, %sub3A_164, %ge3A_173 : vector<1x128xi32>
    %broadcast_in_dim3A_175 = vector.shape_cast %ge3A_174 : vector<1x128xi1> to vector<1x128xi1>
    %broadcast_in_dim3A_176 = vector.broadcast %broadcast_in_dim3A_175 : vector<1x128xi1> to vector<64x128xi1>
    %select_n3A_177 = arith.select %broadcast_in_dim3A_176, %dot_general3A_171, %add3A_156 : vector<64x128xi1>, vector<64x128xf32>
    %swap3A_178 = arith.constant 4 : index
    %swap3A_179 = arith.constant 0 : index
    %swap3A_180 = arith.constant 0 : index
    %swap3A_181 = vector.load %arg4[%swap3A_178, %swap3A_179, %swap3A_180] : memref<26x64x128xf32, #tpu.memory_space<vmem>>, vector<1x64x128xf32>
    %swap3A_182 = vector.shape_cast %swap3A_181 : vector<1x64x128xf32> to vector<64x128xf32>
    %swap3A_183 = vector.shape_cast %select_n3A_177 : vector<64x128xf32> to vector<1x64x128xf32>
    tpu.vector_store %arg4[%swap3A_178, %swap3A_179, %swap3A_180], %swap3A_183 {strides = array<i32>} : memref<26x64x128xf32, #tpu.memory_space<vmem>>, vector<1x64x128xf32>,
    %slice3A_184 = vector.extract_strided_slice %reshape3A {offsets = [0, 2, 64], sizes = [128, 1, 64], strides = [1, 1, 1]} : vector<128x13x128xf32> to vector<128x1x64xf32>
    %squeeze3A_185 = vector.shape_cast %slice3A_184 : vector<128x1x64xf32> to vector<128x64xf32>
    %convert_element_type3A_186 = arith.truncf %squeeze3A_185 : vector<128x64xf32> to vector<128x64xbf16>
    %convert_element_type3A_187 = arith.extf %convert_element_type3A_186 : vector<128x64xbf16> to vector<128x64xf32>
    %sub3A_188 = arith.subf %squeeze3A_185, %convert_element_type3A_187 : vector<128x64xf32>
    %dot_general3A_189 = arith.constant dense<0.000000e+00> : vector<64x128xf32>
    %dot_general3A_190 = tpu.matmul %convert_element_type3A_187, %convert_element_type3A_3, %dot_general3A_189 {dimension_numbers = #tpu.dot_dimension_numbers<[0], [0], [1], [1], [0, 1, 1, 1], [], []>, transpose_lhs_hint = false} : vector<128x64xf32>, vector<128x128xf32>, vector<64x128xf32> -> vector<64x128xf32>
    %dot_general3A_191 = arith.constant dense<0.000000e+00> : vector<64x128xf32>
    %dot_general3A_192 = tpu.matmul %sub3A_188, %convert_element_type3A_3, %dot_general3A_191 {dimension_numbers = #tpu.dot_dimension_numbers<[0], [0], [1], [1], [0, 1, 1, 1], [], []>, transpose_lhs_hint = false} : vector<128x64xf32>, vector<128x128xf32>, vector<64x128xf32> -> vector<64x128xf32>
    %add3A_193 = arith.addf %dot_general3A_190, %dot_general3A_192 : vector<64x128xf32>
    %get3A_194 = arith.constant 5 : index
    %get3A_195 = arith.index_cast %arg0 : i32 to index
    %get3A_196 = arith.constant 0 : index
    %get3A_197 = vector.load %arg2[%get3A_194, %get3A_195, %get3A_196] : memref<26x128x128xi32, #tpu.memory_space<vmem>>, vector<1x1x128xi32>
    %get3A_198 = vector.shape_cast %get3A_197 : vector<1x1x128xi32> to vector<1x128xi32>
    %sub3A_199 = arith.constant 999936 : i32
    %sub3A_200 = vector.broadcast %sub3A_199 : i32 to vector<1x128xi32>
    %sub3A_201 = arith.subi %get3A_198, %sub3A_200 : vector<1x128xi32>
    %broadcast_in_dim3A_202 = vector.shape_cast %sub3A_201 : vector<1x128xi32> to vector<1x128xi32>
    %broadcast_in_dim3A_203 = vector.broadcast %broadcast_in_dim3A_202 : vector<1x128xi32> to vector<64x128xi32>
    %eq3A_204 = arith.cmpi eq, %iota3A_4, %broadcast_in_dim3A_203 : vector<64x128xi32>
    %convert_element_type3A_205 = arith.extui %eq3A_204 : vector<64x128xi1> to vector<64x128xi32>
    %convert_element_type3A_206 = arith.sitofp %convert_element_type3A_205 : vector<64x128xi32> to vector<64x128xf32>
    %dot_general3A_207 = arith.constant dense<0.000000e+00> : vector<64x128xf32>
    %dot_general3A_208 = tpu.matmul %get3A_7, %convert_element_type3A_206, %dot_general3A_207 {dimension_numbers = #tpu.dot_dimension_numbers<[0], [0], [1], [1], [0, 1, 1, 1], [], []>, precision = #tpu.contract_precision<fp32>, transpose_lhs_hint = false} : vector<64x64xf32>, vector<64x128xf32>, vector<64x128xf32> -> vector<64x128xf32>
    %ge3A_209 = arith.constant 0 : i32
    %ge3A_210 = vector.broadcast %ge3A_209 : i32 to vector<1x128xi32>
    %ge3A_211 = arith.cmpi sge, %sub3A_201, %ge3A_210 : vector<1x128xi32>
    %broadcast_in_dim3A_212 = vector.shape_cast %ge3A_211 : vector<1x128xi1> to vector<1x128xi1>
    %broadcast_in_dim3A_213 = vector.broadcast %broadcast_in_dim3A_212 : vector<1x128xi1> to vector<64x128xi1>
    %select_n3A_214 = arith.select %broadcast_in_dim3A_213, %dot_general3A_208, %add3A_193 : vector<64x128xi1>, vector<64x128xf32>
    %swap3A_215 = arith.constant 5 : index
    %swap3A_216 = arith.constant 0 : index
    %swap3A_217 = arith.constant 0 : index
    %swap3A_218 = vector.load %arg4[%swap3A_215, %swap3A_216, %swap3A_217] : memref<26x64x128xf32, #tpu.memory_space<vmem>>, vector<1x64x128xf32>
    %swap3A_219 = vector.shape_cast %swap3A_218 : vector<1x64x128xf32> to vector<64x128xf32>
    %swap3A_220 = vector.shape_cast %select_n3A_214 : vector<64x128xf32> to vector<1x64x128xf32>
    tpu.vector_store %arg4[%swap3A_215, %swap3A_216, %swap3A_217], %swap3A_220 {strides = array<i32>} : memref<26x64x128xf32, #tpu.memory_space<vmem>>, vector<1x64x128xf32>,
    %slice3A_221 = vector.extract_strided_slice %reshape3A {offsets = [0, 3, 0], sizes = [128, 1, 64], strides = [1, 1, 1]} : vector<128x13x128xf32> to vector<128x1x64xf32>
    %squeeze3A_222 = vector.shape_cast %slice3A_221 : vector<128x1x64xf32> to vector<128x64xf32>
    %convert_element_type3A_223 = arith.truncf %squeeze3A_222 : vector<128x64xf32> to vector<128x64xbf16>
    %convert_element_type3A_224 = arith.extf %convert_element_type3A_223 : vector<128x64xbf16> to vector<128x64xf32>
    %sub3A_225 = arith.subf %squeeze3A_222, %convert_element_type3A_224 : vector<128x64xf32>
    %dot_general3A_226 = arith.constant dense<0.000000e+00> : vector<64x128xf32>
    %dot_general3A_227 = tpu.matmul %convert_element_type3A_224, %convert_element_type3A_3, %dot_general3A_226 {dimension_numbers = #tpu.dot_dimension_numbers<[0], [0], [1], [1], [0, 1, 1, 1], [], []>, transpose_lhs_hint = false} : vector<128x64xf32>, vector<128x128xf32>, vector<64x128xf32> -> vector<64x128xf32>
    %dot_general3A_228 = arith.constant dense<0.000000e+00> : vector<64x128xf32>
    %dot_general3A_229 = tpu.matmul %sub3A_225, %convert_element_type3A_3, %dot_general3A_228 {dimension_numbers = #tpu.dot_dimension_numbers<[0], [0], [1], [1], [0, 1, 1, 1], [], []>, transpose_lhs_hint = false} : vector<128x64xf32>, vector<128x128xf32>, vector<64x128xf32> -> vector<64x128xf32>
    %add3A_230 = arith.addf %dot_general3A_227, %dot_general3A_229 : vector<64x128xf32>
    %get3A_231 = arith.constant 6 : index
    %get3A_232 = arith.index_cast %arg0 : i32 to index
    %get3A_233 = arith.constant 0 : index
    %get3A_234 = vector.load %arg2[%get3A_231, %get3A_232, %get3A_233] : memref<26x128x128xi32, #tpu.memory_space<vmem>>, vector<1x1x128xi32>
    %get3A_235 = vector.shape_cast %get3A_234 : vector<1x1x128xi32> to vector<1x128xi32>
    %sub3A_236 = arith.constant 999936 : i32
    %sub3A_237 = vector.broadcast %sub3A_236 : i32 to vector<1x128xi32>
    %sub3A_238 = arith.subi %get3A_235, %sub3A_237 : vector<1x128xi32>
    %broadcast_in_dim3A_239 = vector.shape_cast %sub3A_238 : vector<1x128xi32> to vector<1x128xi32>
    %broadcast_in_dim3A_240 = vector.broadcast %broadcast_in_dim3A_239 : vector<1x128xi32> to vector<64x128xi32>
    %eq3A_241 = arith.cmpi eq, %iota3A_4, %broadcast_in_dim3A_240 : vector<64x128xi32>
    %convert_element_type3A_242 = arith.extui %eq3A_241 : vector<64x128xi1> to vector<64x128xi32>
    %convert_element_type3A_243 = arith.sitofp %convert_element_type3A_242 : vector<64x128xi32> to vector<64x128xf32>
    %dot_general3A_244 = arith.constant dense<0.000000e+00> : vector<64x128xf32>
    %dot_general3A_245 = tpu.matmul %get3A_7, %convert_element_type3A_243, %dot_general3A_244 {dimension_numbers = #tpu.dot_dimension_numbers<[0], [0], [1], [1], [0, 1, 1, 1], [], []>, precision = #tpu.contract_precision<fp32>, transpose_lhs_hint = false} : vector<64x64xf32>, vector<64x128xf32>, vector<64x128xf32> -> vector<64x128xf32>
    %ge3A_246 = arith.constant 0 : i32
    %ge3A_247 = vector.broadcast %ge3A_246 : i32 to vector<1x128xi32>
    %ge3A_248 = arith.cmpi sge, %sub3A_238, %ge3A_247 : vector<1x128xi32>
    %broadcast_in_dim3A_249 = vector.shape_cast %ge3A_248 : vector<1x128xi1> to vector<1x128xi1>
    %broadcast_in_dim3A_250 = vector.broadcast %broadcast_in_dim3A_249 : vector<1x128xi1> to vector<64x128xi1>
    %select_n3A_251 = arith.select %broadcast_in_dim3A_250, %dot_general3A_245, %add3A_230 : vector<64x128xi1>, vector<64x128xf32>
    %swap3A_252 = arith.constant 6 : index
    %swap3A_253 = arith.constant 0 : index
    %swap3A_254 = arith.constant 0 : index
    %swap3A_255 = vector.load %arg4[%swap3A_252, %swap3A_253, %swap3A_254] : memref<26x64x128xf32, #tpu.memory_space<vmem>>, vector<1x64x128xf32>
    %swap3A_256 = vector.shape_cast %swap3A_255 : vector<1x64x128xf32> to vector<64x128xf32>
    %swap3A_257 = vector.shape_cast %select_n3A_251 : vector<64x128xf32> to vector<1x64x128xf32>
    tpu.vector_store %arg4[%swap3A_252, %swap3A_253, %swap3A_254], %swap3A_257 {strides = array<i32>} : memref<26x64x128xf32, #tpu.memory_space<vmem>>, vector<1x64x128xf32>,
    %slice3A_258 = vector.extract_strided_slice %reshape3A {offsets = [0, 3, 64], sizes = [128, 1, 64], strides = [1, 1, 1]} : vector<128x13x128xf32> to vector<128x1x64xf32>
    %squeeze3A_259 = vector.shape_cast %slice3A_258 : vector<128x1x64xf32> to vector<128x64xf32>
    %convert_element_type3A_260 = arith.truncf %squeeze3A_259 : vector<128x64xf32> to vector<128x64xbf16>
    %convert_element_type3A_261 = arith.extf %convert_element_type3A_260 : vector<128x64xbf16> to vector<128x64xf32>
    %sub3A_262 = arith.subf %squeeze3A_259, %convert_element_type3A_261 : vector<128x64xf32>
    %dot_general3A_263 = arith.constant dense<0.000000e+00> : vector<64x128xf32>
    %dot_general3A_264 = tpu.matmul %convert_element_type3A_261, %convert_element_type3A_3, %dot_general3A_263 {dimension_numbers = #tpu.dot_dimension_numbers<[0], [0], [1], [1], [0, 1, 1, 1], [], []>, transpose_lhs_hint = false} : vector<128x64xf32>, vector<128x128xf32>, vector<64x128xf32> -> vector<64x128xf32>
    %dot_general3A_265 = arith.constant dense<0.000000e+00> : vector<64x128xf32>
    %dot_general3A_266 = tpu.matmul %sub3A_262, %convert_element_type3A_3, %dot_general3A_265 {dimension_numbers = #tpu.dot_dimension_numbers<[0], [0], [1], [1], [0, 1, 1, 1], [], []>, transpose_lhs_hint = false} : vector<128x64xf32>, vector<128x128xf32>, vector<64x128xf32> -> vector<64x128xf32>
    %add3A_267 = arith.addf %dot_general3A_264, %dot_general3A_266 : vector<64x128xf32>
    %get3A_268 = arith.constant 7 : index
    %get3A_269 = arith.index_cast %arg0 : i32 to index
    %get3A_270 = arith.constant 0 : index
    %get3A_271 = vector.load %arg2[%get3A_268, %get3A_269, %get3A_270] : memref<26x128x128xi32, #tpu.memory_space<vmem>>, vector<1x1x128xi32>
    %get3A_272 = vector.shape_cast %get3A_271 : vector<1x1x128xi32> to vector<1x128xi32>
    %sub3A_273 = arith.constant 999936 : i32
    %sub3A_274 = vector.broadcast %sub3A_273 : i32 to vector<1x128xi32>
    %sub3A_275 = arith.subi %get3A_272, %sub3A_274 : vector<1x128xi32>
    %broadcast_in_dim3A_276 = vector.shape_cast %sub3A_275 : vector<1x128xi32> to vector<1x128xi32>
    %broadcast_in_dim3A_277 = vector.broadcast %broadcast_in_dim3A_276 : vector<1x128xi32> to vector<64x128xi32>
    %eq3A_278 = arith.cmpi eq, %iota3A_4, %broadcast_in_dim3A_277 : vector<64x128xi32>
    %convert_element_type3A_279 = arith.extui %eq3A_278 : vector<64x128xi1> to vector<64x128xi32>
    %convert_element_type3A_280 = arith.sitofp %convert_element_type3A_279 : vector<64x128xi32> to vector<64x128xf32>
    %dot_general3A_281 = arith.constant dense<0.000000e+00> : vector<64x128xf32>
    %dot_general3A_282 = tpu.matmul %get3A_7, %convert_element_type3A_280, %dot_general3A_281 {dimension_numbers = #tpu.dot_dimension_numbers<[0], [0], [1], [1], [0, 1, 1, 1], [], []>, precision = #tpu.contract_precision<fp32>, transpose_lhs_hint = false} : vector<64x64xf32>, vector<64x128xf32>, vector<64x128xf32> -> vector<64x128xf32>
    %ge3A_283 = arith.constant 0 : i32
    %ge3A_284 = vector.broadcast %ge3A_283 : i32 to vector<1x128xi32>
    %ge3A_285 = arith.cmpi sge, %sub3A_275, %ge3A_284 : vector<1x128xi32>
    %broadcast_in_dim3A_286 = vector.shape_cast %ge3A_285 : vector<1x128xi1> to vector<1x128xi1>
    %broadcast_in_dim3A_287 = vector.broadcast %broadcast_in_dim3A_286 : vector<1x128xi1> to vector<64x128xi1>
    %select_n3A_288 = arith.select %broadcast_in_dim3A_287, %dot_general3A_282, %add3A_267 : vector<64x128xi1>, vector<64x128xf32>
    %swap3A_289 = arith.constant 7 : index
    %swap3A_290 = arith.constant 0 : index
    %swap3A_291 = arith.constant 0 : index
    %swap3A_292 = vector.load %arg4[%swap3A_289, %swap3A_290, %swap3A_291] : memref<26x64x128xf32, #tpu.memory_space<vmem>>, vector<1x64x128xf32>
    %swap3A_293 = vector.shape_cast %swap3A_292 : vector<1x64x128xf32> to vector<64x128xf32>
    %swap3A_294 = vector.shape_cast %select_n3A_288 : vector<64x128xf32> to vector<1x64x128xf32>
    tpu.vector_store %arg4[%swap3A_289, %swap3A_290, %swap3A_291], %swap3A_294 {strides = array<i32>} : memref<26x64x128xf32, #tpu.memory_space<vmem>>, vector<1x64x128xf32>,
    %slice3A_295 = vector.extract_strided_slice %reshape3A {offsets = [0, 4, 0], sizes = [128, 1, 64], strides = [1, 1, 1]} : vector<128x13x128xf32> to vector<128x1x64xf32>
    %squeeze3A_296 = vector.shape_cast %slice3A_295 : vector<128x1x64xf32> to vector<128x64xf32>
    %convert_element_type3A_297 = arith.truncf %squeeze3A_296 : vector<128x64xf32> to vector<128x64xbf16>
    %convert_element_type3A_298 = arith.extf %convert_element_type3A_297 : vector<128x64xbf16> to vector<128x64xf32>
    %sub3A_299 = arith.subf %squeeze3A_296, %convert_element_type3A_298 : vector<128x64xf32>
    %dot_general3A_300 = arith.constant dense<0.000000e+00> : vector<64x128xf32>
    %dot_general3A_301 = tpu.matmul %convert_element_type3A_298, %convert_element_type3A_3, %dot_general3A_300 {dimension_numbers = #tpu.dot_dimension_numbers<[0], [0], [1], [1], [0, 1, 1, 1], [], []>, transpose_lhs_hint = false} : vector<128x64xf32>, vector<128x128xf32>, vector<64x128xf32> -> vector<64x128xf32>
    %dot_general3A_302 = arith.constant dense<0.000000e+00> : vector<64x128xf32>
    %dot_general3A_303 = tpu.matmul %sub3A_299, %convert_element_type3A_3, %dot_general3A_302 {dimension_numbers = #tpu.dot_dimension_numbers<[0], [0], [1], [1], [0, 1, 1, 1], [], []>, transpose_lhs_hint = false} : vector<128x64xf32>, vector<128x128xf32>, vector<64x128xf32> -> vector<64x128xf32>
    %add3A_304 = arith.addf %dot_general3A_301, %dot_general3A_303 : vector<64x128xf32>
    %get3A_305 = arith.constant 8 : index
    %get3A_306 = arith.index_cast %arg0 : i32 to index
    %get3A_307 = arith.constant 0 : index
    %get3A_308 = vector.load %arg2[%get3A_305, %get3A_306, %get3A_307] : memref<26x128x128xi32, #tpu.memory_space<vmem>>, vector<1x1x128xi32>
    %get3A_309 = vector.shape_cast %get3A_308 : vector<1x1x128xi32> to vector<1x128xi32>
    %sub3A_310 = arith.constant 999936 : i32
    %sub3A_311 = vector.broadcast %sub3A_310 : i32 to vector<1x128xi32>
    %sub3A_312 = arith.subi %get3A_309, %sub3A_311 : vector<1x128xi32>
    %broadcast_in_dim3A_313 = vector.shape_cast %sub3A_312 : vector<1x128xi32> to vector<1x128xi32>
    %broadcast_in_dim3A_314 = vector.broadcast %broadcast_in_dim3A_313 : vector<1x128xi32> to vector<64x128xi32>
    %eq3A_315 = arith.cmpi eq, %iota3A_4, %broadcast_in_dim3A_314 : vector<64x128xi32>
    %convert_element_type3A_316 = arith.extui %eq3A_315 : vector<64x128xi1> to vector<64x128xi32>
    %convert_element_type3A_317 = arith.sitofp %convert_element_type3A_316 : vector<64x128xi32> to vector<64x128xf32>
    %dot_general3A_318 = arith.constant dense<0.000000e+00> : vector<64x128xf32>
    %dot_general3A_319 = tpu.matmul %get3A_7, %convert_element_type3A_317, %dot_general3A_318 {dimension_numbers = #tpu.dot_dimension_numbers<[0], [0], [1], [1], [0, 1, 1, 1], [], []>, precision = #tpu.contract_precision<fp32>, transpose_lhs_hint = false} : vector<64x64xf32>, vector<64x128xf32>, vector<64x128xf32> -> vector<64x128xf32>
    %ge3A_320 = arith.constant 0 : i32
    %ge3A_321 = vector.broadcast %ge3A_320 : i32 to vector<1x128xi32>
    %ge3A_322 = arith.cmpi sge, %sub3A_312, %ge3A_321 : vector<1x128xi32>
    %broadcast_in_dim3A_323 = vector.shape_cast %ge3A_322 : vector<1x128xi1> to vector<1x128xi1>
    %broadcast_in_dim3A_324 = vector.broadcast %broadcast_in_dim3A_323 : vector<1x128xi1> to vector<64x128xi1>
    %select_n3A_325 = arith.select %broadcast_in_dim3A_324, %dot_general3A_319, %add3A_304 : vector<64x128xi1>, vector<64x128xf32>
    %swap3A_326 = arith.constant 8 : index
    %swap3A_327 = arith.constant 0 : index
    %swap3A_328 = arith.constant 0 : index
    %swap3A_329 = vector.load %arg4[%swap3A_326, %swap3A_327, %swap3A_328] : memref<26x64x128xf32, #tpu.memory_space<vmem>>, vector<1x64x128xf32>
    %swap3A_330 = vector.shape_cast %swap3A_329 : vector<1x64x128xf32> to vector<64x128xf32>
    %swap3A_331 = vector.shape_cast %select_n3A_325 : vector<64x128xf32> to vector<1x64x128xf32>
    tpu.vector_store %arg4[%swap3A_326, %swap3A_327, %swap3A_328], %swap3A_331 {strides = array<i32>} : memref<26x64x128xf32, #tpu.memory_space<vmem>>, vector<1x64x128xf32>,
    %slice3A_332 = vector.extract_strided_slice %reshape3A {offsets = [0, 4, 64], sizes = [128, 1, 64], strides = [1, 1, 1]} : vector<128x13x128xf32> to vector<128x1x64xf32>
    %squeeze3A_333 = vector.shape_cast %slice3A_332 : vector<128x1x64xf32> to vector<128x64xf32>
    %convert_element_type3A_334 = arith.truncf %squeeze3A_333 : vector<128x64xf32> to vector<128x64xbf16>
    %convert_element_type3A_335 = arith.extf %convert_element_type3A_334 : vector<128x64xbf16> to vector<128x64xf32>
    %sub3A_336 = arith.subf %squeeze3A_333, %convert_element_type3A_335 : vector<128x64xf32>
    %dot_general3A_337 = arith.constant dense<0.000000e+00> : vector<64x128xf32>
    %dot_general3A_338 = tpu.matmul %convert_element_type3A_335, %convert_element_type3A_3, %dot_general3A_337 {dimension_numbers = #tpu.dot_dimension_numbers<[0], [0], [1], [1], [0, 1, 1, 1], [], []>, transpose_lhs_hint = false} : vector<128x64xf32>, vector<128x128xf32>, vector<64x128xf32> -> vector<64x128xf32>
    %dot_general3A_339 = arith.constant dense<0.000000e+00> : vector<64x128xf32>
    %dot_general3A_340 = tpu.matmul %sub3A_336, %convert_element_type3A_3, %dot_general3A_339 {dimension_numbers = #tpu.dot_dimension_numbers<[0], [0], [1], [1], [0, 1, 1, 1], [], []>, transpose_lhs_hint = false} : vector<128x64xf32>, vector<128x128xf32>, vector<64x128xf32> -> vector<64x128xf32>
    %add3A_341 = arith.addf %dot_general3A_338, %dot_general3A_340 : vector<64x128xf32>
    %get3A_342 = arith.constant 9 : index
    %get3A_343 = arith.index_cast %arg0 : i32 to index
    %get3A_344 = arith.constant 0 : index
    %get3A_345 = vector.load %arg2[%get3A_342, %get3A_343, %get3A_344] : memref<26x128x128xi32, #tpu.memory_space<vmem>>, vector<1x1x128xi32>
    %get3A_346 = vector.shape_cast %get3A_345 : vector<1x1x128xi32> to vector<1x128xi32>
    %sub3A_347 = arith.constant 999936 : i32
    %sub3A_348 = vector.broadcast %sub3A_347 : i32 to vector<1x128xi32>
    %sub3A_349 = arith.subi %get3A_346, %sub3A_348 : vector<1x128xi32>
    %broadcast_in_dim3A_350 = vector.shape_cast %sub3A_349 : vector<1x128xi32> to vector<1x128xi32>
    %broadcast_in_dim3A_351 = vector.broadcast %broadcast_in_dim3A_350 : vector<1x128xi32> to vector<64x128xi32>
    %eq3A_352 = arith.cmpi eq, %iota3A_4, %broadcast_in_dim3A_351 : vector<64x128xi32>
    %convert_element_type3A_353 = arith.extui %eq3A_352 : vector<64x128xi1> to vector<64x128xi32>
    %convert_element_type3A_354 = arith.sitofp %convert_element_type3A_353 : vector<64x128xi32> to vector<64x128xf32>
    %dot_general3A_355 = arith.constant dense<0.000000e+00> : vector<64x128xf32>
    %dot_general3A_356 = tpu.matmul %get3A_7, %convert_element_type3A_354, %dot_general3A_355 {dimension_numbers = #tpu.dot_dimension_numbers<[0], [0], [1], [1], [0, 1, 1, 1], [], []>, precision = #tpu.contract_precision<fp32>, transpose_lhs_hint = false} : vector<64x64xf32>, vector<64x128xf32>, vector<64x128xf32> -> vector<64x128xf32>
    %ge3A_357 = arith.constant 0 : i32
    %ge3A_358 = vector.broadcast %ge3A_357 : i32 to vector<1x128xi32>
    %ge3A_359 = arith.cmpi sge, %sub3A_349, %ge3A_358 : vector<1x128xi32>
    %broadcast_in_dim3A_360 = vector.shape_cast %ge3A_359 : vector<1x128xi1> to vector<1x128xi1>
    %broadcast_in_dim3A_361 = vector.broadcast %broadcast_in_dim3A_360 : vector<1x128xi1> to vector<64x128xi1>
    %select_n3A_362 = arith.select %broadcast_in_dim3A_361, %dot_general3A_356, %add3A_341 : vector<64x128xi1>, vector<64x128xf32>
    %swap3A_363 = arith.constant 9 : index
    %swap3A_364 = arith.constant 0 : index
    %swap3A_365 = arith.constant 0 : index
    %swap3A_366 = vector.load %arg4[%swap3A_363, %swap3A_364, %swap3A_365] : memref<26x64x128xf32, #tpu.memory_space<vmem>>, vector<1x64x128xf32>
    %swap3A_367 = vector.shape_cast %swap3A_366 : vector<1x64x128xf32> to vector<64x128xf32>
    %swap3A_368 = vector.shape_cast %select_n3A_362 : vector<64x128xf32> to vector<1x64x128xf32>
    tpu.vector_store %arg4[%swap3A_363, %swap3A_364, %swap3A_365], %swap3A_368 {strides = array<i32>} : memref<26x64x128xf32, #tpu.memory_space<vmem>>, vector<1x64x128xf32>,
    %slice3A_369 = vector.extract_strided_slice %reshape3A {offsets = [0, 5, 0], sizes = [128, 1, 64], strides = [1, 1, 1]} : vector<128x13x128xf32> to vector<128x1x64xf32>
    %squeeze3A_370 = vector.shape_cast %slice3A_369 : vector<128x1x64xf32> to vector<128x64xf32>
    %convert_element_type3A_371 = arith.truncf %squeeze3A_370 : vector<128x64xf32> to vector<128x64xbf16>
    %convert_element_type3A_372 = arith.extf %convert_element_type3A_371 : vector<128x64xbf16> to vector<128x64xf32>
    %sub3A_373 = arith.subf %squeeze3A_370, %convert_element_type3A_372 : vector<128x64xf32>
    %dot_general3A_374 = arith.constant dense<0.000000e+00> : vector<64x128xf32>
    %dot_general3A_375 = tpu.matmul %convert_element_type3A_372, %convert_element_type3A_3, %dot_general3A_374 {dimension_numbers = #tpu.dot_dimension_numbers<[0], [0], [1], [1], [0, 1, 1, 1], [], []>, transpose_lhs_hint = false} : vector<128x64xf32>, vector<128x128xf32>, vector<64x128xf32> -> vector<64x128xf32>
    %dot_general3A_376 = arith.constant dense<0.000000e+00> : vector<64x128xf32>
    %dot_general3A_377 = tpu.matmul %sub3A_373, %convert_element_type3A_3, %dot_general3A_376 {dimension_numbers = #tpu.dot_dimension_numbers<[0], [0], [1], [1], [0, 1, 1, 1], [], []>, transpose_lhs_hint = false} : vector<128x64xf32>, vector<128x128xf32>, vector<64x128xf32> -> vector<64x128xf32>
    %add3A_378 = arith.addf %dot_general3A_375, %dot_general3A_377 : vector<64x128xf32>
    %get3A_379 = arith.constant 10 : index
    %get3A_380 = arith.index_cast %arg0 : i32 to index
    %get3A_381 = arith.constant 0 : index
    %get3A_382 = vector.load %arg2[%get3A_379, %get3A_380, %get3A_381] : memref<26x128x128xi32, #tpu.memory_space<vmem>>, vector<1x1x128xi32>
    %get3A_383 = vector.shape_cast %get3A_382 : vector<1x1x128xi32> to vector<1x128xi32>
    %sub3A_384 = arith.constant 999936 : i32
    %sub3A_385 = vector.broadcast %sub3A_384 : i32 to vector<1x128xi32>
    %sub3A_386 = arith.subi %get3A_383, %sub3A_385 : vector<1x128xi32>
    %broadcast_in_dim3A_387 = vector.shape_cast %sub3A_386 : vector<1x128xi32> to vector<1x128xi32>
    %broadcast_in_dim3A_388 = vector.broadcast %broadcast_in_dim3A_387 : vector<1x128xi32> to vector<64x128xi32>
    %eq3A_389 = arith.cmpi eq, %iota3A_4, %broadcast_in_dim3A_388 : vector<64x128xi32>
    %convert_element_type3A_390 = arith.extui %eq3A_389 : vector<64x128xi1> to vector<64x128xi32>
    %convert_element_type3A_391 = arith.sitofp %convert_element_type3A_390 : vector<64x128xi32> to vector<64x128xf32>
    %dot_general3A_392 = arith.constant dense<0.000000e+00> : vector<64x128xf32>
    %dot_general3A_393 = tpu.matmul %get3A_7, %convert_element_type3A_391, %dot_general3A_392 {dimension_numbers = #tpu.dot_dimension_numbers<[0], [0], [1], [1], [0, 1, 1, 1], [], []>, precision = #tpu.contract_precision<fp32>, transpose_lhs_hint = false} : vector<64x64xf32>, vector<64x128xf32>, vector<64x128xf32> -> vector<64x128xf32>
    %ge3A_394 = arith.constant 0 : i32
    %ge3A_395 = vector.broadcast %ge3A_394 : i32 to vector<1x128xi32>
    %ge3A_396 = arith.cmpi sge, %sub3A_386, %ge3A_395 : vector<1x128xi32>
    %broadcast_in_dim3A_397 = vector.shape_cast %ge3A_396 : vector<1x128xi1> to vector<1x128xi1>
    %broadcast_in_dim3A_398 = vector.broadcast %broadcast_in_dim3A_397 : vector<1x128xi1> to vector<64x128xi1>
    %select_n3A_399 = arith.select %broadcast_in_dim3A_398, %dot_general3A_393, %add3A_378 : vector<64x128xi1>, vector<64x128xf32>
    %swap3A_400 = arith.constant 10 : index
    %swap3A_401 = arith.constant 0 : index
    %swap3A_402 = arith.constant 0 : index
    %swap3A_403 = vector.load %arg4[%swap3A_400, %swap3A_401, %swap3A_402] : memref<26x64x128xf32, #tpu.memory_space<vmem>>, vector<1x64x128xf32>
    %swap3A_404 = vector.shape_cast %swap3A_403 : vector<1x64x128xf32> to vector<64x128xf32>
    %swap3A_405 = vector.shape_cast %select_n3A_399 : vector<64x128xf32> to vector<1x64x128xf32>
    tpu.vector_store %arg4[%swap3A_400, %swap3A_401, %swap3A_402], %swap3A_405 {strides = array<i32>} : memref<26x64x128xf32, #tpu.memory_space<vmem>>, vector<1x64x128xf32>,
    %slice3A_406 = vector.extract_strided_slice %reshape3A {offsets = [0, 5, 64], sizes = [128, 1, 64], strides = [1, 1, 1]} : vector<128x13x128xf32> to vector<128x1x64xf32>
    %squeeze3A_407 = vector.shape_cast %slice3A_406 : vector<128x1x64xf32> to vector<128x64xf32>
    %convert_element_type3A_408 = arith.truncf %squeeze3A_407 : vector<128x64xf32> to vector<128x64xbf16>
    %convert_element_type3A_409 = arith.extf %convert_element_type3A_408 : vector<128x64xbf16> to vector<128x64xf32>
    %sub3A_410 = arith.subf %squeeze3A_407, %convert_element_type3A_409 : vector<128x64xf32>
    %dot_general3A_411 = arith.constant dense<0.000000e+00> : vector<64x128xf32>
    %dot_general3A_412 = tpu.matmul %convert_element_type3A_409, %convert_element_type3A_3, %dot_general3A_411 {dimension_numbers = #tpu.dot_dimension_numbers<[0], [0], [1], [1], [0, 1, 1, 1], [], []>, transpose_lhs_hint = false} : vector<128x64xf32>, vector<128x128xf32>, vector<64x128xf32> -> vector<64x128xf32>
    %dot_general3A_413 = arith.constant dense<0.000000e+00> : vector<64x128xf32>
    %dot_general3A_414 = tpu.matmul %sub3A_410, %convert_element_type3A_3, %dot_general3A_413 {dimension_numbers = #tpu.dot_dimension_numbers<[0], [0], [1], [1], [0, 1, 1, 1], [], []>, transpose_lhs_hint = false} : vector<128x64xf32>, vector<128x128xf32>, vector<64x128xf32> -> vector<64x128xf32>
    %add3A_415 = arith.addf %dot_general3A_412, %dot_general3A_414 : vector<64x128xf32>
    %get3A_416 = arith.constant 11 : index
    %get3A_417 = arith.index_cast %arg0 : i32 to index
    %get3A_418 = arith.constant 0 : index
    %get3A_419 = vector.load %arg2[%get3A_416, %get3A_417, %get3A_418] : memref<26x128x128xi32, #tpu.memory_space<vmem>>, vector<1x1x128xi32>
    %get3A_420 = vector.shape_cast %get3A_419 : vector<1x1x128xi32> to vector<1x128xi32>
    %sub3A_421 = arith.constant 999936 : i32
    %sub3A_422 = vector.broadcast %sub3A_421 : i32 to vector<1x128xi32>
    %sub3A_423 = arith.subi %get3A_420, %sub3A_422 : vector<1x128xi32>
    %broadcast_in_dim3A_424 = vector.shape_cast %sub3A_423 : vector<1x128xi32> to vector<1x128xi32>
    %broadcast_in_dim3A_425 = vector.broadcast %broadcast_in_dim3A_424 : vector<1x128xi32> to vector<64x128xi32>
    %eq3A_426 = arith.cmpi eq, %iota3A_4, %broadcast_in_dim3A_425 : vector<64x128xi32>
    %convert_element_type3A_427 = arith.extui %eq3A_426 : vector<64x128xi1> to vector<64x128xi32>
    %convert_element_type3A_428 = arith.sitofp %convert_element_type3A_427 : vector<64x128xi32> to vector<64x128xf32>
    %dot_general3A_429 = arith.constant dense<0.000000e+00> : vector<64x128xf32>
    %dot_general3A_430 = tpu.matmul %get3A_7, %convert_element_type3A_428, %dot_general3A_429 {dimension_numbers = #tpu.dot_dimension_numbers<[0], [0], [1], [1], [0, 1, 1, 1], [], []>, precision = #tpu.contract_precision<fp32>, transpose_lhs_hint = false} : vector<64x64xf32>, vector<64x128xf32>, vector<64x128xf32> -> vector<64x128xf32>
    %ge3A_431 = arith.constant 0 : i32
    %ge3A_432 = vector.broadcast %ge3A_431 : i32 to vector<1x128xi32>
    %ge3A_433 = arith.cmpi sge, %sub3A_423, %ge3A_432 : vector<1x128xi32>
    %broadcast_in_dim3A_434 = vector.shape_cast %ge3A_433 : vector<1x128xi1> to vector<1x128xi1>
    %broadcast_in_dim3A_435 = vector.broadcast %broadcast_in_dim3A_434 : vector<1x128xi1> to vector<64x128xi1>
    %select_n3A_436 = arith.select %broadcast_in_dim3A_435, %dot_general3A_430, %add3A_415 : vector<64x128xi1>, vector<64x128xf32>
    %swap3A_437 = arith.constant 11 : index
    %swap3A_438 = arith.constant 0 : index
    %swap3A_439 = arith.constant 0 : index
    %swap3A_440 = vector.load %arg4[%swap3A_437, %swap3A_438, %swap3A_439] : memref<26x64x128xf32, #tpu.memory_space<vmem>>, vector<1x64x128xf32>
    %swap3A_441 = vector.shape_cast %swap3A_440 : vector<1x64x128xf32> to vector<64x128xf32>
    %swap3A_442 = vector.shape_cast %select_n3A_436 : vector<64x128xf32> to vector<1x64x128xf32>
    tpu.vector_store %arg4[%swap3A_437, %swap3A_438, %swap3A_439], %swap3A_442 {strides = array<i32>} : memref<26x64x128xf32, #tpu.memory_space<vmem>>, vector<1x64x128xf32>,
    %slice3A_443 = vector.extract_strided_slice %reshape3A {offsets = [0, 6, 0], sizes = [128, 1, 64], strides = [1, 1, 1]} : vector<128x13x128xf32> to vector<128x1x64xf32>
    %squeeze3A_444 = vector.shape_cast %slice3A_443 : vector<128x1x64xf32> to vector<128x64xf32>
    %convert_element_type3A_445 = arith.truncf %squeeze3A_444 : vector<128x64xf32> to vector<128x64xbf16>
    %convert_element_type3A_446 = arith.extf %convert_element_type3A_445 : vector<128x64xbf16> to vector<128x64xf32>
    %sub3A_447 = arith.subf %squeeze3A_444, %convert_element_type3A_446 : vector<128x64xf32>
    %dot_general3A_448 = arith.constant dense<0.000000e+00> : vector<64x128xf32>
    %dot_general3A_449 = tpu.matmul %convert_element_type3A_446, %convert_element_type3A_3, %dot_general3A_448 {dimension_numbers = #tpu.dot_dimension_numbers<[0], [0], [1], [1], [0, 1, 1, 1], [], []>, transpose_lhs_hint = false} : vector<128x64xf32>, vector<128x128xf32>, vector<64x128xf32> -> vector<64x128xf32>
    %dot_general3A_450 = arith.constant dense<0.000000e+00> : vector<64x128xf32>
    %dot_general3A_451 = tpu.matmul %sub3A_447, %convert_element_type3A_3, %dot_general3A_450 {dimension_numbers = #tpu.dot_dimension_numbers<[0], [0], [1], [1], [0, 1, 1, 1], [], []>, transpose_lhs_hint = false} : vector<128x64xf32>, vector<128x128xf32>, vector<64x128xf32> -> vector<64x128xf32>
    %add3A_452 = arith.addf %dot_general3A_449, %dot_general3A_451 : vector<64x128xf32>
    %get3A_453 = arith.constant 12 : index
    %get3A_454 = arith.index_cast %arg0 : i32 to index
    %get3A_455 = arith.constant 0 : index
    %get3A_456 = vector.load %arg2[%get3A_453, %get3A_454, %get3A_455] : memref<26x128x128xi32, #tpu.memory_space<vmem>>, vector<1x1x128xi32>
    %get3A_457 = vector.shape_cast %get3A_456 : vector<1x1x128xi32> to vector<1x128xi32>
    %sub3A_458 = arith.constant 999936 : i32
    %sub3A_459 = vector.broadcast %sub3A_458 : i32 to vector<1x128xi32>
    %sub3A_460 = arith.subi %get3A_457, %sub3A_459 : vector<1x128xi32>
    %broadcast_in_dim3A_461 = vector.shape_cast %sub3A_460 : vector<1x128xi32> to vector<1x128xi32>
    %broadcast_in_dim3A_462 = vector.broadcast %broadcast_in_dim3A_461 : vector<1x128xi32> to vector<64x128xi32>
    %eq3A_463 = arith.cmpi eq, %iota3A_4, %broadcast_in_dim3A_462 : vector<64x128xi32>
    %convert_element_type3A_464 = arith.extui %eq3A_463 : vector<64x128xi1> to vector<64x128xi32>
    %convert_element_type3A_465 = arith.sitofp %convert_element_type3A_464 : vector<64x128xi32> to vector<64x128xf32>
    %dot_general3A_466 = arith.constant dense<0.000000e+00> : vector<64x128xf32>
    %dot_general3A_467 = tpu.matmul %get3A_7, %convert_element_type3A_465, %dot_general3A_466 {dimension_numbers = #tpu.dot_dimension_numbers<[0], [0], [1], [1], [0, 1, 1, 1], [], []>, precision = #tpu.contract_precision<fp32>, transpose_lhs_hint = false} : vector<64x64xf32>, vector<64x128xf32>, vector<64x128xf32> -> vector<64x128xf32>
    %ge3A_468 = arith.constant 0 : i32
    %ge3A_469 = vector.broadcast %ge3A_468 : i32 to vector<1x128xi32>
    %ge3A_470 = arith.cmpi sge, %sub3A_460, %ge3A_469 : vector<1x128xi32>
    %broadcast_in_dim3A_471 = vector.shape_cast %ge3A_470 : vector<1x128xi1> to vector<1x128xi1>
    %broadcast_in_dim3A_472 = vector.broadcast %broadcast_in_dim3A_471 : vector<1x128xi1> to vector<64x128xi1>
    %select_n3A_473 = arith.select %broadcast_in_dim3A_472, %dot_general3A_467, %add3A_452 : vector<64x128xi1>, vector<64x128xf32>
    %swap3A_474 = arith.constant 12 : index
    %swap3A_475 = arith.constant 0 : index
    %swap3A_476 = arith.constant 0 : index
    %swap3A_477 = vector.load %arg4[%swap3A_474, %swap3A_475, %swap3A_476] : memref<26x64x128xf32, #tpu.memory_space<vmem>>, vector<1x64x128xf32>
    %swap3A_478 = vector.shape_cast %swap3A_477 : vector<1x64x128xf32> to vector<64x128xf32>
    %swap3A_479 = vector.shape_cast %select_n3A_473 : vector<64x128xf32> to vector<1x64x128xf32>
    tpu.vector_store %arg4[%swap3A_474, %swap3A_475, %swap3A_476], %swap3A_479 {strides = array<i32>} : memref<26x64x128xf32, #tpu.memory_space<vmem>>, vector<1x64x128xf32>,
    %slice3A_480 = vector.extract_strided_slice %reshape3A {offsets = [0, 6, 64], sizes = [128, 1, 64], strides = [1, 1, 1]} : vector<128x13x128xf32> to vector<128x1x64xf32>
    %squeeze3A_481 = vector.shape_cast %slice3A_480 : vector<128x1x64xf32> to vector<128x64xf32>
    %convert_element_type3A_482 = arith.truncf %squeeze3A_481 : vector<128x64xf32> to vector<128x64xbf16>
    %convert_element_type3A_483 = arith.extf %convert_element_type3A_482 : vector<128x64xbf16> to vector<128x64xf32>
    %sub3A_484 = arith.subf %squeeze3A_481, %convert_element_type3A_483 : vector<128x64xf32>
    %dot_general3A_485 = arith.constant dense<0.000000e+00> : vector<64x128xf32>
    %dot_general3A_486 = tpu.matmul %convert_element_type3A_483, %convert_element_type3A_3, %dot_general3A_485 {dimension_numbers = #tpu.dot_dimension_numbers<[0], [0], [1], [1], [0, 1, 1, 1], [], []>, transpose_lhs_hint = false} : vector<128x64xf32>, vector<128x128xf32>, vector<64x128xf32> -> vector<64x128xf32>
    %dot_general3A_487 = arith.constant dense<0.000000e+00> : vector<64x128xf32>
    %dot_general3A_488 = tpu.matmul %sub3A_484, %convert_element_type3A_3, %dot_general3A_487 {dimension_numbers = #tpu.dot_dimension_numbers<[0], [0], [1], [1], [0, 1, 1, 1], [], []>, transpose_lhs_hint = false} : vector<128x64xf32>, vector<128x128xf32>, vector<64x128xf32> -> vector<64x128xf32>
    %add3A_489 = arith.addf %dot_general3A_486, %dot_general3A_488 : vector<64x128xf32>
    %get3A_490 = arith.constant 13 : index
    %get3A_491 = arith.index_cast %arg0 : i32 to index
    %get3A_492 = arith.constant 0 : index
    %get3A_493 = vector.load %arg2[%get3A_490, %get3A_491, %get3A_492] : memref<26x128x128xi32, #tpu.memory_space<vmem>>, vector<1x1x128xi32>
    %get3A_494 = vector.shape_cast %get3A_493 : vector<1x1x128xi32> to vector<1x128xi32>
    %sub3A_495 = arith.constant 999936 : i32
    %sub3A_496 = vector.broadcast %sub3A_495 : i32 to vector<1x128xi32>
    %sub3A_497 = arith.subi %get3A_494, %sub3A_496 : vector<1x128xi32>
    %broadcast_in_dim3A_498 = vector.shape_cast %sub3A_497 : vector<1x128xi32> to vector<1x128xi32>
    %broadcast_in_dim3A_499 = vector.broadcast %broadcast_in_dim3A_498 : vector<1x128xi32> to vector<64x128xi32>
    %eq3A_500 = arith.cmpi eq, %iota3A_4, %broadcast_in_dim3A_499 : vector<64x128xi32>
    %convert_element_type3A_501 = arith.extui %eq3A_500 : vector<64x128xi1> to vector<64x128xi32>
    %convert_element_type3A_502 = arith.sitofp %convert_element_type3A_501 : vector<64x128xi32> to vector<64x128xf32>
    %dot_general3A_503 = arith.constant dense<0.000000e+00> : vector<64x128xf32>
    %dot_general3A_504 = tpu.matmul %get3A_7, %convert_element_type3A_502, %dot_general3A_503 {dimension_numbers = #tpu.dot_dimension_numbers<[0], [0], [1], [1], [0, 1, 1, 1], [], []>, precision = #tpu.contract_precision<fp32>, transpose_lhs_hint = false} : vector<64x64xf32>, vector<64x128xf32>, vector<64x128xf32> -> vector<64x128xf32>
    %ge3A_505 = arith.constant 0 : i32
    %ge3A_506 = vector.broadcast %ge3A_505 : i32 to vector<1x128xi32>
    %ge3A_507 = arith.cmpi sge, %sub3A_497, %ge3A_506 : vector<1x128xi32>
    %broadcast_in_dim3A_508 = vector.shape_cast %ge3A_507 : vector<1x128xi1> to vector<1x128xi1>
    %broadcast_in_dim3A_509 = vector.broadcast %broadcast_in_dim3A_508 : vector<1x128xi1> to vector<64x128xi1>
    %select_n3A_510 = arith.select %broadcast_in_dim3A_509, %dot_general3A_504, %add3A_489 : vector<64x128xi1>, vector<64x128xf32>
    %swap3A_511 = arith.constant 13 : index
    %swap3A_512 = arith.constant 0 : index
    %swap3A_513 = arith.constant 0 : index
    %swap3A_514 = vector.load %arg4[%swap3A_511, %swap3A_512, %swap3A_513] : memref<26x64x128xf32, #tpu.memory_space<vmem>>, vector<1x64x128xf32>
    %swap3A_515 = vector.shape_cast %swap3A_514 : vector<1x64x128xf32> to vector<64x128xf32>
    %swap3A_516 = vector.shape_cast %select_n3A_510 : vector<64x128xf32> to vector<1x64x128xf32>
    tpu.vector_store %arg4[%swap3A_511, %swap3A_512, %swap3A_513], %swap3A_516 {strides = array<i32>} : memref<26x64x128xf32, #tpu.memory_space<vmem>>, vector<1x64x128xf32>,
    %slice3A_517 = vector.extract_strided_slice %reshape3A {offsets = [0, 7, 0], sizes = [128, 1, 64], strides = [1, 1, 1]} : vector<128x13x128xf32> to vector<128x1x64xf32>
    %squeeze3A_518 = vector.shape_cast %slice3A_517 : vector<128x1x64xf32> to vector<128x64xf32>
    %convert_element_type3A_519 = arith.truncf %squeeze3A_518 : vector<128x64xf32> to vector<128x64xbf16>
    %convert_element_type3A_520 = arith.extf %convert_element_type3A_519 : vector<128x64xbf16> to vector<128x64xf32>
    %sub3A_521 = arith.subf %squeeze3A_518, %convert_element_type3A_520 : vector<128x64xf32>
    %dot_general3A_522 = arith.constant dense<0.000000e+00> : vector<64x128xf32>
    %dot_general3A_523 = tpu.matmul %convert_element_type3A_520, %convert_element_type3A_3, %dot_general3A_522 {dimension_numbers = #tpu.dot_dimension_numbers<[0], [0], [1], [1], [0, 1, 1, 1], [], []>, transpose_lhs_hint = false} : vector<128x64xf32>, vector<128x128xf32>, vector<64x128xf32> -> vector<64x128xf32>
    %dot_general3A_524 = arith.constant dense<0.000000e+00> : vector<64x128xf32>
    %dot_general3A_525 = tpu.matmul %sub3A_521, %convert_element_type3A_3, %dot_general3A_524 {dimension_numbers = #tpu.dot_dimension_numbers<[0], [0], [1], [1], [0, 1, 1, 1], [], []>, transpose_lhs_hint = false} : vector<128x64xf32>, vector<128x128xf32>, vector<64x128xf32> -> vector<64x128xf32>
    %add3A_526 = arith.addf %dot_general3A_523, %dot_general3A_525 : vector<64x128xf32>
    %get3A_527 = arith.constant 14 : index
    %get3A_528 = arith.index_cast %arg0 : i32 to index
    %get3A_529 = arith.constant 0 : index
    %get3A_530 = vector.load %arg2[%get3A_527, %get3A_528, %get3A_529] : memref<26x128x128xi32, #tpu.memory_space<vmem>>, vector<1x1x128xi32>
    %get3A_531 = vector.shape_cast %get3A_530 : vector<1x1x128xi32> to vector<1x128xi32>
    %sub3A_532 = arith.constant 999936 : i32
    %sub3A_533 = vector.broadcast %sub3A_532 : i32 to vector<1x128xi32>
    %sub3A_534 = arith.subi %get3A_531, %sub3A_533 : vector<1x128xi32>
    %broadcast_in_dim3A_535 = vector.shape_cast %sub3A_534 : vector<1x128xi32> to vector<1x128xi32>
    %broadcast_in_dim3A_536 = vector.broadcast %broadcast_in_dim3A_535 : vector<1x128xi32> to vector<64x128xi32>
    %eq3A_537 = arith.cmpi eq, %iota3A_4, %broadcast_in_dim3A_536 : vector<64x128xi32>
    %convert_element_type3A_538 = arith.extui %eq3A_537 : vector<64x128xi1> to vector<64x128xi32>
    %convert_element_type3A_539 = arith.sitofp %convert_element_type3A_538 : vector<64x128xi32> to vector<64x128xf32>
    %dot_general3A_540 = arith.constant dense<0.000000e+00> : vector<64x128xf32>
    %dot_general3A_541 = tpu.matmul %get3A_7, %convert_element_type3A_539, %dot_general3A_540 {dimension_numbers = #tpu.dot_dimension_numbers<[0], [0], [1], [1], [0, 1, 1, 1], [], []>, precision = #tpu.contract_precision<fp32>, transpose_lhs_hint = false} : vector<64x64xf32>, vector<64x128xf32>, vector<64x128xf32> -> vector<64x128xf32>
    %ge3A_542 = arith.constant 0 : i32
    %ge3A_543 = vector.broadcast %ge3A_542 : i32 to vector<1x128xi32>
    %ge3A_544 = arith.cmpi sge, %sub3A_534, %ge3A_543 : vector<1x128xi32>
    %broadcast_in_dim3A_545 = vector.shape_cast %ge3A_544 : vector<1x128xi1> to vector<1x128xi1>
    %broadcast_in_dim3A_546 = vector.broadcast %broadcast_in_dim3A_545 : vector<1x128xi1> to vector<64x128xi1>
    %select_n3A_547 = arith.select %broadcast_in_dim3A_546, %dot_general3A_541, %add3A_526 : vector<64x128xi1>, vector<64x128xf32>
    %swap3A_548 = arith.constant 14 : index
    %swap3A_549 = arith.constant 0 : index
    %swap3A_550 = arith.constant 0 : index
    %swap3A_551 = vector.load %arg4[%swap3A_548, %swap3A_549, %swap3A_550] : memref<26x64x128xf32, #tpu.memory_space<vmem>>, vector<1x64x128xf32>
    %swap3A_552 = vector.shape_cast %swap3A_551 : vector<1x64x128xf32> to vector<64x128xf32>
    %swap3A_553 = vector.shape_cast %select_n3A_547 : vector<64x128xf32> to vector<1x64x128xf32>
    tpu.vector_store %arg4[%swap3A_548, %swap3A_549, %swap3A_550], %swap3A_553 {strides = array<i32>} : memref<26x64x128xf32, #tpu.memory_space<vmem>>, vector<1x64x128xf32>,
    %slice3A_554 = vector.extract_strided_slice %reshape3A {offsets = [0, 7, 64], sizes = [128, 1, 64], strides = [1, 1, 1]} : vector<128x13x128xf32> to vector<128x1x64xf32>
    %squeeze3A_555 = vector.shape_cast %slice3A_554 : vector<128x1x64xf32> to vector<128x64xf32>
    %convert_element_type3A_556 = arith.truncf %squeeze3A_555 : vector<128x64xf32> to vector<128x64xbf16>
    %convert_element_type3A_557 = arith.extf %convert_element_type3A_556 : vector<128x64xbf16> to vector<128x64xf32>
    %sub3A_558 = arith.subf %squeeze3A_555, %convert_element_type3A_557 : vector<128x64xf32>
    %dot_general3A_559 = arith.constant dense<0.000000e+00> : vector<64x128xf32>
    %dot_general3A_560 = tpu.matmul %convert_element_type3A_557, %convert_element_type3A_3, %dot_general3A_559 {dimension_numbers = #tpu.dot_dimension_numbers<[0], [0], [1], [1], [0, 1, 1, 1], [], []>, transpose_lhs_hint = false} : vector<128x64xf32>, vector<128x128xf32>, vector<64x128xf32> -> vector<64x128xf32>
    %dot_general3A_561 = arith.constant dense<0.000000e+00> : vector<64x128xf32>
    %dot_general3A_562 = tpu.matmul %sub3A_558, %convert_element_type3A_3, %dot_general3A_561 {dimension_numbers = #tpu.dot_dimension_numbers<[0], [0], [1], [1], [0, 1, 1, 1], [], []>, transpose_lhs_hint = false} : vector<128x64xf32>, vector<128x128xf32>, vector<64x128xf32> -> vector<64x128xf32>
    %add3A_563 = arith.addf %dot_general3A_560, %dot_general3A_562 : vector<64x128xf32>
    %get3A_564 = arith.constant 15 : index
    %get3A_565 = arith.index_cast %arg0 : i32 to index
    %get3A_566 = arith.constant 0 : index
    %get3A_567 = vector.load %arg2[%get3A_564, %get3A_565, %get3A_566] : memref<26x128x128xi32, #tpu.memory_space<vmem>>, vector<1x1x128xi32>
    %get3A_568 = vector.shape_cast %get3A_567 : vector<1x1x128xi32> to vector<1x128xi32>
    %sub3A_569 = arith.constant 999936 : i32
    %sub3A_570 = vector.broadcast %sub3A_569 : i32 to vector<1x128xi32>
    %sub3A_571 = arith.subi %get3A_568, %sub3A_570 : vector<1x128xi32>
    %broadcast_in_dim3A_572 = vector.shape_cast %sub3A_571 : vector<1x128xi32> to vector<1x128xi32>
    %broadcast_in_dim3A_573 = vector.broadcast %broadcast_in_dim3A_572 : vector<1x128xi32> to vector<64x128xi32>
    %eq3A_574 = arith.cmpi eq, %iota3A_4, %broadcast_in_dim3A_573 : vector<64x128xi32>
    %convert_element_type3A_575 = arith.extui %eq3A_574 : vector<64x128xi1> to vector<64x128xi32>
    %convert_element_type3A_576 = arith.sitofp %convert_element_type3A_575 : vector<64x128xi32> to vector<64x128xf32>
    %dot_general3A_577 = arith.constant dense<0.000000e+00> : vector<64x128xf32>
    %dot_general3A_578 = tpu.matmul %get3A_7, %convert_element_type3A_576, %dot_general3A_577 {dimension_numbers = #tpu.dot_dimension_numbers<[0], [0], [1], [1], [0, 1, 1, 1], [], []>, precision = #tpu.contract_precision<fp32>, transpose_lhs_hint = false} : vector<64x64xf32>, vector<64x128xf32>, vector<64x128xf32> -> vector<64x128xf32>
    %ge3A_579 = arith.constant 0 : i32
    %ge3A_580 = vector.broadcast %ge3A_579 : i32 to vector<1x128xi32>
    %ge3A_581 = arith.cmpi sge, %sub3A_571, %ge3A_580 : vector<1x128xi32>
    %broadcast_in_dim3A_582 = vector.shape_cast %ge3A_581 : vector<1x128xi1> to vector<1x128xi1>
    %broadcast_in_dim3A_583 = vector.broadcast %broadcast_in_dim3A_582 : vector<1x128xi1> to vector<64x128xi1>
    %select_n3A_584 = arith.select %broadcast_in_dim3A_583, %dot_general3A_578, %add3A_563 : vector<64x128xi1>, vector<64x128xf32>
    %swap3A_585 = arith.constant 15 : index
    %swap3A_586 = arith.constant 0 : index
    %swap3A_587 = arith.constant 0 : index
    %swap3A_588 = vector.load %arg4[%swap3A_585, %swap3A_586, %swap3A_587] : memref<26x64x128xf32, #tpu.memory_space<vmem>>, vector<1x64x128xf32>
    %swap3A_589 = vector.shape_cast %swap3A_588 : vector<1x64x128xf32> to vector<64x128xf32>
    %swap3A_590 = vector.shape_cast %select_n3A_584 : vector<64x128xf32> to vector<1x64x128xf32>
    tpu.vector_store %arg4[%swap3A_585, %swap3A_586, %swap3A_587], %swap3A_590 {strides = array<i32>} : memref<26x64x128xf32, #tpu.memory_space<vmem>>, vector<1x64x128xf32>,
    %slice3A_591 = vector.extract_strided_slice %reshape3A {offsets = [0, 8, 0], sizes = [128, 1, 64], strides = [1, 1, 1]} : vector<128x13x128xf32> to vector<128x1x64xf32>
    %squeeze3A_592 = vector.shape_cast %slice3A_591 : vector<128x1x64xf32> to vector<128x64xf32>
    %convert_element_type3A_593 = arith.truncf %squeeze3A_592 : vector<128x64xf32> to vector<128x64xbf16>
    %convert_element_type3A_594 = arith.extf %convert_element_type3A_593 : vector<128x64xbf16> to vector<128x64xf32>
    %sub3A_595 = arith.subf %squeeze3A_592, %convert_element_type3A_594 : vector<128x64xf32>
    %dot_general3A_596 = arith.constant dense<0.000000e+00> : vector<64x128xf32>
    %dot_general3A_597 = tpu.matmul %convert_element_type3A_594, %convert_element_type3A_3, %dot_general3A_596 {dimension_numbers = #tpu.dot_dimension_numbers<[0], [0], [1], [1], [0, 1, 1, 1], [], []>, transpose_lhs_hint = false} : vector<128x64xf32>, vector<128x128xf32>, vector<64x128xf32> -> vector<64x128xf32>
    %dot_general3A_598 = arith.constant dense<0.000000e+00> : vector<64x128xf32>
    %dot_general3A_599 = tpu.matmul %sub3A_595, %convert_element_type3A_3, %dot_general3A_598 {dimension_numbers = #tpu.dot_dimension_numbers<[0], [0], [1], [1], [0, 1, 1, 1], [], []>, transpose_lhs_hint = false} : vector<128x64xf32>, vector<128x128xf32>, vector<64x128xf32> -> vector<64x128xf32>
    %add3A_600 = arith.addf %dot_general3A_597, %dot_general3A_599 : vector<64x128xf32>
    %get3A_601 = arith.constant 16 : index
    %get3A_602 = arith.index_cast %arg0 : i32 to index
    %get3A_603 = arith.constant 0 : index
    %get3A_604 = vector.load %arg2[%get3A_601, %get3A_602, %get3A_603] : memref<26x128x128xi32, #tpu.memory_space<vmem>>, vector<1x1x128xi32>
    %get3A_605 = vector.shape_cast %get3A_604 : vector<1x1x128xi32> to vector<1x128xi32>
    %sub3A_606 = arith.constant 999936 : i32
    %sub3A_607 = vector.broadcast %sub3A_606 : i32 to vector<1x128xi32>
    %sub3A_608 = arith.subi %get3A_605, %sub3A_607 : vector<1x128xi32>
    %broadcast_in_dim3A_609 = vector.shape_cast %sub3A_608 : vector<1x128xi32> to vector<1x128xi32>
    %broadcast_in_dim3A_610 = vector.broadcast %broadcast_in_dim3A_609 : vector<1x128xi32> to vector<64x128xi32>
    %eq3A_611 = arith.cmpi eq, %iota3A_4, %broadcast_in_dim3A_610 : vector<64x128xi32>
    %convert_element_type3A_612 = arith.extui %eq3A_611 : vector<64x128xi1> to vector<64x128xi32>
    %convert_element_type3A_613 = arith.sitofp %convert_element_type3A_612 : vector<64x128xi32> to vector<64x128xf32>
    %dot_general3A_614 = arith.constant dense<0.000000e+00> : vector<64x128xf32>
    %dot_general3A_615 = tpu.matmul %get3A_7, %convert_element_type3A_613, %dot_general3A_614 {dimension_numbers = #tpu.dot_dimension_numbers<[0], [0], [1], [1], [0, 1, 1, 1], [], []>, precision = #tpu.contract_precision<fp32>, transpose_lhs_hint = false} : vector<64x64xf32>, vector<64x128xf32>, vector<64x128xf32> -> vector<64x128xf32>
    %ge3A_616 = arith.constant 0 : i32
    %ge3A_617 = vector.broadcast %ge3A_616 : i32 to vector<1x128xi32>
    %ge3A_618 = arith.cmpi sge, %sub3A_608, %ge3A_617 : vector<1x128xi32>
    %broadcast_in_dim3A_619 = vector.shape_cast %ge3A_618 : vector<1x128xi1> to vector<1x128xi1>
    %broadcast_in_dim3A_620 = vector.broadcast %broadcast_in_dim3A_619 : vector<1x128xi1> to vector<64x128xi1>
    %select_n3A_621 = arith.select %broadcast_in_dim3A_620, %dot_general3A_615, %add3A_600 : vector<64x128xi1>, vector<64x128xf32>
    %swap3A_622 = arith.constant 16 : index
    %swap3A_623 = arith.constant 0 : index
    %swap3A_624 = arith.constant 0 : index
    %swap3A_625 = vector.load %arg4[%swap3A_622, %swap3A_623, %swap3A_624] : memref<26x64x128xf32, #tpu.memory_space<vmem>>, vector<1x64x128xf32>
    %swap3A_626 = vector.shape_cast %swap3A_625 : vector<1x64x128xf32> to vector<64x128xf32>
    %swap3A_627 = vector.shape_cast %select_n3A_621 : vector<64x128xf32> to vector<1x64x128xf32>
    tpu.vector_store %arg4[%swap3A_622, %swap3A_623, %swap3A_624], %swap3A_627 {strides = array<i32>} : memref<26x64x128xf32, #tpu.memory_space<vmem>>, vector<1x64x128xf32>,
    %slice3A_628 = vector.extract_strided_slice %reshape3A {offsets = [0, 8, 64], sizes = [128, 1, 64], strides = [1, 1, 1]} : vector<128x13x128xf32> to vector<128x1x64xf32>
    %squeeze3A_629 = vector.shape_cast %slice3A_628 : vector<128x1x64xf32> to vector<128x64xf32>
    %convert_element_type3A_630 = arith.truncf %squeeze3A_629 : vector<128x64xf32> to vector<128x64xbf16>
    %convert_element_type3A_631 = arith.extf %convert_element_type3A_630 : vector<128x64xbf16> to vector<128x64xf32>
    %sub3A_632 = arith.subf %squeeze3A_629, %convert_element_type3A_631 : vector<128x64xf32>
    %dot_general3A_633 = arith.constant dense<0.000000e+00> : vector<64x128xf32>
    %dot_general3A_634 = tpu.matmul %convert_element_type3A_631, %convert_element_type3A_3, %dot_general3A_633 {dimension_numbers = #tpu.dot_dimension_numbers<[0], [0], [1], [1], [0, 1, 1, 1], [], []>, transpose_lhs_hint = false} : vector<128x64xf32>, vector<128x128xf32>, vector<64x128xf32> -> vector<64x128xf32>
    %dot_general3A_635 = arith.constant dense<0.000000e+00> : vector<64x128xf32>
    %dot_general3A_636 = tpu.matmul %sub3A_632, %convert_element_type3A_3, %dot_general3A_635 {dimension_numbers = #tpu.dot_dimension_numbers<[0], [0], [1], [1], [0, 1, 1, 1], [], []>, transpose_lhs_hint = false} : vector<128x64xf32>, vector<128x128xf32>, vector<64x128xf32> -> vector<64x128xf32>
    %add3A_637 = arith.addf %dot_general3A_634, %dot_general3A_636 : vector<64x128xf32>
    %get3A_638 = arith.constant 17 : index
    %get3A_639 = arith.index_cast %arg0 : i32 to index
    %get3A_640 = arith.constant 0 : index
    %get3A_641 = vector.load %arg2[%get3A_638, %get3A_639, %get3A_640] : memref<26x128x128xi32, #tpu.memory_space<vmem>>, vector<1x1x128xi32>
    %get3A_642 = vector.shape_cast %get3A_641 : vector<1x1x128xi32> to vector<1x128xi32>
    %sub3A_643 = arith.constant 999936 : i32
    %sub3A_644 = vector.broadcast %sub3A_643 : i32 to vector<1x128xi32>
    %sub3A_645 = arith.subi %get3A_642, %sub3A_644 : vector<1x128xi32>
    %broadcast_in_dim3A_646 = vector.shape_cast %sub3A_645 : vector<1x128xi32> to vector<1x128xi32>
    %broadcast_in_dim3A_647 = vector.broadcast %broadcast_in_dim3A_646 : vector<1x128xi32> to vector<64x128xi32>
    %eq3A_648 = arith.cmpi eq, %iota3A_4, %broadcast_in_dim3A_647 : vector<64x128xi32>
    %convert_element_type3A_649 = arith.extui %eq3A_648 : vector<64x128xi1> to vector<64x128xi32>
    %convert_element_type3A_650 = arith.sitofp %convert_element_type3A_649 : vector<64x128xi32> to vector<64x128xf32>
    %dot_general3A_651 = arith.constant dense<0.000000e+00> : vector<64x128xf32>
    %dot_general3A_652 = tpu.matmul %get3A_7, %convert_element_type3A_650, %dot_general3A_651 {dimension_numbers = #tpu.dot_dimension_numbers<[0], [0], [1], [1], [0, 1, 1, 1], [], []>, precision = #tpu.contract_precision<fp32>, transpose_lhs_hint = false} : vector<64x64xf32>, vector<64x128xf32>, vector<64x128xf32> -> vector<64x128xf32>
    %ge3A_653 = arith.constant 0 : i32
    %ge3A_654 = vector.broadcast %ge3A_653 : i32 to vector<1x128xi32>
    %ge3A_655 = arith.cmpi sge, %sub3A_645, %ge3A_654 : vector<1x128xi32>
    %broadcast_in_dim3A_656 = vector.shape_cast %ge3A_655 : vector<1x128xi1> to vector<1x128xi1>
    %broadcast_in_dim3A_657 = vector.broadcast %broadcast_in_dim3A_656 : vector<1x128xi1> to vector<64x128xi1>
    %select_n3A_658 = arith.select %broadcast_in_dim3A_657, %dot_general3A_652, %add3A_637 : vector<64x128xi1>, vector<64x128xf32>
    %swap3A_659 = arith.constant 17 : index
    %swap3A_660 = arith.constant 0 : index
    %swap3A_661 = arith.constant 0 : index
    %swap3A_662 = vector.load %arg4[%swap3A_659, %swap3A_660, %swap3A_661] : memref<26x64x128xf32, #tpu.memory_space<vmem>>, vector<1x64x128xf32>
    %swap3A_663 = vector.shape_cast %swap3A_662 : vector<1x64x128xf32> to vector<64x128xf32>
    %swap3A_664 = vector.shape_cast %select_n3A_658 : vector<64x128xf32> to vector<1x64x128xf32>
    tpu.vector_store %arg4[%swap3A_659, %swap3A_660, %swap3A_661], %swap3A_664 {strides = array<i32>} : memref<26x64x128xf32, #tpu.memory_space<vmem>>, vector<1x64x128xf32>,
    %slice3A_665 = vector.extract_strided_slice %reshape3A {offsets = [0, 9, 0], sizes = [128, 1, 64], strides = [1, 1, 1]} : vector<128x13x128xf32> to vector<128x1x64xf32>
    %squeeze3A_666 = vector.shape_cast %slice3A_665 : vector<128x1x64xf32> to vector<128x64xf32>
    %convert_element_type3A_667 = arith.truncf %squeeze3A_666 : vector<128x64xf32> to vector<128x64xbf16>
    %convert_element_type3A_668 = arith.extf %convert_element_type3A_667 : vector<128x64xbf16> to vector<128x64xf32>
    %sub3A_669 = arith.subf %squeeze3A_666, %convert_element_type3A_668 : vector<128x64xf32>
    %dot_general3A_670 = arith.constant dense<0.000000e+00> : vector<64x128xf32>
    %dot_general3A_671 = tpu.matmul %convert_element_type3A_668, %convert_element_type3A_3, %dot_general3A_670 {dimension_numbers = #tpu.dot_dimension_numbers<[0], [0], [1], [1], [0, 1, 1, 1], [], []>, transpose_lhs_hint = false} : vector<128x64xf32>, vector<128x128xf32>, vector<64x128xf32> -> vector<64x128xf32>
    %dot_general3A_672 = arith.constant dense<0.000000e+00> : vector<64x128xf32>
    %dot_general3A_673 = tpu.matmul %sub3A_669, %convert_element_type3A_3, %dot_general3A_672 {dimension_numbers = #tpu.dot_dimension_numbers<[0], [0], [1], [1], [0, 1, 1, 1], [], []>, transpose_lhs_hint = false} : vector<128x64xf32>, vector<128x128xf32>, vector<64x128xf32> -> vector<64x128xf32>
    %add3A_674 = arith.addf %dot_general3A_671, %dot_general3A_673 : vector<64x128xf32>
    %get3A_675 = arith.constant 18 : index
    %get3A_676 = arith.index_cast %arg0 : i32 to index
    %get3A_677 = arith.constant 0 : index
    %get3A_678 = vector.load %arg2[%get3A_675, %get3A_676, %get3A_677] : memref<26x128x128xi32, #tpu.memory_space<vmem>>, vector<1x1x128xi32>
    %get3A_679 = vector.shape_cast %get3A_678 : vector<1x1x128xi32> to vector<1x128xi32>
    %sub3A_680 = arith.constant 999936 : i32
    %sub3A_681 = vector.broadcast %sub3A_680 : i32 to vector<1x128xi32>
    %sub3A_682 = arith.subi %get3A_679, %sub3A_681 : vector<1x128xi32>
    %broadcast_in_dim3A_683 = vector.shape_cast %sub3A_682 : vector<1x128xi32> to vector<1x128xi32>
    %broadcast_in_dim3A_684 = vector.broadcast %broadcast_in_dim3A_683 : vector<1x128xi32> to vector<64x128xi32>
    %eq3A_685 = arith.cmpi eq, %iota3A_4, %broadcast_in_dim3A_684 : vector<64x128xi32>
    %convert_element_type3A_686 = arith.extui %eq3A_685 : vector<64x128xi1> to vector<64x128xi32>
    %convert_element_type3A_687 = arith.sitofp %convert_element_type3A_686 : vector<64x128xi32> to vector<64x128xf32>
    %dot_general3A_688 = arith.constant dense<0.000000e+00> : vector<64x128xf32>
    %dot_general3A_689 = tpu.matmul %get3A_7, %convert_element_type3A_687, %dot_general3A_688 {dimension_numbers = #tpu.dot_dimension_numbers<[0], [0], [1], [1], [0, 1, 1, 1], [], []>, precision = #tpu.contract_precision<fp32>, transpose_lhs_hint = false} : vector<64x64xf32>, vector<64x128xf32>, vector<64x128xf32> -> vector<64x128xf32>
    %ge3A_690 = arith.constant 0 : i32
    %ge3A_691 = vector.broadcast %ge3A_690 : i32 to vector<1x128xi32>
    %ge3A_692 = arith.cmpi sge, %sub3A_682, %ge3A_691 : vector<1x128xi32>
    %broadcast_in_dim3A_693 = vector.shape_cast %ge3A_692 : vector<1x128xi1> to vector<1x128xi1>
    %broadcast_in_dim3A_694 = vector.broadcast %broadcast_in_dim3A_693 : vector<1x128xi1> to vector<64x128xi1>
    %select_n3A_695 = arith.select %broadcast_in_dim3A_694, %dot_general3A_689, %add3A_674 : vector<64x128xi1>, vector<64x128xf32>
    %swap3A_696 = arith.constant 18 : index
    %swap3A_697 = arith.constant 0 : index
    %swap3A_698 = arith.constant 0 : index
    %swap3A_699 = vector.load %arg4[%swap3A_696, %swap3A_697, %swap3A_698] : memref<26x64x128xf32, #tpu.memory_space<vmem>>, vector<1x64x128xf32>
    %swap3A_700 = vector.shape_cast %swap3A_699 : vector<1x64x128xf32> to vector<64x128xf32>
    %swap3A_701 = vector.shape_cast %select_n3A_695 : vector<64x128xf32> to vector<1x64x128xf32>
    tpu.vector_store %arg4[%swap3A_696, %swap3A_697, %swap3A_698], %swap3A_701 {strides = array<i32>} : memref<26x64x128xf32, #tpu.memory_space<vmem>>, vector<1x64x128xf32>,
    %slice3A_702 = vector.extract_strided_slice %reshape3A {offsets = [0, 9, 64], sizes = [128, 1, 64], strides = [1, 1, 1]} : vector<128x13x128xf32> to vector<128x1x64xf32>
    %squeeze3A_703 = vector.shape_cast %slice3A_702 : vector<128x1x64xf32> to vector<128x64xf32>
    %convert_element_type3A_704 = arith.truncf %squeeze3A_703 : vector<128x64xf32> to vector<128x64xbf16>
    %convert_element_type3A_705 = arith.extf %convert_element_type3A_704 : vector<128x64xbf16> to vector<128x64xf32>
    %sub3A_706 = arith.subf %squeeze3A_703, %convert_element_type3A_705 : vector<128x64xf32>
    %dot_general3A_707 = arith.constant dense<0.000000e+00> : vector<64x128xf32>
    %dot_general3A_708 = tpu.matmul %convert_element_type3A_705, %convert_element_type3A_3, %dot_general3A_707 {dimension_numbers = #tpu.dot_dimension_numbers<[0], [0], [1], [1], [0, 1, 1, 1], [], []>, transpose_lhs_hint = false} : vector<128x64xf32>, vector<128x128xf32>, vector<64x128xf32> -> vector<64x128xf32>
    %dot_general3A_709 = arith.constant dense<0.000000e+00> : vector<64x128xf32>
    %dot_general3A_710 = tpu.matmul %sub3A_706, %convert_element_type3A_3, %dot_general3A_709 {dimension_numbers = #tpu.dot_dimension_numbers<[0], [0], [1], [1], [0, 1, 1, 1], [], []>, transpose_lhs_hint = false} : vector<128x64xf32>, vector<128x128xf32>, vector<64x128xf32> -> vector<64x128xf32>
    %add3A_711 = arith.addf %dot_general3A_708, %dot_general3A_710 : vector<64x128xf32>
    %get3A_712 = arith.constant 19 : index
    %get3A_713 = arith.index_cast %arg0 : i32 to index
    %get3A_714 = arith.constant 0 : index
    %get3A_715 = vector.load %arg2[%get3A_712, %get3A_713, %get3A_714] : memref<26x128x128xi32, #tpu.memory_space<vmem>>, vector<1x1x128xi32>
    %get3A_716 = vector.shape_cast %get3A_715 : vector<1x1x128xi32> to vector<1x128xi32>
    %sub3A_717 = arith.constant 999936 : i32
    %sub3A_718 = vector.broadcast %sub3A_717 : i32 to vector<1x128xi32>
    %sub3A_719 = arith.subi %get3A_716, %sub3A_718 : vector<1x128xi32>
    %broadcast_in_dim3A_720 = vector.shape_cast %sub3A_719 : vector<1x128xi32> to vector<1x128xi32>
    %broadcast_in_dim3A_721 = vector.broadcast %broadcast_in_dim3A_720 : vector<1x128xi32> to vector<64x128xi32>
    %eq3A_722 = arith.cmpi eq, %iota3A_4, %broadcast_in_dim3A_721 : vector<64x128xi32>
    %convert_element_type3A_723 = arith.extui %eq3A_722 : vector<64x128xi1> to vector<64x128xi32>
    %convert_element_type3A_724 = arith.sitofp %convert_element_type3A_723 : vector<64x128xi32> to vector<64x128xf32>
    %dot_general3A_725 = arith.constant dense<0.000000e+00> : vector<64x128xf32>
    %dot_general3A_726 = tpu.matmul %get3A_7, %convert_element_type3A_724, %dot_general3A_725 {dimension_numbers = #tpu.dot_dimension_numbers<[0], [0], [1], [1], [0, 1, 1, 1], [], []>, precision = #tpu.contract_precision<fp32>, transpose_lhs_hint = false} : vector<64x64xf32>, vector<64x128xf32>, vector<64x128xf32> -> vector<64x128xf32>
    %ge3A_727 = arith.constant 0 : i32
    %ge3A_728 = vector.broadcast %ge3A_727 : i32 to vector<1x128xi32>
    %ge3A_729 = arith.cmpi sge, %sub3A_719, %ge3A_728 : vector<1x128xi32>
    %broadcast_in_dim3A_730 = vector.shape_cast %ge3A_729 : vector<1x128xi1> to vector<1x128xi1>
    %broadcast_in_dim3A_731 = vector.broadcast %broadcast_in_dim3A_730 : vector<1x128xi1> to vector<64x128xi1>
    %select_n3A_732 = arith.select %broadcast_in_dim3A_731, %dot_general3A_726, %add3A_711 : vector<64x128xi1>, vector<64x128xf32>
    %swap3A_733 = arith.constant 19 : index
    %swap3A_734 = arith.constant 0 : index
    %swap3A_735 = arith.constant 0 : index
    %swap3A_736 = vector.load %arg4[%swap3A_733, %swap3A_734, %swap3A_735] : memref<26x64x128xf32, #tpu.memory_space<vmem>>, vector<1x64x128xf32>
    %swap3A_737 = vector.shape_cast %swap3A_736 : vector<1x64x128xf32> to vector<64x128xf32>
    %swap3A_738 = vector.shape_cast %select_n3A_732 : vector<64x128xf32> to vector<1x64x128xf32>
    tpu.vector_store %arg4[%swap3A_733, %swap3A_734, %swap3A_735], %swap3A_738 {strides = array<i32>} : memref<26x64x128xf32, #tpu.memory_space<vmem>>, vector<1x64x128xf32>,
    %slice3A_739 = vector.extract_strided_slice %reshape3A {offsets = [0, 10, 0], sizes = [128, 1, 64], strides = [1, 1, 1]} : vector<128x13x128xf32> to vector<128x1x64xf32>
    %squeeze3A_740 = vector.shape_cast %slice3A_739 : vector<128x1x64xf32> to vector<128x64xf32>
    %convert_element_type3A_741 = arith.truncf %squeeze3A_740 : vector<128x64xf32> to vector<128x64xbf16>
    %convert_element_type3A_742 = arith.extf %convert_element_type3A_741 : vector<128x64xbf16> to vector<128x64xf32>
    %sub3A_743 = arith.subf %squeeze3A_740, %convert_element_type3A_742 : vector<128x64xf32>
    %dot_general3A_744 = arith.constant dense<0.000000e+00> : vector<64x128xf32>
    %dot_general3A_745 = tpu.matmul %convert_element_type3A_742, %convert_element_type3A_3, %dot_general3A_744 {dimension_numbers = #tpu.dot_dimension_numbers<[0], [0], [1], [1], [0, 1, 1, 1], [], []>, transpose_lhs_hint = false} : vector<128x64xf32>, vector<128x128xf32>, vector<64x128xf32> -> vector<64x128xf32>
    %dot_general3A_746 = arith.constant dense<0.000000e+00> : vector<64x128xf32>
    %dot_general3A_747 = tpu.matmul %sub3A_743, %convert_element_type3A_3, %dot_general3A_746 {dimension_numbers = #tpu.dot_dimension_numbers<[0], [0], [1], [1], [0, 1, 1, 1], [], []>, transpose_lhs_hint = false} : vector<128x64xf32>, vector<128x128xf32>, vector<64x128xf32> -> vector<64x128xf32>
    %add3A_748 = arith.addf %dot_general3A_745, %dot_general3A_747 : vector<64x128xf32>
    %get3A_749 = arith.constant 20 : index
    %get3A_750 = arith.index_cast %arg0 : i32 to index
    %get3A_751 = arith.constant 0 : index
    %get3A_752 = vector.load %arg2[%get3A_749, %get3A_750, %get3A_751] : memref<26x128x128xi32, #tpu.memory_space<vmem>>, vector<1x1x128xi32>
    %get3A_753 = vector.shape_cast %get3A_752 : vector<1x1x128xi32> to vector<1x128xi32>
    %sub3A_754 = arith.constant 999936 : i32
    %sub3A_755 = vector.broadcast %sub3A_754 : i32 to vector<1x128xi32>
    %sub3A_756 = arith.subi %get3A_753, %sub3A_755 : vector<1x128xi32>
    %broadcast_in_dim3A_757 = vector.shape_cast %sub3A_756 : vector<1x128xi32> to vector<1x128xi32>
    %broadcast_in_dim3A_758 = vector.broadcast %broadcast_in_dim3A_757 : vector<1x128xi32> to vector<64x128xi32>
    %eq3A_759 = arith.cmpi eq, %iota3A_4, %broadcast_in_dim3A_758 : vector<64x128xi32>
    %convert_element_type3A_760 = arith.extui %eq3A_759 : vector<64x128xi1> to vector<64x128xi32>
    %convert_element_type3A_761 = arith.sitofp %convert_element_type3A_760 : vector<64x128xi32> to vector<64x128xf32>
    %dot_general3A_762 = arith.constant dense<0.000000e+00> : vector<64x128xf32>
    %dot_general3A_763 = tpu.matmul %get3A_7, %convert_element_type3A_761, %dot_general3A_762 {dimension_numbers = #tpu.dot_dimension_numbers<[0], [0], [1], [1], [0, 1, 1, 1], [], []>, precision = #tpu.contract_precision<fp32>, transpose_lhs_hint = false} : vector<64x64xf32>, vector<64x128xf32>, vector<64x128xf32> -> vector<64x128xf32>
    %ge3A_764 = arith.constant 0 : i32
    %ge3A_765 = vector.broadcast %ge3A_764 : i32 to vector<1x128xi32>
    %ge3A_766 = arith.cmpi sge, %sub3A_756, %ge3A_765 : vector<1x128xi32>
    %broadcast_in_dim3A_767 = vector.shape_cast %ge3A_766 : vector<1x128xi1> to vector<1x128xi1>
    %broadcast_in_dim3A_768 = vector.broadcast %broadcast_in_dim3A_767 : vector<1x128xi1> to vector<64x128xi1>
    %select_n3A_769 = arith.select %broadcast_in_dim3A_768, %dot_general3A_763, %add3A_748 : vector<64x128xi1>, vector<64x128xf32>
    %swap3A_770 = arith.constant 20 : index
    %swap3A_771 = arith.constant 0 : index
    %swap3A_772 = arith.constant 0 : index
    %swap3A_773 = vector.load %arg4[%swap3A_770, %swap3A_771, %swap3A_772] : memref<26x64x128xf32, #tpu.memory_space<vmem>>, vector<1x64x128xf32>
    %swap3A_774 = vector.shape_cast %swap3A_773 : vector<1x64x128xf32> to vector<64x128xf32>
    %swap3A_775 = vector.shape_cast %select_n3A_769 : vector<64x128xf32> to vector<1x64x128xf32>
    tpu.vector_store %arg4[%swap3A_770, %swap3A_771, %swap3A_772], %swap3A_775 {strides = array<i32>} : memref<26x64x128xf32, #tpu.memory_space<vmem>>, vector<1x64x128xf32>,
    %slice3A_776 = vector.extract_strided_slice %reshape3A {offsets = [0, 10, 64], sizes = [128, 1, 64], strides = [1, 1, 1]} : vector<128x13x128xf32> to vector<128x1x64xf32>
    %squeeze3A_777 = vector.shape_cast %slice3A_776 : vector<128x1x64xf32> to vector<128x64xf32>
    %convert_element_type3A_778 = arith.truncf %squeeze3A_777 : vector<128x64xf32> to vector<128x64xbf16>
    %convert_element_type3A_779 = arith.extf %convert_element_type3A_778 : vector<128x64xbf16> to vector<128x64xf32>
    %sub3A_780 = arith.subf %squeeze3A_777, %convert_element_type3A_779 : vector<128x64xf32>
    %dot_general3A_781 = arith.constant dense<0.000000e+00> : vector<64x128xf32>
    %dot_general3A_782 = tpu.matmul %convert_element_type3A_779, %convert_element_type3A_3, %dot_general3A_781 {dimension_numbers = #tpu.dot_dimension_numbers<[0], [0], [1], [1], [0, 1, 1, 1], [], []>, transpose_lhs_hint = false} : vector<128x64xf32>, vector<128x128xf32>, vector<64x128xf32> -> vector<64x128xf32>
    %dot_general3A_783 = arith.constant dense<0.000000e+00> : vector<64x128xf32>
    %dot_general3A_784 = tpu.matmul %sub3A_780, %convert_element_type3A_3, %dot_general3A_783 {dimension_numbers = #tpu.dot_dimension_numbers<[0], [0], [1], [1], [0, 1, 1, 1], [], []>, transpose_lhs_hint = false} : vector<128x64xf32>, vector<128x128xf32>, vector<64x128xf32> -> vector<64x128xf32>
    %add3A_785 = arith.addf %dot_general3A_782, %dot_general3A_784 : vector<64x128xf32>
    %get3A_786 = arith.constant 21 : index
    %get3A_787 = arith.index_cast %arg0 : i32 to index
    %get3A_788 = arith.constant 0 : index
    %get3A_789 = vector.load %arg2[%get3A_786, %get3A_787, %get3A_788] : memref<26x128x128xi32, #tpu.memory_space<vmem>>, vector<1x1x128xi32>
    %get3A_790 = vector.shape_cast %get3A_789 : vector<1x1x128xi32> to vector<1x128xi32>
    %sub3A_791 = arith.constant 999936 : i32
    %sub3A_792 = vector.broadcast %sub3A_791 : i32 to vector<1x128xi32>
    %sub3A_793 = arith.subi %get3A_790, %sub3A_792 : vector<1x128xi32>
    %broadcast_in_dim3A_794 = vector.shape_cast %sub3A_793 : vector<1x128xi32> to vector<1x128xi32>
    %broadcast_in_dim3A_795 = vector.broadcast %broadcast_in_dim3A_794 : vector<1x128xi32> to vector<64x128xi32>
    %eq3A_796 = arith.cmpi eq, %iota3A_4, %broadcast_in_dim3A_795 : vector<64x128xi32>
    %convert_element_type3A_797 = arith.extui %eq3A_796 : vector<64x128xi1> to vector<64x128xi32>
    %convert_element_type3A_798 = arith.sitofp %convert_element_type3A_797 : vector<64x128xi32> to vector<64x128xf32>
    %dot_general3A_799 = arith.constant dense<0.000000e+00> : vector<64x128xf32>
    %dot_general3A_800 = tpu.matmul %get3A_7, %convert_element_type3A_798, %dot_general3A_799 {dimension_numbers = #tpu.dot_dimension_numbers<[0], [0], [1], [1], [0, 1, 1, 1], [], []>, precision = #tpu.contract_precision<fp32>, transpose_lhs_hint = false} : vector<64x64xf32>, vector<64x128xf32>, vector<64x128xf32> -> vector<64x128xf32>
    %ge3A_801 = arith.constant 0 : i32
    %ge3A_802 = vector.broadcast %ge3A_801 : i32 to vector<1x128xi32>
    %ge3A_803 = arith.cmpi sge, %sub3A_793, %ge3A_802 : vector<1x128xi32>
    %broadcast_in_dim3A_804 = vector.shape_cast %ge3A_803 : vector<1x128xi1> to vector<1x128xi1>
    %broadcast_in_dim3A_805 = vector.broadcast %broadcast_in_dim3A_804 : vector<1x128xi1> to vector<64x128xi1>
    %select_n3A_806 = arith.select %broadcast_in_dim3A_805, %dot_general3A_800, %add3A_785 : vector<64x128xi1>, vector<64x128xf32>
    %swap3A_807 = arith.constant 21 : index
    %swap3A_808 = arith.constant 0 : index
    %swap3A_809 = arith.constant 0 : index
    %swap3A_810 = vector.load %arg4[%swap3A_807, %swap3A_808, %swap3A_809] : memref<26x64x128xf32, #tpu.memory_space<vmem>>, vector<1x64x128xf32>
    %swap3A_811 = vector.shape_cast %swap3A_810 : vector<1x64x128xf32> to vector<64x128xf32>
    %swap3A_812 = vector.shape_cast %select_n3A_806 : vector<64x128xf32> to vector<1x64x128xf32>
    tpu.vector_store %arg4[%swap3A_807, %swap3A_808, %swap3A_809], %swap3A_812 {strides = array<i32>} : memref<26x64x128xf32, #tpu.memory_space<vmem>>, vector<1x64x128xf32>,
    %slice3A_813 = vector.extract_strided_slice %reshape3A {offsets = [0, 11, 0], sizes = [128, 1, 64], strides = [1, 1, 1]} : vector<128x13x128xf32> to vector<128x1x64xf32>
    %squeeze3A_814 = vector.shape_cast %slice3A_813 : vector<128x1x64xf32> to vector<128x64xf32>
    %convert_element_type3A_815 = arith.truncf %squeeze3A_814 : vector<128x64xf32> to vector<128x64xbf16>
    %convert_element_type3A_816 = arith.extf %convert_element_type3A_815 : vector<128x64xbf16> to vector<128x64xf32>
    %sub3A_817 = arith.subf %squeeze3A_814, %convert_element_type3A_816 : vector<128x64xf32>
    %dot_general3A_818 = arith.constant dense<0.000000e+00> : vector<64x128xf32>
    %dot_general3A_819 = tpu.matmul %convert_element_type3A_816, %convert_element_type3A_3, %dot_general3A_818 {dimension_numbers = #tpu.dot_dimension_numbers<[0], [0], [1], [1], [0, 1, 1, 1], [], []>, transpose_lhs_hint = false} : vector<128x64xf32>, vector<128x128xf32>, vector<64x128xf32> -> vector<64x128xf32>
    %dot_general3A_820 = arith.constant dense<0.000000e+00> : vector<64x128xf32>
    %dot_general3A_821 = tpu.matmul %sub3A_817, %convert_element_type3A_3, %dot_general3A_820 {dimension_numbers = #tpu.dot_dimension_numbers<[0], [0], [1], [1], [0, 1, 1, 1], [], []>, transpose_lhs_hint = false} : vector<128x64xf32>, vector<128x128xf32>, vector<64x128xf32> -> vector<64x128xf32>
    %add3A_822 = arith.addf %dot_general3A_819, %dot_general3A_821 : vector<64x128xf32>
    %get3A_823 = arith.constant 22 : index
    %get3A_824 = arith.index_cast %arg0 : i32 to index
    %get3A_825 = arith.constant 0 : index
    %get3A_826 = vector.load %arg2[%get3A_823, %get3A_824, %get3A_825] : memref<26x128x128xi32, #tpu.memory_space<vmem>>, vector<1x1x128xi32>
    %get3A_827 = vector.shape_cast %get3A_826 : vector<1x1x128xi32> to vector<1x128xi32>
    %sub3A_828 = arith.constant 999936 : i32
    %sub3A_829 = vector.broadcast %sub3A_828 : i32 to vector<1x128xi32>
    %sub3A_830 = arith.subi %get3A_827, %sub3A_829 : vector<1x128xi32>
    %broadcast_in_dim3A_831 = vector.shape_cast %sub3A_830 : vector<1x128xi32> to vector<1x128xi32>
    %broadcast_in_dim3A_832 = vector.broadcast %broadcast_in_dim3A_831 : vector<1x128xi32> to vector<64x128xi32>
    %eq3A_833 = arith.cmpi eq, %iota3A_4, %broadcast_in_dim3A_832 : vector<64x128xi32>
    %convert_element_type3A_834 = arith.extui %eq3A_833 : vector<64x128xi1> to vector<64x128xi32>
    %convert_element_type3A_835 = arith.sitofp %convert_element_type3A_834 : vector<64x128xi32> to vector<64x128xf32>
    %dot_general3A_836 = arith.constant dense<0.000000e+00> : vector<64x128xf32>
    %dot_general3A_837 = tpu.matmul %get3A_7, %convert_element_type3A_835, %dot_general3A_836 {dimension_numbers = #tpu.dot_dimension_numbers<[0], [0], [1], [1], [0, 1, 1, 1], [], []>, precision = #tpu.contract_precision<fp32>, transpose_lhs_hint = false} : vector<64x64xf32>, vector<64x128xf32>, vector<64x128xf32> -> vector<64x128xf32>
    %ge3A_838 = arith.constant 0 : i32
    %ge3A_839 = vector.broadcast %ge3A_838 : i32 to vector<1x128xi32>
    %ge3A_840 = arith.cmpi sge, %sub3A_830, %ge3A_839 : vector<1x128xi32>
    %broadcast_in_dim3A_841 = vector.shape_cast %ge3A_840 : vector<1x128xi1> to vector<1x128xi1>
    %broadcast_in_dim3A_842 = vector.broadcast %broadcast_in_dim3A_841 : vector<1x128xi1> to vector<64x128xi1>
    %select_n3A_843 = arith.select %broadcast_in_dim3A_842, %dot_general3A_837, %add3A_822 : vector<64x128xi1>, vector<64x128xf32>
    %swap3A_844 = arith.constant 22 : index
    %swap3A_845 = arith.constant 0 : index
    %swap3A_846 = arith.constant 0 : index
    %swap3A_847 = vector.load %arg4[%swap3A_844, %swap3A_845, %swap3A_846] : memref<26x64x128xf32, #tpu.memory_space<vmem>>, vector<1x64x128xf32>
    %swap3A_848 = vector.shape_cast %swap3A_847 : vector<1x64x128xf32> to vector<64x128xf32>
    %swap3A_849 = vector.shape_cast %select_n3A_843 : vector<64x128xf32> to vector<1x64x128xf32>
    tpu.vector_store %arg4[%swap3A_844, %swap3A_845, %swap3A_846], %swap3A_849 {strides = array<i32>} : memref<26x64x128xf32, #tpu.memory_space<vmem>>, vector<1x64x128xf32>,
    %slice3A_850 = vector.extract_strided_slice %reshape3A {offsets = [0, 11, 64], sizes = [128, 1, 64], strides = [1, 1, 1]} : vector<128x13x128xf32> to vector<128x1x64xf32>
    %squeeze3A_851 = vector.shape_cast %slice3A_850 : vector<128x1x64xf32> to vector<128x64xf32>
    %convert_element_type3A_852 = arith.truncf %squeeze3A_851 : vector<128x64xf32> to vector<128x64xbf16>
    %convert_element_type3A_853 = arith.extf %convert_element_type3A_852 : vector<128x64xbf16> to vector<128x64xf32>
    %sub3A_854 = arith.subf %squeeze3A_851, %convert_element_type3A_853 : vector<128x64xf32>
    %dot_general3A_855 = arith.constant dense<0.000000e+00> : vector<64x128xf32>
    %dot_general3A_856 = tpu.matmul %convert_element_type3A_853, %convert_element_type3A_3, %dot_general3A_855 {dimension_numbers = #tpu.dot_dimension_numbers<[0], [0], [1], [1], [0, 1, 1, 1], [], []>, transpose_lhs_hint = false} : vector<128x64xf32>, vector<128x128xf32>, vector<64x128xf32> -> vector<64x128xf32>
    %dot_general3A_857 = arith.constant dense<0.000000e+00> : vector<64x128xf32>
    %dot_general3A_858 = tpu.matmul %sub3A_854, %convert_element_type3A_3, %dot_general3A_857 {dimension_numbers = #tpu.dot_dimension_numbers<[0], [0], [1], [1], [0, 1, 1, 1], [], []>, transpose_lhs_hint = false} : vector<128x64xf32>, vector<128x128xf32>, vector<64x128xf32> -> vector<64x128xf32>
    %add3A_859 = arith.addf %dot_general3A_856, %dot_general3A_858 : vector<64x128xf32>
    %get3A_860 = arith.constant 23 : index
    %get3A_861 = arith.index_cast %arg0 : i32 to index
    %get3A_862 = arith.constant 0 : index
    %get3A_863 = vector.load %arg2[%get3A_860, %get3A_861, %get3A_862] : memref<26x128x128xi32, #tpu.memory_space<vmem>>, vector<1x1x128xi32>
    %get3A_864 = vector.shape_cast %get3A_863 : vector<1x1x128xi32> to vector<1x128xi32>
    %sub3A_865 = arith.constant 999936 : i32
    %sub3A_866 = vector.broadcast %sub3A_865 : i32 to vector<1x128xi32>
    %sub3A_867 = arith.subi %get3A_864, %sub3A_866 : vector<1x128xi32>
    %broadcast_in_dim3A_868 = vector.shape_cast %sub3A_867 : vector<1x128xi32> to vector<1x128xi32>
    %broadcast_in_dim3A_869 = vector.broadcast %broadcast_in_dim3A_868 : vector<1x128xi32> to vector<64x128xi32>
    %eq3A_870 = arith.cmpi eq, %iota3A_4, %broadcast_in_dim3A_869 : vector<64x128xi32>
    %convert_element_type3A_871 = arith.extui %eq3A_870 : vector<64x128xi1> to vector<64x128xi32>
    %convert_element_type3A_872 = arith.sitofp %convert_element_type3A_871 : vector<64x128xi32> to vector<64x128xf32>
    %dot_general3A_873 = arith.constant dense<0.000000e+00> : vector<64x128xf32>
    %dot_general3A_874 = tpu.matmul %get3A_7, %convert_element_type3A_872, %dot_general3A_873 {dimension_numbers = #tpu.dot_dimension_numbers<[0], [0], [1], [1], [0, 1, 1, 1], [], []>, precision = #tpu.contract_precision<fp32>, transpose_lhs_hint = false} : vector<64x64xf32>, vector<64x128xf32>, vector<64x128xf32> -> vector<64x128xf32>
    %ge3A_875 = arith.constant 0 : i32
    %ge3A_876 = vector.broadcast %ge3A_875 : i32 to vector<1x128xi32>
    %ge3A_877 = arith.cmpi sge, %sub3A_867, %ge3A_876 : vector<1x128xi32>
    %broadcast_in_dim3A_878 = vector.shape_cast %ge3A_877 : vector<1x128xi1> to vector<1x128xi1>
    %broadcast_in_dim3A_879 = vector.broadcast %broadcast_in_dim3A_878 : vector<1x128xi1> to vector<64x128xi1>
    %select_n3A_880 = arith.select %broadcast_in_dim3A_879, %dot_general3A_874, %add3A_859 : vector<64x128xi1>, vector<64x128xf32>
    %swap3A_881 = arith.constant 23 : index
    %swap3A_882 = arith.constant 0 : index
    %swap3A_883 = arith.constant 0 : index
    %swap3A_884 = vector.load %arg4[%swap3A_881, %swap3A_882, %swap3A_883] : memref<26x64x128xf32, #tpu.memory_space<vmem>>, vector<1x64x128xf32>
    %swap3A_885 = vector.shape_cast %swap3A_884 : vector<1x64x128xf32> to vector<64x128xf32>
    %swap3A_886 = vector.shape_cast %select_n3A_880 : vector<64x128xf32> to vector<1x64x128xf32>
    tpu.vector_store %arg4[%swap3A_881, %swap3A_882, %swap3A_883], %swap3A_886 {strides = array<i32>} : memref<26x64x128xf32, #tpu.memory_space<vmem>>, vector<1x64x128xf32>,
    %slice3A_887 = vector.extract_strided_slice %reshape3A {offsets = [0, 12, 0], sizes = [128, 1, 64], strides = [1, 1, 1]} : vector<128x13x128xf32> to vector<128x1x64xf32>
    %squeeze3A_888 = vector.shape_cast %slice3A_887 : vector<128x1x64xf32> to vector<128x64xf32>
    %convert_element_type3A_889 = arith.truncf %squeeze3A_888 : vector<128x64xf32> to vector<128x64xbf16>
    %convert_element_type3A_890 = arith.extf %convert_element_type3A_889 : vector<128x64xbf16> to vector<128x64xf32>
    %sub3A_891 = arith.subf %squeeze3A_888, %convert_element_type3A_890 : vector<128x64xf32>
    %dot_general3A_892 = arith.constant dense<0.000000e+00> : vector<64x128xf32>
    %dot_general3A_893 = tpu.matmul %convert_element_type3A_890, %convert_element_type3A_3, %dot_general3A_892 {dimension_numbers = #tpu.dot_dimension_numbers<[0], [0], [1], [1], [0, 1, 1, 1], [], []>, transpose_lhs_hint = false} : vector<128x64xf32>, vector<128x128xf32>, vector<64x128xf32> -> vector<64x128xf32>
    %dot_general3A_894 = arith.constant dense<0.000000e+00> : vector<64x128xf32>
    %dot_general3A_895 = tpu.matmul %sub3A_891, %convert_element_type3A_3, %dot_general3A_894 {dimension_numbers = #tpu.dot_dimension_numbers<[0], [0], [1], [1], [0, 1, 1, 1], [], []>, transpose_lhs_hint = false} : vector<128x64xf32>, vector<128x128xf32>, vector<64x128xf32> -> vector<64x128xf32>
    %add3A_896 = arith.addf %dot_general3A_893, %dot_general3A_895 : vector<64x128xf32>
    %get3A_897 = arith.constant 24 : index
    %get3A_898 = arith.index_cast %arg0 : i32 to index
    %get3A_899 = arith.constant 0 : index
    %get3A_900 = vector.load %arg2[%get3A_897, %get3A_898, %get3A_899] : memref<26x128x128xi32, #tpu.memory_space<vmem>>, vector<1x1x128xi32>
    %get3A_901 = vector.shape_cast %get3A_900 : vector<1x1x128xi32> to vector<1x128xi32>
    %sub3A_902 = arith.constant 999936 : i32
    %sub3A_903 = vector.broadcast %sub3A_902 : i32 to vector<1x128xi32>
    %sub3A_904 = arith.subi %get3A_901, %sub3A_903 : vector<1x128xi32>
    %broadcast_in_dim3A_905 = vector.shape_cast %sub3A_904 : vector<1x128xi32> to vector<1x128xi32>
    %broadcast_in_dim3A_906 = vector.broadcast %broadcast_in_dim3A_905 : vector<1x128xi32> to vector<64x128xi32>
    %eq3A_907 = arith.cmpi eq, %iota3A_4, %broadcast_in_dim3A_906 : vector<64x128xi32>
    %convert_element_type3A_908 = arith.extui %eq3A_907 : vector<64x128xi1> to vector<64x128xi32>
    %convert_element_type3A_909 = arith.sitofp %convert_element_type3A_908 : vector<64x128xi32> to vector<64x128xf32>
    %dot_general3A_910 = arith.constant dense<0.000000e+00> : vector<64x128xf32>
    %dot_general3A_911 = tpu.matmul %get3A_7, %convert_element_type3A_909, %dot_general3A_910 {dimension_numbers = #tpu.dot_dimension_numbers<[0], [0], [1], [1], [0, 1, 1, 1], [], []>, precision = #tpu.contract_precision<fp32>, transpose_lhs_hint = false} : vector<64x64xf32>, vector<64x128xf32>, vector<64x128xf32> -> vector<64x128xf32>
    %ge3A_912 = arith.constant 0 : i32
    %ge3A_913 = vector.broadcast %ge3A_912 : i32 to vector<1x128xi32>
    %ge3A_914 = arith.cmpi sge, %sub3A_904, %ge3A_913 : vector<1x128xi32>
    %broadcast_in_dim3A_915 = vector.shape_cast %ge3A_914 : vector<1x128xi1> to vector<1x128xi1>
    %broadcast_in_dim3A_916 = vector.broadcast %broadcast_in_dim3A_915 : vector<1x128xi1> to vector<64x128xi1>
    %select_n3A_917 = arith.select %broadcast_in_dim3A_916, %dot_general3A_911, %add3A_896 : vector<64x128xi1>, vector<64x128xf32>
    %swap3A_918 = arith.constant 24 : index
    %swap3A_919 = arith.constant 0 : index
    %swap3A_920 = arith.constant 0 : index
    %swap3A_921 = vector.load %arg4[%swap3A_918, %swap3A_919, %swap3A_920] : memref<26x64x128xf32, #tpu.memory_space<vmem>>, vector<1x64x128xf32>
    %swap3A_922 = vector.shape_cast %swap3A_921 : vector<1x64x128xf32> to vector<64x128xf32>
    %swap3A_923 = vector.shape_cast %select_n3A_917 : vector<64x128xf32> to vector<1x64x128xf32>
    tpu.vector_store %arg4[%swap3A_918, %swap3A_919, %swap3A_920], %swap3A_923 {strides = array<i32>} : memref<26x64x128xf32, #tpu.memory_space<vmem>>, vector<1x64x128xf32>,
    %slice3A_924 = vector.extract_strided_slice %reshape3A {offsets = [0, 12, 64], sizes = [128, 1, 64], strides = [1, 1, 1]} : vector<128x13x128xf32> to vector<128x1x64xf32>
    %squeeze3A_925 = vector.shape_cast %slice3A_924 : vector<128x1x64xf32> to vector<128x64xf32>
    %convert_element_type3A_926 = arith.truncf %squeeze3A_925 : vector<128x64xf32> to vector<128x64xbf16>
    %convert_element_type3A_927 = arith.extf %convert_element_type3A_926 : vector<128x64xbf16> to vector<128x64xf32>
    %sub3A_928 = arith.subf %squeeze3A_925, %convert_element_type3A_927 : vector<128x64xf32>
    %dot_general3A_929 = arith.constant dense<0.000000e+00> : vector<64x128xf32>
    %dot_general3A_930 = tpu.matmul %convert_element_type3A_927, %convert_element_type3A_3, %dot_general3A_929 {dimension_numbers = #tpu.dot_dimension_numbers<[0], [0], [1], [1], [0, 1, 1, 1], [], []>, transpose_lhs_hint = false} : vector<128x64xf32>, vector<128x128xf32>, vector<64x128xf32> -> vector<64x128xf32>
    %dot_general3A_931 = arith.constant dense<0.000000e+00> : vector<64x128xf32>
    %dot_general3A_932 = tpu.matmul %sub3A_928, %convert_element_type3A_3, %dot_general3A_931 {dimension_numbers = #tpu.dot_dimension_numbers<[0], [0], [1], [1], [0, 1, 1, 1], [], []>, transpose_lhs_hint = false} : vector<128x64xf32>, vector<128x128xf32>, vector<64x128xf32> -> vector<64x128xf32>
    %add3A_933 = arith.addf %dot_general3A_930, %dot_general3A_932 : vector<64x128xf32>
    %get3A_934 = arith.constant 25 : index
    %get3A_935 = arith.index_cast %arg0 : i32 to index
    %get3A_936 = arith.constant 0 : index
    %get3A_937 = vector.load %arg2[%get3A_934, %get3A_935, %get3A_936] : memref<26x128x128xi32, #tpu.memory_space<vmem>>, vector<1x1x128xi32>
    %get3A_938 = vector.shape_cast %get3A_937 : vector<1x1x128xi32> to vector<1x128xi32>
    %sub3A_939 = arith.constant 999936 : i32
    %sub3A_940 = vector.broadcast %sub3A_939 : i32 to vector<1x128xi32>
    %sub3A_941 = arith.subi %get3A_938, %sub3A_940 : vector<1x128xi32>
    %broadcast_in_dim3A_942 = vector.shape_cast %sub3A_941 : vector<1x128xi32> to vector<1x128xi32>
    %broadcast_in_dim3A_943 = vector.broadcast %broadcast_in_dim3A_942 : vector<1x128xi32> to vector<64x128xi32>
    %eq3A_944 = arith.cmpi eq, %iota3A_4, %broadcast_in_dim3A_943 : vector<64x128xi32>
    %convert_element_type3A_945 = arith.extui %eq3A_944 : vector<64x128xi1> to vector<64x128xi32>
    %convert_element_type3A_946 = arith.sitofp %convert_element_type3A_945 : vector<64x128xi32> to vector<64x128xf32>
    %dot_general3A_947 = arith.constant dense<0.000000e+00> : vector<64x128xf32>
    %dot_general3A_948 = tpu.matmul %get3A_7, %convert_element_type3A_946, %dot_general3A_947 {dimension_numbers = #tpu.dot_dimension_numbers<[0], [0], [1], [1], [0, 1, 1, 1], [], []>, precision = #tpu.contract_precision<fp32>, transpose_lhs_hint = false} : vector<64x64xf32>, vector<64x128xf32>, vector<64x128xf32> -> vector<64x128xf32>
    %ge3A_949 = arith.constant 0 : i32
    %ge3A_950 = vector.broadcast %ge3A_949 : i32 to vector<1x128xi32>
    %ge3A_951 = arith.cmpi sge, %sub3A_941, %ge3A_950 : vector<1x128xi32>
    %broadcast_in_dim3A_952 = vector.shape_cast %ge3A_951 : vector<1x128xi1> to vector<1x128xi1>
    %broadcast_in_dim3A_953 = vector.broadcast %broadcast_in_dim3A_952 : vector<1x128xi1> to vector<64x128xi1>
    %select_n3A_954 = arith.select %broadcast_in_dim3A_953, %dot_general3A_948, %add3A_933 : vector<64x128xi1>, vector<64x128xf32>
    %swap3A_955 = arith.constant 25 : index
    %swap3A_956 = arith.constant 0 : index
    %swap3A_957 = arith.constant 0 : index
    %swap3A_958 = vector.load %arg4[%swap3A_955, %swap3A_956, %swap3A_957] : memref<26x64x128xf32, #tpu.memory_space<vmem>>, vector<1x64x128xf32>
    %swap3A_959 = vector.shape_cast %swap3A_958 : vector<1x64x128xf32> to vector<64x128xf32>
    %swap3A_960 = vector.shape_cast %select_n3A_954 : vector<64x128xf32> to vector<1x64x128xf32>
    tpu.vector_store %arg4[%swap3A_955, %swap3A_956, %swap3A_957], %swap3A_960 {strides = array<i32>} : memref<26x64x128xf32, #tpu.memory_space<vmem>>, vector<1x64x128xf32>,
    return
  }
  func.func @transform_0(%arg0: i32) -> (i32, i32) {
    %c0_i32 = arith.constant 0 : i32
    %c0_i32_0 = arith.constant 0 : i32
    return %arg0, %c0_i32 : i32, i32
  }
  func.func @transform_1(%arg0: i32) -> (i32, i32, i32) {
    %c0_i32 = arith.constant 0 : i32
    %c0_i32_0 = arith.constant 0 : i32
    %c0_i32_1 = arith.constant 0 : i32
    %c0_i32_2 = arith.constant 0 : i32
    return %c0_i32, %c0_i32_0, %c0_i32_1 : i32, i32, i32
  }
  func.func @transform_2(%arg0: i32) -> (i32, i32) {
    %c0_i32 = arith.constant 0 : i32
    %c0_i32_0 = arith.constant 0 : i32
    %c0_i32_1 = arith.constant 0 : i32
    return %c0_i32, %c0_i32_0 : i32, i32
  }
  func.func @transform_3(%arg0: i32) -> (i32, i32, i32) {
    %c0_i32 = arith.constant 0 : i32
    %c0_i32_0 = arith.constant 0 : i32
    %c0_i32_1 = arith.constant 0 : i32
    return %c0_i32, %c0_i32_0, %arg0 : i32, i32, i32
  }
}

</mosaic_0001>

<sc_bundles>
// kernel: kernel.5.cloned.1.call-start
scs
__scs_entry_jumppad:
0x0: {  	(pc) =	sbr.rel $0x88, $3  }
0x1: {  	(tag) =	ssettag $0x0;
	lr =	simm.s32 $0x1  }
0x2: {  	[smem:$0x3F9F] =	sst lr;
	_ =	strace $0xD0000000  }
0x3: {  	_ = 	snop  }
0x4: {  	_ = 	snop  }
0x5: {  	_ = 	snop  }
0x6: {  	_ = 	snop  }
0x7: {  	_ = 	snop  }
__scs_overlays_trampoline_lowered:
0x8: {  	[smem:$0x3FAE] =	sst s0  }
0x9: {  	[smem:$0x3FAF] =	sst s1  }
0xa: {  	[smem:$0x3FB0] =	sst s2  }
0xb: {  	[smem:$0x3FB1] =	sst s3  }
0xc: {  	[smem:$0x3FB2] =	sst s4  }
0xd: {  	[smem:$0x3FB3] =	sst s5  }
0xe: {  	[smem:$0x3FB4] =	sst s6  }
0xf: {  	[smem:$0x3FB5] =	sst s7  }
0x10: {  	[smem:$0x3FB6] =	sst s8  }
0x11: {  	[smem:$0x3FB7] =	sst s9;
	s0 =	simm.s32 @!p0 $0x0  }
0x12: {  	s1 =	sld [smem:$0x3F9D];
	s0 =	simm.s32 @p0 $0x1  }
0x13: {  	[smem:$0x3FB8] =	sst s0;
	s0 =	simm.s32 @!p1 $0x0  }
0x14: {  	s2 =	sld [smem:$0x3F9C];
	s0 =	simm.s32 @p1 $0x1  }
0x15: {  	[smem:$0x3FB9] =	sst s0;
	s0 =	simm.s32 @!p2 $0x0  }
0x16: {  	s3 =	sld [smem:$0x3FDB];
	s0 =	simm.s32 @p2 $0x1  }
0x17: {  	s4 =	simm.s32 $0x1BF5;
	[smem:$0x3FBB] =	sst s0  }
0x18: {  	s0 =	sld [smem:$0x3F9E];
	_ =	swait.ge [sflag:s4], $0x0  }
0x19: {  	s7 =	sld [smem:$0x3F9F]  }
0x1a: {  	s8 =	sadd.s32 $0xFFFFE003, lr  }
0x1b: {  	s9 =	sadd.s32 $0xFFFFFEF7, lr;
	s5 =	simm.s32 $0xFFFFFFFF;
	p2 =	slt.u32 s8, $0xFFFFF086  }
0x1c: {  	p1 =	slt.u32 s9, $0xF7A;
	s5 =	simm.s32 @!p2 $0x0  }
0x1d: {  	s5 =	simm.s32 @p1 $0x1;
	p0 =	seq.s32 s7, s2  }
0x1e: {  	s7 =	smul.u32 @!p0 $0xF7A, s2;
	p2 =	seq.s32 @!p0 s5, $0x0  }
0x1f: {  	s9 =	smul.u32 $0xF7A, s1;
	s8 =	simm.s32 @!p0 $0x1BF5;
	p2 =	por !p2, p0  }
0x20: {  	[sflag:s8] =	ssyncset.s32 @!p0 $0xFFFFF086;
	s6 =	sadd.s32 @!p0 s3, s7;
	s7 =	simm.s32 @!p0 $0x108  }
0x21: {  	s3 =	sadd.s32 s3, s9;
	s6 =	sadd.s32 @!p0 $0x88, s6;
	s7 =	simm.s32 @p2 $0x1082  }
0x22: {  	[simem:s7], [sflag:s8] =	dma.local @!p0 [hbm:s6], $0xF7A  }
0x23: {  	s9 =	sor.u32 $0xD0000000, s2;
	s6 =	simm.s32 $0x108;
	_ =	swait.ge @!p0 [sflag:s8], $0x0  }
0x24: {  	s3 =	sadd.s32 $0x88, s3;
	s6 =	simm.s32 @!p1 $0x1082;
	[sflag:s4] =	ssyncset.s32 $0xFFFFF086  }
0x25: {  	[simem:s6], [sflag:s4] =	dma.local [hbm:s3], $0xF7A  }
0x26: {  	[smem:$0x3F9F] =	sst s1;
	(tag) =	ssettag s2;
	_ =	strace s9  }
0x27: {  	s1 =	sld [smem:$0x3FAF]  }
0x28: {  	s2 =	sld [smem:$0x3FB0]  }
0x29: {  	s4 =	sld [smem:$0x3FB2]  }
0x2a: {  	p0 =	seq.s32 s5, $0x0;
	s5 =	sld [smem:$0x3FB3]  }
0x2b: {  	s6 =	sld [smem:$0x3FB4]  }
0x2c: {  	s7 =	sld [smem:$0x3FB5]  }
0x2d: {  	s3 =	simm.s32 $0x108;
	s8 =	sld [smem:$0x3FB6]  }
0x2e: {  	s3 =	simm.s32 @!p0 $0x1082;
	s9 =	sld [smem:$0x3FB7]  }
0x2f: {  	lr =	sadd.s32 s0, s3;
	s0 =	sld [smem:$0x3FAE]  }
0x30: {  	s3 =	sld [smem:$0x3FB1]  }
0x31: {  	[smem:$0x3FBA] =	sst s10  }
0x32: {  	s10 =	sld [smem:$0x3FB8];
	_ =	sdelay $0x3  }
0x33: {  	p0 =	seq.s32 s10, $0x1;
	s10 =	sld [smem:$0x3FBA];
	_ =	sdelay $0x3  }
0x34: {  	[smem:$0x3FBA] =	sst s10  }
0x35: {  	s10 =	sld [smem:$0x3FB9];
	_ =	sdelay $0x3  }
0x36: {  	p1 =	seq.s32 s10, $0x1;
	s10 =	sld [smem:$0x3FBA];
	_ =	sdelay $0x3  }
0x37: {  	[smem:$0x3FBA] =	sst s10  }
0x38: {  	s10 =	sld [smem:$0x3FBB]  }
0x39: {  	_ = 	snop;
	(pc) =	sbr.ind lr, $3  }
0x3a: {  	_ = 	snop  }
0x3b: {  	_ = 	snop  }
0x3c: {  	p2 =	seq.s32 s10, $0x1;
	s10 =	sld [smem:$0x3FBA]  }
0x3d: {  	_ =	shalt  }
0x3e: {  	_ =	shalt  }
0x3f: {  	_ =	shalt  }
0x40: {  	_ =	shalt  }
0x41: {  	_ =	shalt  }
0x42: {  	_ =	shalt  }
0x43: {  	_ =	shalt  }
0x44: {  	_ =	shalt  }
0x45: {  	_ =	shalt  }
0x46: {  	_ =	shalt  }
0x47: {  	_ =	shalt  }
0x48: {  	_ =	shalt  }
0x49: {  	_ =	shalt  }
0x4a: {  	_ =	shalt  }
0x4b: {  	_ =	shalt  }
0x4c: {  	_ =	shalt  }
0x4d: {  	_ =	shalt  }
0x4e: {  	_ =	shalt  }
0x4f: {  	_ =	shalt  }
0x50: {  	_ =	shalt  }
0x51: {  	_ =	shalt  }
0x52: {  	_ =	shalt  }
0x53: {  	_ =	shalt  }
0x54: {  	_ =	shalt  }
0x55: {  	_ =	shalt  }
0x56: {  	_ =	shalt  }
0x57: {  	_ =	shalt  }
0x58: {  	_ =	shalt  }
0x59: {  	_ =	shalt  }
0x5a: {  	_ =	shalt  }
0x5b: {  	_ =	shalt  }
0x5c: {  	_ =	shalt  }
0x5d: {  	_ =	shalt  }
0x5e: {  	_ =	shalt  }
0x5f: {  	_ =	shalt  }
0x60: {  	_ =	shalt  }
0x61: {  	_ =	shalt  }
0x62: {  	_ =	shalt  }
0x63: {  	_ =	shalt  }
0x64: {  	_ =	shalt  }
0x65: {  	_ =	shalt  }
0x66: {  	_ =	shalt  }
0x67: {  	_ =	shalt  }
0x68: {  	_ =	shalt  }
0x69: {  	_ =	shalt  }
0x6a: {  	_ =	shalt  }
0x6b: {  	_ =	shalt  }
0x6c: {  	_ =	shalt  }
0x6d: {  	_ =	shalt  }
0x6e: {  	_ =	shalt  }
0x6f: {  	_ =	shalt  }
0x70: {  	_ =	shalt  }
0x71: {  	_ =	shalt  }
0x72: {  	_ =	shalt  }
0x73: {  	_ =	shalt  }
0x74: {  	_ =	shalt  }
0x75: {  	_ =	shalt  }
0x76: {  	_ =	shalt  }
0x77: {  	_ =	shalt  }
0x78: {  	_ =	shalt  }
0x79: {  	_ =	shalt  }
0x7a: {  	_ =	shalt  }
0x7b: {  	_ =	shalt  }
0x7c: {  	_ =	shalt  }
0x7d: {  	_ =	shalt  }
0x7e: {  	_ =	shalt  }
0x7f: {  	_ =	shalt  }
0x80: {  	_ =	shalt  }
0x81: {  	_ =	shalt  }
0x82: {  	_ =	shalt  }
0x83: {  	_ =	shalt  }
0x84: {  	_ =	shalt  }
0x85: {  	_ =	shalt  }
0x86: {  	_ =	shalt  }
0x87: {  	_ =	shalt  }
.Lfunc_end0:
.L_simem_size_0:
called_computation_lowered:
.L_overlay_start_0:
0x88: {  	s2 =	sld [smem:$0x3FD9]  }
0x89: {  	s3 =	sld [smem:$0x3FFE];
	_ =	sdelay $0x1  }
0x8a: {  	s1 =	srdreg.scid  }
0x8b: {  	s0 =	sand.u32 $0x1, s1  }
0x8c: {  	s17 =	sshll.u32 s0, $0xA;
	s2 =	sadd.s32 s3, s2  }
0x8d: {  	s2 =	sadd.s32 s2, s17  }
0x8e: {  	[smem:$0x3FC6] =	sst s2  }
0x8f: {  	_ = 	snop  }
0x90: {  	s2 =	sld [smem:$0x3FD0];
	(tm) =	ssettm $0x1  }
0x91: {  	s18 =	sld [smem:$0x3FFB];
	_ =	sdelay $0x3  }
0x92: {  	_ =	strace s18  }
0x93: {  	s3 =	sld [smem:$0x3FFC];
	_ =	sdelay $0x3  }
0x94: {  	_ =	strace s3  }
0x95: {  	s3 =	sld [smem:$0x3FFD];
	_ =	sdelay $0x3  }
0x96: {  	_ =	strace s3  }
0x97: {  	_ =	strace $0x8FFFFFFF  }
0x98: {  	s19 =	sld [smem:$0x3FDB];
	_ =	sdelay $0x1  }
0x99: {  	s4 =	simm.s32 $_scs_section_size  }
0x9a: {  	s5 =	simm.s32 $_size__tile_overlayer_lowered;
	s6 =	simm.s32 $_tile_overlayer_lowered  }
0x9b: {  	s22 =	simm.s32 $0x1BFF;
	s21 =	sshll.u32 s6, $0x1;
	s3 =	sadd.s32 s4, s19  }
0x9c: {  	s7 =	simm.s32 $0x0;
	s20 =	sshll.u32 s5, $0x1;
	s5 =	sadd.s32 s21, s3  }
0x9d: {  	[timem:s7], [sflag:s22] =	dma.local [hbm:s5], s20  }
0x9e: {  	_ =	swait.ge [sflag:s22], s20  }
0x9f: {  	s4 =	ssub.s32 $0x0, s20;
	[sflag:s22] =	ssyncset.done $0x0  }
0xa0: {  	[sflag:s22] =	ssyncadd.s32 s4;
	_ =	sdelay $0x1  }
0xa1: {  	s23 =	simm.s32 $0x1B8B  }
0xa2: {  	_ =	swait.ge [sflag:s23], $0x1  }
0xa3: {  	[sflag:s23] =	ssyncset.done $0x0  }
0xa4: {  	s25 =	simm.s32 $0x1B8E;
	s24 =	sld [smem:$0x3FFE];
	[sflag:s23] =	ssyncadd.s32 $0xFFFFFFFF  }
0xa5: {  	s26 =	simm.s32 $execute0_lowered;
	[smem:$0x3FD2] =	sst s25  }
0xa6: {  	s5 =	sshll.u32 s26, $0x1;
	_ =	strace $0x80000046;
	[dreg:$0x1] =	wrdreg $0xFFFFFFFF  }
0xa7: {  	s28 =	simm.s32 $_size_execute0_lowered;
	s3 =	sadd.s32 s3, s5;
	[dreg:$0x0] =	wrdreg $0x0  }
0xa8: {  	s5 =	sshll.u32 s28, $0x1;
	[dreg:$0x2] =	wrdreg s3  }
0xa9: {  	[dreg:$0x3] =	wrdreg s5  }
0xaa: {  	[dreg:$0x4] =	wrdreg $0xC0  }
0xab: {  	_ =	task [dreg:s7], $0x5FFFF  }
0xac: {  	[dreg:$0x1] =	wrdreg $0xFFFFFFFF  }
0xad: {  	[dreg:$0x0] =	wrdreg $0x60  }
0xae: {  	[dreg:$0x2] =	wrdreg s2  }
0xaf: {  	[dreg:$0x3] =	wrdreg s24  }
0xb0: {  	[dreg:$0x4] =	wrdreg $0x9  }
0xb1: {  	_ =	task.clear_ibuf [dreg:s7], $0x5FFFF;
	_ =	strace $0x90000046  }
0xb2: {  	s29 =	simm.s32 $0x9;
	_ =	strace $0x80000048  }
0xb3: {  	_ =	swait.ge [sflag:s29], $0x1  }
0xb4: {  	[sflag:s29] =	ssyncadd.s32 $0xFFFFFFFF  }
0xb5: {  	_ =	strace $0x90000048  }
0xb6: {  	_ =	sfence  }
0xb7: {  	s30 =	sld [smem:$0x0];
	_ =	sdelay $0x2  }
0xb8: {  	s31 =	sshll.u32 s1, $0xD;
	s1 =	sshrl.u32 s1, $0x2  }
0xb9: {  	s3 =	sand.u32 $0x4000, s31;
	s1 =	sadd.s32 s1, s30  }
0xba: {  	s0 =	sor.u32 s3, s0;
	s1 =	sshll.u32 s1, $0x11  }
0xbb: {  	s0 =	sor.u32 s1, s0  }
0xbc: {  	s0 =	sadd.s32 $0x8F2B, s0  }
0xbd: {  	[sflag:s0] =	ssyncadd.remote.s32 $0x1  }
0xbe: {  	_ =	sfence.sel $0xFFFF  }
0xbf: {  	[dreg:$0x0] =	wrdreg $0xFFFFFFFF;
	(pc) =	sbr.abs _section_cstart, $3  }
0xc0: {  	[dreg:$0x1] =	wrdreg $0xFFFFFFFF  }
0xc1: {  	_ =	task.clear_ibuf [dreg:s7], $0x2FFFF;
	_ =	strace $0x9FFFFFFF  }
0xc2: {  	(tm) =	ssettm $0x7FFFFFFF  }
0xc3: {  	_ =	shalt  }
tec
execute0_lowered:
.L_overlay_start_1:
0x0: {  	(tag) =	ssettag $0x1  }
0x1: {  	s0 =	rddreg [dreg:$0x0];
	s1 =	srdreg.scid  }
0x2: {  	s10 =	stileid.u32;
	s4 =	rddreg [dreg:$0x1];
	s2 =	simm.s32 $0x0  }
0x3: {  	s29 =	simm.s32 $0x6;
	s31 =	simm.s32 $0x7;
	s12 =	simm.s32 $0xE  }
0x4: {  	s1 =	sand.u32 $0x1, s1;
	s3 =	sshll.u32 s10, $0x1;
	s7 =	smul.u32 $0xD0, s10  }
0x5: {  	[smem:$0x7FF] =	sst s2;
	s11 =	sadd.s32 $0x7A1A00, s4;
	s23 =	smul.u32 $0x34000, s10  }
0x6: {  	s5 =	sor.u32 s1, s3;
	_ =	strace $0x80000047;
	s9 =	smul.u32 $0x68, s1  }
0x7: {  	s3 =	sadd.s32 $0x800, s4;
	s15 =	ssub.s32 $0x2, s1;
	s1 =	smul.u32 $0x1A000, s1  }
0x8: {  	[dreg:$0x7] =	wrdreg s11;
	s6 =	smul.u32 $0x680, s5;
	s8 =	sshrl.u32 s15, $0x1  }
0x9: {  	s5 =	smul.u32 $0xD0000, s5;
	s4 =	ssub.s32 s15, s8;
	s1 =	sadd.s32 s1, s23  }
0xa: {  	s18 =	sadd.s32 s9, s7;
	s0 =	sadd.s32 s0, s6;
	[dreg:$0x6] =	wrdreg s1  }
0xb: {  	s18 =	sshll.u32 s18, $0xA;
	s30 =	smax.u32 s4, $0x1;
	[dreg:$0x8] =	wrdreg s0  }
0xc: {  	s13 =	simm.s32 $0xF;
	s22 =	sor.u32 $0x1800, s18;
	[dreg:$0x11] =	wrdreg s30  }
0xd: {  	s5 =	sshrl.u32 s5, $0x3;
	s24 =	sor.u32 $0x1000, s18;
	[dreg:$0x3] =	wrdreg s22  }
0xe: {  	s16 =	sadd.s32 s11, s5;
	s26 =	sor.u32 $0x800, s18;
	[dreg:$0x4] =	wrdreg s24  }
0xf: {  	s14 =	simm.s32 $0x10;
	s5 =	sadd.s32 $0x18000, s16;
	[dreg:$0x5] =	wrdreg s26  }
0x10: {  	s7 =	simm.s32 $0xA;
	s17 =	sadd.s32 $0x18400, s16;
	[dreg:$0x9] =	wrdreg s5  }
0x11: {  	s8 =	simm.s32 $0xB;
	s19 =	sadd.s32 $0x18800, s16;
	[dreg:$0xa] =	wrdreg s17  }
0x12: {  	s9 =	simm.s32 $0xC;
	s20 =	sadd.s32 $0x18C00, s16;
	[dreg:$0xb] =	wrdreg s19  }
0x13: {  	s6 =	simm.s32 $0x9;
	s21 =	sadd.s32 $0x19000, s16;
	[dreg:$0xc] =	wrdreg s20  }
0x14: {  	s11 =	simm.s32 $0xD;
	s25 =	sadd.s32 $0x19400, s16;
	[dreg:$0xd] =	wrdreg s21  }
0x15: {  	s28 =	sadd.s32 $0x19800, s16;
	s0 =	sadd.s32 $0x19C00, s16;
	[dreg:$0xe] =	wrdreg s25  }
0x16: {  	s22 =	simm.s32 $0x3;
	s24 =	simm.s32 $0x4;
	[dreg:$0xf] =	wrdreg s28  }
0x17: {  	s26 =	simm.s32 $0x5;
	[dreg:$0x10] =	wrdreg s0;
	s17 =	simm.s32 $0x80  }
0x18: {  	s5 =	simm.s32 $0x8;
	s0 =	simm.s32 $0x0;
	s20 =	simm.s32 $0x11400  }
.LBB2_1:
0x19: {  	[dreg:$0x12] =	wrdreg s0  }
0x1a: {  	s4 =	rddreg [dreg:$0x8];
	s28 =	simm.s32 $0x11  }
0x1b: {  	[tilespmem:s2], [sflag:$0x11] =	stream.linear.gather [hbm4b:s4+s2], $0x3400, $0x38;
	[tilespmem:$0x13400] =	vst v63  }
0x1c: {  	_ =	swait.ge [sflag:s28], $0x3400  }
0x1d: {  	[sflag:s28] =	ssyncset.done $0x0  }
0x1e: {  	s16 =	simm.s32 $0x3400;
	[sflag:s28] =	ssyncadd.s32 $0xFFFFCC00  }
0x1f: {  	[tilespmem:s16], [sflag:$0x1] =	stream.indirect.gather [hbm4b:s3+s17], $0x40, s2, s17, $0xb8;
	[tilespmem:$0x13400] =	vst v63  }
0x20: {  	s19 =	simm.s32 $0x5400  }
0x21: {  	[tilespmem:s19], [sflag:$0x2] =	stream.indirect.gather [hbm4b:s3+s17], $0x40, s17, s17, $0xb8;
	[tilespmem:$0x13400] =	vst v63  }
0x22: {  	s30 =	simm.s32 $0x100;
	s21 =	simm.s32 $0x7400  }
0x23: {  	[tilespmem:s21], [sflag:$0x3] =	stream.indirect.gather [hbm4b:s3+s17], $0x40, s30, s17, $0xb8;
	[tilespmem:$0x13400] =	vst v63  }
0x24: {  	s0 =	simm.s32 $0x180;
	s23 =	simm.s32 $0x9400  }
0x25: {  	[tilespmem:s23], [sflag:$0x4] =	stream.indirect.gather [hbm4b:s3+s17], $0x40, s0, s17, $0xb8;
	[tilespmem:$0x13400] =	vst v63  }
0x26: {  	s1 =	simm.s32 $0x200;
	s25 =	simm.s32 $0xB400  }
0x27: {  	[tilespmem:s25], [sflag:$0x5] =	stream.indirect.gather [hbm4b:s3+s17], $0x40, s1, s17, $0xb8;
	[tilespmem:$0x13400] =	vst v63  }
0x28: {  	s10 =	simm.s32 $0x280;
	s28 =	simm.s32 $0xD400  }
0x29: {  	[tilespmem:s28], [sflag:$0x6] =	stream.indirect.gather [hbm4b:s3+s17], $0x40, s10, s17, $0xb8;
	[tilespmem:$0x13400] =	vst v63  }
0x2a: {  	s30 =	simm.s32 $0xF400;
	s1 =	simm.s32 $0x300  }
0x2b: {  	[tilespmem:s30], [sflag:$0x7] =	stream.indirect.gather [hbm4b:s3+s17], $0x40, s1, s17, $0xb8;
	[tilespmem:$0x13400] =	vst v63  }
0x2c: {  	s15 =	simm.s32 $0x380;
	s4 =	simm.s32 $0x1;
	s1 =	simm.s32 $0x11400  }
0x2d: {  	[tilespmem:s1], [sflag:$0x8] =	stream.indirect.gather [hbm4b:s3+s17], $0x40, s15, s17, $0xb8;
	[tilespmem:$0x13400] =	vst v63  }
0x2e: {  	_ =	swait.ge [sflag:s4], $0x2000  }
0x2f: {  	s10 =	rddreg [dreg:$0x6]  }
0x30: {  	[sflag:s4] =	ssyncset.done $0x0;
	s15 =	rddreg [dreg:$0x7]  }
0x31: {  	[sflag:s4] =	ssyncadd.s32 $0xFFFFE000;
	s4 =	sadd.s32 s15, s10;
	s10 =	simm.s32 $0x2  }
0x32: {  	[hbm4b:s4+s2] =	stream.linear.scatter [tilespmem:s16], [sflag:$0x9], $0x2000, $0x38;
	[tilespmem:$0x13400] =	vst v63  }
0x33: {  	_ =	swait.ge [sflag:s10], $0x2000  }
0x34: {  	s4 =	sadd.s32 s15, s18;
	[sflag:s10] =	ssyncset.done $0x0  }
0x35: {  	[sflag:s10] =	ssyncadd.s32 $0xFFFFE000;
	s10 =	sadd.s32 $0x400, s4  }
0x36: {  	[hbm4b:s10+s2] =	stream.linear.scatter [tilespmem:s19], [sflag:$0xA], $0x2000, $0x38;
	[tilespmem:$0x13400] =	vst v63  }
0x37: {  	_ =	swait.ge [sflag:s22], $0x2000  }
0x38: {  	s0 =	rddreg [dreg:$0x5];
	[sflag:s22] =	ssyncset.done $0x0  }
0x39: {  	[sflag:s22] =	ssyncadd.s32 $0xFFFFE000;
	s10 =	sadd.s32 s15, s0  }
0x3a: {  	[hbm4b:s10+s2] =	stream.linear.scatter [tilespmem:s21], [sflag:$0xB], $0x2000, $0x38;
	[tilespmem:$0x13400] =	vst v63  }
0x3b: {  	_ =	swait.ge [sflag:s24], $0x2000  }
0x3c: {  	[sflag:s24] =	ssyncset.done $0x0  }
0x3d: {  	s0 =	sadd.s32 $0xC00, s4;
	[sflag:s24] =	ssyncadd.s32 $0xFFFFE000  }
0x3e: {  	[hbm4b:s0+s2] =	stream.linear.scatter [tilespmem:s23], [sflag:$0xC], $0x2000, $0x38;
	[tilespmem:$0x13400] =	vst v63  }
0x3f: {  	_ =	swait.ge [sflag:s26], $0x2000  }
0x40: {  	s0 =	rddreg [dreg:$0x4];
	[sflag:s26] =	ssyncset.done $0x0  }
0x41: {  	[sflag:s26] =	ssyncadd.s32 $0xFFFFE000;
	s10 =	sadd.s32 s15, s0  }
0x42: {  	[hbm4b:s10+s2] =	stream.linear.scatter [tilespmem:s25], [sflag:$0xD], $0x2000, $0x38;
	[tilespmem:$0x13400] =	vst v63  }
0x43: {  	_ =	swait.ge [sflag:s29], $0x2000  }
0x44: {  	[sflag:s29] =	ssyncset.done $0x0  }
0x45: {  	s0 =	sadd.s32 $0x1400, s4;
	[sflag:s29] =	ssyncadd.s32 $0xFFFFE000  }
0x46: {  	[hbm4b:s0+s2] =	stream.linear.scatter [tilespmem:s28], [sflag:$0xE], $0x2000, $0x38;
	[tilespmem:$0x13400] =	vst v63  }
0x47: {  	_ =	swait.ge [sflag:s31], $0x2000  }
0x48: {  	s0 =	rddreg [dreg:$0x3];
	[sflag:s31] =	ssyncset.done $0x0  }
0x49: {  	[sflag:s31] =	ssyncadd.s32 $0xFFFFE000;
	s10 =	sadd.s32 s15, s0  }
0x4a: {  	[hbm4b:s10+s2] =	stream.linear.scatter [tilespmem:s30], [sflag:$0xF], $0x2000, $0x38;
	[tilespmem:$0x13400] =	vst v63  }
0x4b: {  	_ =	swait.ge [sflag:s5], $0x2000  }
0x4c: {  	[sflag:s5] =	ssyncset.done $0x0  }
0x4d: {  	s4 =	sadd.s32 $0x1C00, s4;
	[sflag:s5] =	ssyncadd.s32 $0xFFFFE000  }
0x4e: {  	[hbm4b:s4+s2] =	stream.linear.scatter [tilespmem:s1], [sflag:$0x10], $0x2000, $0x38;
	[tilespmem:$0x13400] =	vst v63  }
0x4f: {  	_ =	swait.ge [sflag:s6], $0x2000  }
0x50: {  	[sflag:s6] =	ssyncset.done $0x0  }
0x51: {  	s10 =	simm.s32 $0x400;
	[sflag:s6] =	ssyncadd.s32 $0xFFFFE000  }
0x52: {  	[tilespmem:s16], [sflag:$0x1] =	stream.indirect.gather [hbm4b:s3+s17], $0x40, s10, s17, $0xb8;
	[tilespmem:$0x13400] =	vst v63  }
0x53: {  	_ =	swait.ge [sflag:s7], $0x2000  }
0x54: {  	[sflag:s7] =	ssyncset.done $0x0  }
0x55: {  	s16 =	simm.s32 $0x480;
	[sflag:s7] =	ssyncadd.s32 $0xFFFFE000  }
0x56: {  	[tilespmem:s19], [sflag:$0x2] =	stream.indirect.gather [hbm4b:s3+s17], $0x40, s16, s17, $0xb8;
	[tilespmem:$0x13400] =	vst v63  }
0x57: {  	_ =	swait.ge [sflag:s8], $0x2000  }
0x58: {  	[sflag:s8] =	ssyncset.done $0x0  }
0x59: {  	s19 =	simm.s32 $0x500;
	[sflag:s8] =	ssyncadd.s32 $0xFFFFE000  }
0x5a: {  	[tilespmem:s21], [sflag:$0x3] =	stream.indirect.gather [hbm4b:s3+s17], $0x40, s19, s17, $0xb8;
	[tilespmem:$0x13400] =	vst v63  }
0x5b: {  	_ =	swait.ge [sflag:s9], $0x2000  }
0x5c: {  	[sflag:s9] =	ssyncset.done $0x0  }
0x5d: {  	s21 =	simm.s32 $0x580;
	[sflag:s9] =	ssyncadd.s32 $0xFFFFE000  }
0x5e: {  	[tilespmem:s23], [sflag:$0x4] =	stream.indirect.gather [hbm4b:s3+s17], $0x40, s21, s17, $0xb8;
	[tilespmem:$0x13400] =	vst v63  }
0x5f: {  	_ =	swait.ge [sflag:s11], $0x2000  }
0x60: {  	[sflag:s11] =	ssyncset.done $0x0  }
0x61: {  	s23 =	simm.s32 $0x600;
	[sflag:s11] =	ssyncadd.s32 $0xFFFFE000  }
0x62: {  	[tilespmem:s25], [sflag:$0x5] =	stream.indirect.gather [hbm4b:s3+s17], $0x40, s23, s17, $0xb8;
	[tilespmem:$0x13400] =	vst v63  }
0x63: {  	_ =	swait.ge [sflag:s12], $0x2000  }
0x64: {  	[sflag:s12] =	ssyncset.done $0x0  }
0x65: {  	s25 =	simm.s32 $0x680;
	[sflag:s12] =	ssyncadd.s32 $0xFFFFE000  }
0x66: {  	[tilespmem:s28], [sflag:$0x6] =	stream.indirect.gather [hbm4b:s3+s17], $0x40, s25, s17, $0xb8;
	[tilespmem:$0x13400] =	vst v63  }
0x67: {  	_ =	swait.ge [sflag:s13], $0x2000  }
0x68: {  	[sflag:s13] =	ssyncset.done $0x0  }
0x69: {  	s28 =	simm.s32 $0x700;
	[sflag:s13] =	ssyncadd.s32 $0xFFFFE000  }
0x6a: {  	[tilespmem:s30], [sflag:$0x7] =	stream.indirect.gather [hbm4b:s3+s17], $0x40, s28, s17, $0xb8;
	[tilespmem:$0x13400] =	vst v63  }
0x6b: {  	_ =	swait.ge [sflag:s14], $0x2000  }
0x6c: {  	s4 =	sadd.s32 $0x2000, s15;
	[sflag:s14] =	ssyncset.done $0x0  }
0x6d: {  	s10 =	simm.s32 $0x780;
	s16 =	simm.s32 $0x1000;
	[sflag:s14] =	ssyncadd.s32 $0xFFFFE000  }
.LBB2_2:
0x6e: {  	[tilespmem:s20], [sflag:$0x8] =	stream.indirect.gather [hbm4b:s3+s17], $0x40, s10, s17, $0xb8;
	[tilespmem:$0x13400] =	vst v63  }
0x6f: {  	s0 =	simm.s32 $0x1  }
0x70: {  	_ =	swait.ge [sflag:s0], $0x2000  }
0x71: {  	s21 =	simm.s32 $0x3400;
	s23 =	rddreg [dreg:$0x6];
	[sflag:s0] =	ssyncset.done $0x0  }
0x72: {  	s25 =	simm.s32 $0x2;
	[sflag:s0] =	ssyncadd.s32 $0xFFFFE000;
	s10 =	sadd.s32 s4, s23  }
0x73: {  	[hbm4b:s10+s2] =	stream.linear.scatter [tilespmem:s21], [sflag:$0x9], $0x2000, $0x38;
	[tilespmem:$0x13400] =	vst v63  }
0x74: {  	_ =	swait.ge [sflag:s25], $0x2000  }
0x75: {  	s10 =	sadd.s32 s4, s18;
	[sflag:s25] =	ssyncset.done $0x0  }
0x76: {  	s23 =	simm.s32 $0x5400;
	s1 =	sadd.s32 $0x400, s10;
	[sflag:s25] =	ssyncadd.s32 $0xFFFFE000  }
0x77: {  	[hbm4b:s1+s2] =	stream.linear.scatter [tilespmem:s23], [sflag:$0xA], $0x2000, $0x38;
	[tilespmem:$0x13400] =	vst v63  }
0x78: {  	_ =	swait.ge [sflag:s22], $0x2000  }
0x79: {  	s19 =	smov.u32 s18;
	s25 =	rddreg [dreg:$0x5];
	[sflag:s22] =	ssyncset.done $0x0  }
0x7a: {  	[sflag:s22] =	ssyncadd.s32 $0xFFFFE000;
	s18 =	sadd.s32 s4, s25;
	s25 =	simm.s32 $0x7400  }
0x7b: {  	[hbm4b:s18+s2] =	stream.linear.scatter [tilespmem:s25], [sflag:$0xB], $0x2000, $0x38;
	[tilespmem:$0x13400] =	vst v63  }
0x7c: {  	_ =	swait.ge [sflag:s24], $0x2000  }
0x7d: {  	[sflag:s24] =	ssyncset.done $0x0  }
0x7e: {  	s28 =	simm.s32 $0x9400;
	s0 =	sadd.s32 $0xC00, s10;
	[sflag:s24] =	ssyncadd.s32 $0xFFFFE000  }
0x7f: {  	[hbm4b:s0+s2] =	stream.linear.scatter [tilespmem:s28], [sflag:$0xC], $0x2000, $0x38;
	[tilespmem:$0x13400] =	vst v63  }
0x80: {  	_ =	swait.ge [sflag:s26], $0x2000  }
0x81: {  	s1 =	rddreg [dreg:$0x4];
	[sflag:s26] =	ssyncset.done $0x0  }
0x82: {  	s30 =	simm.s32 $0xB400;
	[sflag:s26] =	ssyncadd.s32 $0xFFFFE000;
	s18 =	sadd.s32 s4, s1  }
0x83: {  	[hbm4b:s18+s2] =	stream.linear.scatter [tilespmem:s30], [sflag:$0xD], $0x2000, $0x38;
	[tilespmem:$0x13400] =	vst v63  }
0x84: {  	_ =	swait.ge [sflag:s29], $0x2000  }
0x85: {  	[sflag:s29] =	ssyncset.done $0x0  }
0x86: {  	s0 =	sadd.s32 $0x1400, s10;
	s1 =	simm.s32 $0xD400;
	[sflag:s29] =	ssyncadd.s32 $0xFFFFE000  }
0x87: {  	[hbm4b:s0+s2] =	stream.linear.scatter [tilespmem:s1], [sflag:$0xE], $0x2000, $0x38;
	[tilespmem:$0x13400] =	vst v63  }
0x88: {  	_ =	swait.ge [sflag:s31], $0x2000  }
0x89: {  	s0 =	rddreg [dreg:$0x3];
	[sflag:s31] =	ssyncset.done $0x0  }
0x8a: {  	[sflag:s31] =	ssyncadd.s32 $0xFFFFE000;
	s18 =	sadd.s32 s4, s0;
	s0 =	simm.s32 $0xF400  }
0x8b: {  	[hbm4b:s18+s2] =	stream.linear.scatter [tilespmem:s0], [sflag:$0xF], $0x2000, $0x38;
	[tilespmem:$0x13400] =	vst v63  }
0x8c: {  	_ =	swait.ge [sflag:s5], $0x2000  }
0x8d: {  	[sflag:s5] =	ssyncset.done $0x0  }
0x8e: {  	s10 =	sadd.s32 $0x1C00, s10;
	[sflag:s5] =	ssyncadd.s32 $0xFFFFE000  }
0x8f: {  	[hbm4b:s10+s2] =	stream.linear.scatter [tilespmem:s20], [sflag:$0x10], $0x2000, $0x38;
	[tilespmem:$0x13400] =	vst v63  }
0x90: {  	s15 =	smov.u32 s16;
	_ =	swait.ge [sflag:s6], $0x2000  }
0x91: {  	s10 =	sshra.s32 s15, $0x2;
	[sflag:s6] =	ssyncset.done $0x0  }
0x92: {  	s15 =	sadd.s32 $0x400, s10;
	[sflag:s6] =	ssyncadd.s32 $0xFFFFE000  }
0x93: {  	[tilespmem:s21], [sflag:$0x1] =	stream.indirect.gather [hbm4b:s3+s17], $0x40, s15, s17, $0xb8;
	[tilespmem:$0x13400] =	vst v63  }
0x94: {  	_ =	swait.ge [sflag:s7], $0x2000  }
0x95: {  	[sflag:s7] =	ssyncset.done $0x0  }
0x96: {  	s15 =	sadd.s32 $0x480, s10;
	[sflag:s7] =	ssyncadd.s32 $0xFFFFE000  }
0x97: {  	[tilespmem:s23], [sflag:$0x2] =	stream.indirect.gather [hbm4b:s3+s17], $0x40, s15, s17, $0xb8;
	[tilespmem:$0x13400] =	vst v63  }
0x98: {  	_ =	swait.ge [sflag:s8], $0x2000  }
0x99: {  	[sflag:s8] =	ssyncset.done $0x0  }
0x9a: {  	s15 =	sadd.s32 $0x500, s10;
	[sflag:s8] =	ssyncadd.s32 $0xFFFFE000  }
0x9b: {  	[tilespmem:s25], [sflag:$0x3] =	stream.indirect.gather [hbm4b:s3+s17], $0x40, s15, s17, $0xb8;
	[tilespmem:$0x13400] =	vst v63  }
0x9c: {  	_ =	swait.ge [sflag:s9], $0x2000  }
0x9d: {  	[sflag:s9] =	ssyncset.done $0x0  }
0x9e: {  	s15 =	sadd.s32 $0x580, s10;
	[sflag:s9] =	ssyncadd.s32 $0xFFFFE000  }
0x9f: {  	[tilespmem:s28], [sflag:$0x4] =	stream.indirect.gather [hbm4b:s3+s17], $0x40, s15, s17, $0xb8;
	[tilespmem:$0x13400] =	vst v63  }
0xa0: {  	_ =	swait.ge [sflag:s11], $0x2000  }
0xa1: {  	[sflag:s11] =	ssyncset.done $0x0  }
0xa2: {  	s15 =	sadd.s32 $0x600, s10;
	[sflag:s11] =	ssyncadd.s32 $0xFFFFE000  }
0xa3: {  	[tilespmem:s30], [sflag:$0x5] =	stream.indirect.gather [hbm4b:s3+s17], $0x40, s15, s17, $0xb8;
	[tilespmem:$0x13400] =	vst v63  }
0xa4: {  	_ =	swait.ge [sflag:s12], $0x2000  }
0xa5: {  	p0 =	sne.s32 s16, $0xB000;
	[sflag:s12] =	ssyncset.done $0x0  }
0xa6: {  	s16 =	sadd.s32 $0x1000, s16;
	s15 =	sadd.s32 $0x680, s10;
	[sflag:s12] =	ssyncadd.s32 $0xFFFFE000  }
0xa7: {  	[tilespmem:s1], [sflag:$0x6] =	stream.indirect.gather [hbm4b:s3+s17], $0x40, s15, s17, $0xb8;
	[tilespmem:$0x13400] =	vst v63  }
0xa8: {  	s4 =	sadd.s32 $0x2000, s4;
	s18 =	smov.u32 s19;
	_ =	swait.ge [sflag:s13], $0x2000  }
0xa9: {  	s19 =	simm.s32 $0x3400;
	s21 =	simm.s32 $0x5400;
	[sflag:s13] =	ssyncset.done $0x0  }
.Ltmp0:
0xaa: {  	s15 =	sadd.s32 $0x700, s10;
	[sflag:s13] =	ssyncadd.s32 $0xFFFFE000;
	(pc) =	sbr.rel @p0 .LBB2_2-.Ltmp0, $4  }
0xab: {  	[tilespmem:s0], [sflag:$0x7] =	stream.indirect.gather [hbm4b:s3+s17], $0x40, s15, s17, $0xb8;
	[tilespmem:$0x13400] =	vst v63  }
0xac: {  	s23 =	simm.s32 $0x7400;
	s25 =	simm.s32 $0x9400;
	_ =	swait.ge [sflag:s14], $0x2000  }
0xad: {  	s28 =	simm.s32 $0xB400;
	s30 =	simm.s32 $0xD400;
	[sflag:s14] =	ssyncset.done $0x0  }
0xae: {  	s1 =	simm.s32 $0xF400;
	s10 =	sadd.s32 $0x780, s10;
	[sflag:s14] =	ssyncadd.s32 $0xFFFFE000  }
0xaf: {  	s0 =	simm.s32 $0x11400;
	s4 =	simm.s32 $0x1  }
0xb0: {  	[tilespmem:s0], [sflag:$0x8] =	stream.indirect.gather [hbm4b:s3+s17], $0x40, s10, s17, $0xb8;
	[tilespmem:$0x13400] =	vst v63  }
0xb1: {  	_ =	swait.ge [sflag:s4], $0x2000  }
0xb2: {  	[sflag:s4] =	ssyncset.done $0x0  }
0xb3: {  	s16 =	rddreg [dreg:$0x9];
	[sflag:s4] =	ssyncadd.s32 $0xFFFFE000  }
0xb4: {  	[hbm4b:s16+s2] =	stream.linear.scatter [tilespmem:s19], [sflag:$0x9], $0x2000, $0x38;
	[tilespmem:$0x13400] =	vst v63  }
0xb5: {  	s19 =	simm.s32 $0x2  }
0xb6: {  	_ =	swait.ge [sflag:s19], $0x2000  }
0xb7: {  	[sflag:s19] =	ssyncset.done $0x0  }
0xb8: {  	s10 =	rddreg [dreg:$0xa];
	[sflag:s19] =	ssyncadd.s32 $0xFFFFE000  }
0xb9: {  	[hbm4b:s10+s2] =	stream.linear.scatter [tilespmem:s21], [sflag:$0xA], $0x2000, $0x38;
	[tilespmem:$0x13400] =	vst v63  }
0xba: {  	_ =	swait.ge [sflag:s22], $0x2000  }
0xbb: {  	[sflag:s22] =	ssyncset.done $0x0  }
0xbc: {  	s15 =	rddreg [dreg:$0xb];
	[sflag:s22] =	ssyncadd.s32 $0xFFFFE000  }
0xbd: {  	[hbm4b:s15+s2] =	stream.linear.scatter [tilespmem:s23], [sflag:$0xB], $0x2000, $0x38;
	[tilespmem:$0x13400] =	vst v63  }
0xbe: {  	_ =	swait.ge [sflag:s24], $0x2000  }
0xbf: {  	[sflag:s24] =	ssyncset.done $0x0  }
0xc0: {  	s16 =	rddreg [dreg:$0xc];
	[sflag:s24] =	ssyncadd.s32 $0xFFFFE000  }
0xc1: {  	[hbm4b:s16+s2] =	stream.linear.scatter [tilespmem:s25], [sflag:$0xC], $0x2000, $0x38;
	[tilespmem:$0x13400] =	vst v63  }
0xc2: {  	_ =	swait.ge [sflag:s26], $0x2000  }
0xc3: {  	[sflag:s26] =	ssyncset.done $0x0  }
0xc4: {  	s19 =	rddreg [dreg:$0xd];
	[sflag:s26] =	ssyncadd.s32 $0xFFFFE000  }
0xc5: {  	[hbm4b:s19+s2] =	stream.linear.scatter [tilespmem:s28], [sflag:$0xD], $0x2000, $0x38;
	[tilespmem:$0x13400] =	vst v63  }
0xc6: {  	_ =	swait.ge [sflag:s29], $0x2000  }
0xc7: {  	[sflag:s29] =	ssyncset.done $0x0  }
0xc8: {  	s21 =	rddreg [dreg:$0xe];
	[sflag:s29] =	ssyncadd.s32 $0xFFFFE000  }
0xc9: {  	[hbm4b:s21+s2] =	stream.linear.scatter [tilespmem:s30], [sflag:$0xE], $0x2000, $0x38;
	[tilespmem:$0x13400] =	vst v63  }
0xca: {  	_ =	swait.ge [sflag:s31], $0x2000  }
0xcb: {  	[sflag:s31] =	ssyncset.done $0x0  }
0xcc: {  	s23 =	rddreg [dreg:$0xf];
	[sflag:s31] =	ssyncadd.s32 $0xFFFFE000  }
0xcd: {  	[hbm4b:s23+s2] =	stream.linear.scatter [tilespmem:s1], [sflag:$0xF], $0x2000, $0x38;
	[tilespmem:$0x13400] =	vst v63  }
0xce: {  	_ =	swait.ge [sflag:s5], $0x2000  }
0xcf: {  	[sflag:s5] =	ssyncset.done $0x0  }
0xd0: {  	s25 =	rddreg [dreg:$0x10];
	[sflag:s5] =	ssyncadd.s32 $0xFFFFE000  }
0xd1: {  	[hbm4b:s25+s2] =	stream.linear.scatter [tilespmem:s0], [sflag:$0x10], $0x2000, $0x38;
	[tilespmem:$0x13400] =	vst v63  }
0xd2: {  	_ =	swait.ge [sflag:s6], $0x2000  }
0xd3: {  	[sflag:s6] =	ssyncset.done $0x0  }
0xd4: {  	[sflag:s6] =	ssyncadd.s32 $0xFFFFE000  }
0xd5: {  	_ =	swait.ge [sflag:s7], $0x2000  }
0xd6: {  	[sflag:s7] =	ssyncset.done $0x0  }
0xd7: {  	[sflag:s7] =	ssyncadd.s32 $0xFFFFE000  }
0xd8: {  	_ =	swait.ge [sflag:s8], $0x2000  }
0xd9: {  	[sflag:s8] =	ssyncset.done $0x0  }
0xda: {  	[sflag:s8] =	ssyncadd.s32 $0xFFFFE000  }
0xdb: {  	_ =	swait.ge [sflag:s9], $0x2000  }
0xdc: {  	[sflag:s9] =	ssyncset.done $0x0  }
0xdd: {  	[sflag:s9] =	ssyncadd.s32 $0xFFFFE000  }
0xde: {  	_ =	swait.ge [sflag:s11], $0x2000  }
0xdf: {  	[sflag:s11] =	ssyncset.done $0x0  }
0xe0: {  	[sflag:s11] =	ssyncadd.s32 $0xFFFFE000  }
0xe1: {  	_ =	swait.ge [sflag:s12], $0x2000  }
0xe2: {  	[sflag:s12] =	ssyncset.done $0x0  }
0xe3: {  	[sflag:s12] =	ssyncadd.s32 $0xFFFFE000  }
0xe4: {  	_ =	swait.ge [sflag:s13], $0x2000  }
0xe5: {  	[sflag:s13] =	ssyncset.done $0x0  }
0xe6: {  	[sflag:s13] =	ssyncadd.s32 $0xFFFFE000  }
0xe7: {  	_ =	swait.ge [sflag:s14], $0x2000  }
0xe8: {  	s28 =	rddreg [dreg:$0x12]  }
0xe9: {  	s30 =	rddreg [dreg:$0x11];
	s0 =	sadd.s32 $0x1, s28  }
0xea: {  	p0 =	sne.s32 s0, s30  }
.Ltmp1:
0xeb: {  	_ = 	snop;
	(pc) =	sbr.rel @p0 .LBB2_1-.Ltmp1, $3  }
0xec: {  	_ =	sdelay $0x1  }
0xed: {  	[sflag:s14] =	ssyncset.done $0x0  }
0xee: {  	[sflag:s14] =	ssyncadd.s32 $0xFFFFE000  }
0xef: {  	_ =	sfence.sel $0x180000  }
0xf0: {  	[bflag:$0x0] =	sbarrier.arrive $0xFFFF  }
0xf1: {  	_ =	strace $0x90000047  }
0xf2: {  	s0 =	stileid.u32;
	[bflag:$0x2] =	sbarrier.arrive $0xFFFF  }
0xf3: {  	p0 =	sne.s32 s0, $0x0;
	s0 =	rddreg [dreg:$0x2]  }
0xf4: {  	s0 =	sadd.s32 @!p0 $0x100000, s0  }
0xf5: {  	[sflag:s0] =	ssyncadd.tile.s32 @!p0 $0x1;
	_ =	shalt  }
.Lfunc_end2:
_tile_overlayer_lowered:
.L_overlay_start_2:
0xf6: {  	(tag) =	ssettag $0x2  }
0xf7: {  	s0 =	rddreg [dreg:$0x0];
	s2 =	stileid.u32  }
0xf8: {  	s1 =	rddreg [dreg:$0x1];
	p0 =	sne.s32 s2, $0x0  }
0xf9: {  	s3 =	rddreg [dreg:$0x2];
	[bflag:$0x3] =	sbarrier.arrive $0xFFFF;
	s2 =	simm.s32 @!p0 $0x1C11  }
0xfa: {  	[timem:s3], [sflag:s2] =	dma.local @!p0 [hbm:s0], s1  }
0xfb: {  	s0 =	simm.s32 @!p0 $0x11  }
0xfc: {  	_ =	swait.ge @!p0 [sflag:s0], s1  }
0xfd: {  	s1 =	ssub.s32 @!p0 $0x0, s1;
	[sflag:s0] =	ssyncset.done @!p0 $0x0  }
0xfe: {  	[sflag:s0] =	ssyncadd.s32 @!p0 s1  }
0xff: {  	[bflag:$0x3] =	sbarrier.arrive $0xFFFF  }
0x100: {  	_ =	shalt  }

</sc_bundles>
